<compile_context>
chip_gen: v7x
topology: tpu7x:2x2x1
jax: 0.10.2.dev20260603
libtpu: 0.0.44.dev20260713+nightly
codegen_flags: <defaults>
</compile_context>

<pallas_src>
import functools

import jax
import jax.numpy as jnp
from jax import lax
from jax.experimental import pallas as pl
from jax.experimental.pallas import tpu as pltpu
from jax.experimental.pallas import tpu_sc as plsc

N = 10000
E = 320000
D = 128
G = 128
C = 10

NC = 2
NS = 16
NW = NC * NS

CHUNK = 64
TPC = 160
CHUNKS_PAD = NW * TPC
E_PAD = CHUNKS_PAD * CHUNK
PH = 32
NPH = TPC // PH
RPT = 640
N_ACC = NS * RPT
NBLOCK = RPT // CHUNK

_sc_mesh = plsc.VectorSubcoreMesh(
    core_axis_name="c", subcore_axis_name="s", num_cores=NC, num_subcores=NS)


@functools.partial(
    pl.kernel,
    out_type=[
        jax.ShapeDtypeStruct((NC * N_ACC, D), jnp.float32),
        jax.ShapeDtypeStruct((NC * N_ACC, 16), jnp.float32),
    ],
    mesh=_sc_mesh,
    compiler_params=pltpu.CompilerParams(use_tc_tiling_on_sc=False),
    scratch_types=[
        pltpu.VMEM((PH, CHUNK), jnp.int32),
        pltpu.VMEM((PH, CHUNK), jnp.int32),
        pltpu.VMEM((CHUNK, D), jnp.float32),
        pltpu.VMEM((CHUNK, 16), jnp.float32),
        pltpu.VMEM_SHARED((N_ACC, D), jnp.float32),
        pltpu.VMEM_SHARED((N_ACC, 16), jnp.float32),
        pltpu.SemaphoreType.DMA,
    ],
)
def _sc_agg(src_hbm, dst_hbm, x_hbm, ones_hbm, z128_hbm, z16_hbm,
            agg_out, deg_out,
            idx_s, idx_d, rows_v, ones_v, agg_sh, deg_sh, sem):
    c = lax.axis_index("c")
    s = lax.axis_index("s")
    wid = c * NS + s
    start = wid * TPC

    pltpu.sync_copy(z128_hbm, rows_v)
    pltpu.sync_copy(z16_hbm, ones_v)
    for j in range(NBLOCK):
        zsl = pl.ds(s * RPT + j * CHUNK, CHUNK)
        pltpu.sync_copy(rows_v, agg_sh.at[zsl])
        pltpu.sync_copy(ones_v, deg_sh.at[zsl])
    pltpu.sync_copy(ones_hbm, ones_v)
    plsc.subcore_barrier()

    for p in range(NPH):
        pltpu.sync_copy(src_hbm.at[pl.ds(start + p * PH, PH)], idx_s)
        pltpu.sync_copy(dst_hbm.at[pl.ds(start + p * PH, PH)], idx_d)

        def body(t, carry):
            pltpu.async_copy(x_hbm.at[idx_s.at[t]], rows_v, sem).wait()
            pltpu.sync_copy(rows_v, agg_sh.at[idx_d.at[t]], add=True)
            pltpu.sync_copy(ones_v, deg_sh.at[idx_d.at[t]], add=True)
            return carry

        lax.fori_loop(0, PH, body, 0)
    plsc.subcore_barrier()

    for j in range(NBLOCK):
        roff = s * RPT + j * CHUNK
        pltpu.sync_copy(agg_sh.at[pl.ds(roff, CHUNK)], rows_v)
        pltpu.sync_copy(rows_v, agg_out.at[pl.ds(c * N_ACC + roff, CHUNK)])
        pltpu.sync_copy(deg_sh.at[pl.ds(roff, CHUNK)], ones_v)
        pltpu.sync_copy(ones_v, deg_out.at[pl.ds(c * N_ACC + roff, CHUNK)])


RB = 400
NBLK = N // RB


def _tc_post_body(agg_ref, deg_ref, batch_ref, w1_ref, b1_ref, w2_ref, b2_ref,
                  out_ref, pooled_ref):
    i = pl.program_id(0)

    agg = agg_ref[0] + agg_ref[1]
    deg = deg_ref[0, :, 0:1] + deg_ref[1, :, 0:1]
    xm = agg / jnp.maximum(deg, 1.0)
    h = jnp.dot(xm, w1_ref[...], preferred_element_type=jnp.float32)
    h = jnp.maximum(h + b1_ref[...], 0.0)

    b = batch_ref[0]
    gids = lax.broadcasted_iota(jnp.int32, (G, 1), 0)
    oh = (b == gids).astype(jnp.float32)

    @pl.when(i == 0)
    def _():
        pooled_ref[...] = jnp.zeros_like(pooled_ref)

    pooled_ref[...] += jnp.dot(oh, h, preferred_element_type=jnp.float32)

    @pl.when(i == NBLK - 1)
    def _():
        out_ref[...] = (
            jnp.dot(pooled_ref[...], w2_ref[...],
                    preferred_element_type=jnp.float32) + b2_ref[...])


_tc_post = pl.pallas_call(
    _tc_post_body,
    grid=(NBLK,),
    in_specs=[
        pl.BlockSpec((NC, RB, D), lambda i: (0, i, 0)),
        pl.BlockSpec((NC, RB, 16), lambda i: (0, i, 0)),
        pl.BlockSpec((1, 1, RB), lambda i: (i, 0, 0)),
        pl.BlockSpec((D, D), lambda i: (0, 0)),
        pl.BlockSpec((1, D), lambda i: (0, 0)),
        pl.BlockSpec((D, C), lambda i: (0, 0)),
        pl.BlockSpec((1, C), lambda i: (0, 0)),
    ],
    out_specs=pl.BlockSpec((G, C), lambda i: (0, 0)),
    out_shape=jax.ShapeDtypeStruct((G, C), jnp.float32),
    scratch_shapes=[pltpu.VMEM((G, D), jnp.float32)],
)


@jax.jit
def kernel(x, edge_index, batch, W1, b1, W2, b2):
    npad = E_PAD - E
    src2d = jnp.concatenate(
        [edge_index[0], jnp.zeros((npad,), jnp.int32)]).reshape(CHUNKS_PAD, CHUNK)
    dst2d = jnp.concatenate(
        [edge_index[1], jnp.full((npad,), N, jnp.int32)]).reshape(CHUNKS_PAD, CHUNK)
    ones = jnp.ones((CHUNK, 16), jnp.float32)
    z128 = jnp.zeros((CHUNK, D), jnp.float32)
    z16 = jnp.zeros((CHUNK, 16), jnp.float32)
    agg2, deg2 = _sc_agg(src2d, dst2d, x, ones, z128, z16)
    agg3 = agg2.reshape(NC, N_ACC, D)
    deg3 = deg2.reshape(NC, N_ACC, 16)
    batch3d = batch.reshape(NBLK, 1, RB)
    return _tc_post(agg3, deg3, batch3d, W1, b1.reshape(1, D),
                    W2, b2.reshape(1, C))

# --- scband reference (transcript-rebuilt; emitter-appended) ---
"""Pipeline reference for scband-gnn-87574383165970 (READ-ONLY COPY).

The authoritative reference and input builder live on the scoring server;
editing this copy changes nothing except your own understanding.
"""

import jax, jax.numpy as jnp
import numpy as np

N = 10000   # nodes
E = 320000  # edges
D = 128     # feature dim
G = 128     # graphs in batch
C = 10      # output classes


def setup_inputs(seed: int = 0) -> dict:
    key = jax.random.key(seed)
    k1, k2, k3, k4, k5 = jax.random.split(key, 5)
    x = jax.random.normal(k1, (N, D), dtype=jnp.float32)
    edge_index = jax.random.randint(k2, (2, E), 0, N, dtype=jnp.int32)
    batch = jnp.sort(jax.random.randint(k3, (N,), 0, G, dtype=jnp.int32))
    # g_unet surrogate: single GCN-style message-passing layer params
    W1 = jax.random.normal(k4, (D, D), dtype=jnp.float32) * 0.05
    b1 = jnp.zeros((D,), dtype=jnp.float32)
    # out MLP params
    W2 = jax.random.normal(k5, (D, C), dtype=jnp.float32) * 0.05
    b2 = jnp.zeros((C,), dtype=jnp.float32)
    return {"x": x, "edge_index": edge_index, "batch": batch,
            "W1": W1, "b1": b1, "W2": W2, "b2": b2}


def reference(x, edge_index, batch, W1, b1, W2, b2):
    # --- g_unet (message passing layer): mean-aggregate neighbor features ---
    src = edge_index[0]
    dst = edge_index[1]
    msgs = jnp.take(x, src, axis=0)                                  # gather  [E, D]
    agg = jax.ops.segment_sum(msgs, dst, num_segments=N)             # scatter-add [N, D]
    deg = jax.ops.segment_sum(jnp.ones((msgs.shape[0], 1), x.dtype), dst,
                              num_segments=N)                        # [N, 1]
    h = (agg / jnp.maximum(deg, 1.0)) @ W1 + b1
    h = jax.nn.relu(h)                                               # [N, D]
    # --- readout: global_add_pool over graph ids ---
    pooled = jax.ops.segment_sum(h, batch, num_segments=G)           # [G, D]
    # --- out MLP ---
    logits = pooled @ W2 + b2                                        # [G, C]
    return logits

if __name__ == "__main__":
    import jax
    _d = setup_inputs()
    print(jax.jit(kernel)(*tuple(_d.values())))

</pallas_src>

<mosaic_0001>
#map = affine_map<(d0, d1) -> (0, 0)>
module attributes {stable_mosaic.version = 14 : i64} {
  func.func @_sc_agg(%arg0: i32, %arg1: i32, %arg2: memref<5120x64xi32, #tpu.memory_space<hbm>>, %arg3: memref<5120x64xi32, #tpu.memory_space<hbm>>, %arg4: memref<10000x128xf32, #tpu.memory_space<hbm>>, %arg5: memref<64x16xf32, #tpu.memory_space<hbm>>, %arg6: memref<64x128xf32, #tpu.memory_space<hbm>>, %arg7: memref<64x16xf32, #tpu.memory_space<hbm>>, %arg8: memref<20480x128xf32, #tpu.memory_space<hbm>>, %arg9: memref<20480x16xf32, #tpu.memory_space<hbm>>, %arg10: memref<32x64xi32, #tpu.memory_space<vmem>>, %arg11: memref<32x64xi32, #tpu.memory_space<vmem>>, %arg12: memref<64x128xf32, #tpu.memory_space<vmem>>, %arg13: memref<64x16xf32, #tpu.memory_space<vmem>>, %arg14: memref<10240x128xf32, #tpu.memory_space<vmem_shared>>, %arg15: memref<10240x16xf32, #tpu.memory_space<vmem_shared>>, %arg16: memref<!tpu.dma_semaphore, #tpu.memory_space<semaphore_mem>>) attributes {dimension_semantics = [#tpu.dimension_semantics<core_parallel>, #tpu.dimension_semantics<subcore_parallel>], iteration_bounds = array<i64: 2, 16>, scalar_prefetch = 0 : i64, scratch_operands = 7 : i64, tpu.core_type = #tpu.core_type<sc_vector_subcore>, window_params = [{transform_indices = #map}, {transform_indices = #map}, {transform_indices = #map}, {transform_indices = #map}, {transform_indices = #map}, {transform_indices = #map}, {transform_indices = #map}, {transform_indices = #map}]} {
    %mul3A = arith.constant 16 : i32
    %mul3A_0 = arith.muli %arg0, %mul3A : i32
    %add3A = arith.addi %mul3A_0, %arg1 : i32
    %mul3A_1 = arith.constant 160 : i32
    %mul3A_2 = arith.muli %add3A, %mul3A_1 : i32
    "tpu.region"() ({
      %run_scoped3A = tpu.sem_alloc : memref<!tpu.dma_semaphore, #tpu.memory_space<semaphore_mem>>
      tpu.enqueue_dma source(%arg6 : memref<64x128xf32, #tpu.memory_space<hbm>>) target(%arg12 : memref<64x128xf32, #tpu.memory_space<vmem>>) target_semaphore(%run_scoped3A : memref<!tpu.dma_semaphore, #tpu.memory_space<semaphore_mem>>)
      tpu.wait_dma2 semaphore(%run_scoped3A : memref<!tpu.dma_semaphore, #tpu.memory_space<semaphore_mem>>) src(%arg6 : memref<64x128xf32, #tpu.memory_space<hbm>>) dst(%arg12 : memref<64x128xf32, #tpu.memory_space<vmem>>)
      tpu.yield
    }) : () -> ()
    "tpu.region"() ({
      %run_scoped3A = tpu.sem_alloc : memref<!tpu.dma_semaphore, #tpu.memory_space<semaphore_mem>>
      tpu.enqueue_dma source(%arg7 : memref<64x16xf32, #tpu.memory_space<hbm>>) target(%arg13 : memref<64x16xf32, #tpu.memory_space<vmem>>) target_semaphore(%run_scoped3A : memref<!tpu.dma_semaphore, #tpu.memory_space<semaphore_mem>>)
      tpu.wait_dma2 semaphore(%run_scoped3A : memref<!tpu.dma_semaphore, #tpu.memory_space<semaphore_mem>>) src(%arg7 : memref<64x16xf32, #tpu.memory_space<hbm>>) dst(%arg13 : memref<64x16xf32, #tpu.memory_space<vmem>>)
      tpu.yield
    }) : () -> ()
    %mul3A_3 = arith.constant 640 : i32
    %mul3A_4 = arith.muli %arg1, %mul3A_3 : i32
    %add3A_5 = arith.constant 0 : i32
    %add3A_6 = arith.addi %mul3A_4, %add3A_5 : i32
    "tpu.region"() ({
      %run_scoped3A = tpu.sem_alloc : memref<!tpu.dma_semaphore, #tpu.memory_space<semaphore_mem>>
      %dma_start3A = arith.constant 0 : i32
      %dma_start3A_193 = tpu.memref_slice %arg14[%add3A_6, %dma_start3A] : memref<10240x128xf32, #tpu.memory_space<vmem_shared>> -> memref<64x128xf32, #tpu.memory_space<vmem_shared>>
      %dma_start3A_194 = arith.constant 0 : i32
      %dma_start3A_195 = tpu.memref_slice %arg14[%add3A_6, %dma_start3A_194] : memref<10240x128xf32, #tpu.memory_space<vmem_shared>> -> memref<64x128xf32, #tpu.memory_space<vmem_shared>>
      tpu.enqueue_dma source(%arg12 : memref<64x128xf32, #tpu.memory_space<vmem>>) target(%dma_start3A_195 : memref<64x128xf32, #tpu.memory_space<vmem_shared>>) target_semaphore(%run_scoped3A : memref<!tpu.dma_semaphore, #tpu.memory_space<semaphore_mem>>)
      %dma_wait3A = arith.constant 0 : i32
      %dma_wait3A_196 = tpu.memref_slice %arg14[%add3A_6, %dma_wait3A] : memref<10240x128xf32, #tpu.memory_space<vmem_shared>> -> memref<64x128xf32, #tpu.memory_space<vmem_shared>>
      %dma_wait3A_197 = arith.constant 0 : i32
      %dma_wait3A_198 = tpu.memref_slice %arg14[%add3A_6, %dma_wait3A_197] : memref<10240x128xf32, #tpu.memory_space<vmem_shared>> -> memref<64x128xf32, #tpu.memory_space<vmem_shared>>
      tpu.wait_dma2 semaphore(%run_scoped3A : memref<!tpu.dma_semaphore, #tpu.memory_space<semaphore_mem>>) src(%arg12 : memref<64x128xf32, #tpu.memory_space<vmem>>) dst(%dma_wait3A_198 : memref<64x128xf32, #tpu.memory_space<vmem_shared>>)
      tpu.yield
    }) : () -> ()
    "tpu.region"() ({
      %run_scoped3A = tpu.sem_alloc : memref<!tpu.dma_semaphore, #tpu.memory_space<semaphore_mem>>
      %dma_start3A = arith.constant 0 : i32
      %dma_start3A_193 = tpu.memref_slice %arg15[%add3A_6, %dma_start3A] : memref<10240x16xf32, #tpu.memory_space<vmem_shared>> -> memref<64x16xf32, #tpu.memory_space<vmem_shared>>
      %dma_start3A_194 = arith.constant 0 : i32
      %dma_start3A_195 = tpu.memref_slice %arg15[%add3A_6, %dma_start3A_194] : memref<10240x16xf32, #tpu.memory_space<vmem_shared>> -> memref<64x16xf32, #tpu.memory_space<vmem_shared>>
      tpu.enqueue_dma source(%arg13 : memref<64x16xf32, #tpu.memory_space<vmem>>) target(%dma_start3A_195 : memref<64x16xf32, #tpu.memory_space<vmem_shared>>) target_semaphore(%run_scoped3A : memref<!tpu.dma_semaphore, #tpu.memory_space<semaphore_mem>>)
      %dma_wait3A = arith.constant 0 : i32
      %dma_wait3A_196 = tpu.memref_slice %arg15[%add3A_6, %dma_wait3A] : memref<10240x16xf32, #tpu.memory_space<vmem_shared>> -> memref<64x16xf32, #tpu.memory_space<vmem_shared>>
      %dma_wait3A_197 = arith.constant 0 : i32
      %dma_wait3A_198 = tpu.memref_slice %arg15[%add3A_6, %dma_wait3A_197] : memref<10240x16xf32, #tpu.memory_space<vmem_shared>> -> memref<64x16xf32, #tpu.memory_space<vmem_shared>>
      tpu.wait_dma2 semaphore(%run_scoped3A : memref<!tpu.dma_semaphore, #tpu.memory_space<semaphore_mem>>) src(%arg13 : memref<64x16xf32, #tpu.memory_space<vmem>>) dst(%dma_wait3A_198 : memref<64x16xf32, #tpu.memory_space<vmem_shared>>)
      tpu.yield
    }) : () -> ()
    %mul3A_7 = arith.constant 640 : i32
    %mul3A_8 = arith.muli %arg1, %mul3A_7 : i32
    %add3A_9 = arith.constant 64 : i32
    %add3A_10 = arith.addi %mul3A_8, %add3A_9 : i32
    "tpu.region"() ({
      %run_scoped3A = tpu.sem_alloc : memref<!tpu.dma_semaphore, #tpu.memory_space<semaphore_mem>>
      %dma_start3A = arith.constant 0 : i32
      %dma_start3A_193 = tpu.memref_slice %arg14[%add3A_10, %dma_start3A] : memref<10240x128xf32, #tpu.memory_space<vmem_shared>> -> memref<64x128xf32, #tpu.memory_space<vmem_shared>>
      %dma_start3A_194 = arith.constant 0 : i32
      %dma_start3A_195 = tpu.memref_slice %arg14[%add3A_10, %dma_start3A_194] : memref<10240x128xf32, #tpu.memory_space<vmem_shared>> -> memref<64x128xf32, #tpu.memory_space<vmem_shared>>
      tpu.enqueue_dma source(%arg12 : memref<64x128xf32, #tpu.memory_space<vmem>>) target(%dma_start3A_195 : memref<64x128xf32, #tpu.memory_space<vmem_shared>>) target_semaphore(%run_scoped3A : memref<!tpu.dma_semaphore, #tpu.memory_space<semaphore_mem>>)
      %dma_wait3A = arith.constant 0 : i32
      %dma_wait3A_196 = tpu.memref_slice %arg14[%add3A_10, %dma_wait3A] : memref<10240x128xf32, #tpu.memory_space<vmem_shared>> -> memref<64x128xf32, #tpu.memory_space<vmem_shared>>
      %dma_wait3A_197 = arith.constant 0 : i32
      %dma_wait3A_198 = tpu.memref_slice %arg14[%add3A_10, %dma_wait3A_197] : memref<10240x128xf32, #tpu.memory_space<vmem_shared>> -> memref<64x128xf32, #tpu.memory_space<vmem_shared>>
      tpu.wait_dma2 semaphore(%run_scoped3A : memref<!tpu.dma_semaphore, #tpu.memory_space<semaphore_mem>>) src(%arg12 : memref<64x128xf32, #tpu.memory_space<vmem>>) dst(%dma_wait3A_198 : memref<64x128xf32, #tpu.memory_space<vmem_shared>>)
      tpu.yield
    }) : () -> ()
    "tpu.region"() ({
      %run_scoped3A = tpu.sem_alloc : memref<!tpu.dma_semaphore, #tpu.memory_space<semaphore_mem>>
      %dma_start3A = arith.constant 0 : i32
      %dma_start3A_193 = tpu.memref_slice %arg15[%add3A_10, %dma_start3A] : memref<10240x16xf32, #tpu.memory_space<vmem_shared>> -> memref<64x16xf32, #tpu.memory_space<vmem_shared>>
      %dma_start3A_194 = arith.constant 0 : i32
      %dma_start3A_195 = tpu.memref_slice %arg15[%add3A_10, %dma_start3A_194] : memref<10240x16xf32, #tpu.memory_space<vmem_shared>> -> memref<64x16xf32, #tpu.memory_space<vmem_shared>>
      tpu.enqueue_dma source(%arg13 : memref<64x16xf32, #tpu.memory_space<vmem>>) target(%dma_start3A_195 : memref<64x16xf32, #tpu.memory_space<vmem_shared>>) target_semaphore(%run_scoped3A : memref<!tpu.dma_semaphore, #tpu.memory_space<semaphore_mem>>)
      %dma_wait3A = arith.constant 0 : i32
      %dma_wait3A_196 = tpu.memref_slice %arg15[%add3A_10, %dma_wait3A] : memref<10240x16xf32, #tpu.memory_space<vmem_shared>> -> memref<64x16xf32, #tpu.memory_space<vmem_shared>>
      %dma_wait3A_197 = arith.constant 0 : i32
      %dma_wait3A_198 = tpu.memref_slice %arg15[%add3A_10, %dma_wait3A_197] : memref<10240x16xf32, #tpu.memory_space<vmem_shared>> -> memref<64x16xf32, #tpu.memory_space<vmem_shared>>
      tpu.wait_dma2 semaphore(%run_scoped3A : memref<!tpu.dma_semaphore, #tpu.memory_space<semaphore_mem>>) src(%arg13 : memref<64x16xf32, #tpu.memory_space<vmem>>) dst(%dma_wait3A_198 : memref<64x16xf32, #tpu.memory_space<vmem_shared>>)
      tpu.yield
    }) : () -> ()
    %mul3A_11 = arith.constant 640 : i32
    %mul3A_12 = arith.muli %arg1, %mul3A_11 : i32
    %add3A_13 = arith.constant 128 : i32
    %add3A_14 = arith.addi %mul3A_12, %add3A_13 : i32
    "tpu.region"() ({
      %run_scoped3A = tpu.sem_alloc : memref<!tpu.dma_semaphore, #tpu.memory_space<semaphore_mem>>
      %dma_start3A = arith.constant 0 : i32
      %dma_start3A_193 = tpu.memref_slice %arg14[%add3A_14, %dma_start3A] : memref<10240x128xf32, #tpu.memory_space<vmem_shared>> -> memref<64x128xf32, #tpu.memory_space<vmem_shared>>
      %dma_start3A_194 = arith.constant 0 : i32
      %dma_start3A_195 = tpu.memref_slice %arg14[%add3A_14, %dma_start3A_194] : memref<10240x128xf32, #tpu.memory_space<vmem_shared>> -> memref<64x128xf32, #tpu.memory_space<vmem_shared>>
      tpu.enqueue_dma source(%arg12 : memref<64x128xf32, #tpu.memory_space<vmem>>) target(%dma_start3A_195 : memref<64x128xf32, #tpu.memory_space<vmem_shared>>) target_semaphore(%run_scoped3A : memref<!tpu.dma_semaphore, #tpu.memory_space<semaphore_mem>>)
      %dma_wait3A = arith.constant 0 : i32
      %dma_wait3A_196 = tpu.memref_slice %arg14[%add3A_14, %dma_wait3A] : memref<10240x128xf32, #tpu.memory_space<vmem_shared>> -> memref<64x128xf32, #tpu.memory_space<vmem_shared>>
      %dma_wait3A_197 = arith.constant 0 : i32
      %dma_wait3A_198 = tpu.memref_slice %arg14[%add3A_14, %dma_wait3A_197] : memref<10240x128xf32, #tpu.memory_space<vmem_shared>> -> memref<64x128xf32, #tpu.memory_space<vmem_shared>>
      tpu.wait_dma2 semaphore(%run_scoped3A : memref<!tpu.dma_semaphore, #tpu.memory_space<semaphore_mem>>) src(%arg12 : memref<64x128xf32, #tpu.memory_space<vmem>>) dst(%dma_wait3A_198 : memref<64x128xf32, #tpu.memory_space<vmem_shared>>)
      tpu.yield
    }) : () -> ()
    "tpu.region"() ({
      %run_scoped3A = tpu.sem_alloc : memref<!tpu.dma_semaphore, #tpu.memory_space<semaphore_mem>>
      %dma_start3A = arith.constant 0 : i32
      %dma_start3A_193 = tpu.memref_slice %arg15[%add3A_14, %dma_start3A] : memref<10240x16xf32, #tpu.memory_space<vmem_shared>> -> memref<64x16xf32, #tpu.memory_space<vmem_shared>>
      %dma_start3A_194 = arith.constant 0 : i32
      %dma_start3A_195 = tpu.memref_slice %arg15[%add3A_14, %dma_start3A_194] : memref<10240x16xf32, #tpu.memory_space<vmem_shared>> -> memref<64x16xf32, #tpu.memory_space<vmem_shared>>
      tpu.enqueue_dma source(%arg13 : memref<64x16xf32, #tpu.memory_space<vmem>>) target(%dma_start3A_195 : memref<64x16xf32, #tpu.memory_space<vmem_shared>>) target_semaphore(%run_scoped3A : memref<!tpu.dma_semaphore, #tpu.memory_space<semaphore_mem>>)
      %dma_wait3A = arith.constant 0 : i32
      %dma_wait3A_196 = tpu.memref_slice %arg15[%add3A_14, %dma_wait3A] : memref<10240x16xf32, #tpu.memory_space<vmem_shared>> -> memref<64x16xf32, #tpu.memory_space<vmem_shared>>
      %dma_wait3A_197 = arith.constant 0 : i32
      %dma_wait3A_198 = tpu.memref_slice %arg15[%add3A_14, %dma_wait3A_197] : memref<10240x16xf32, #tpu.memory_space<vmem_shared>> -> memref<64x16xf32, #tpu.memory_space<vmem_shared>>
      tpu.wait_dma2 semaphore(%run_scoped3A : memref<!tpu.dma_semaphore, #tpu.memory_space<semaphore_mem>>) src(%arg13 : memref<64x16xf32, #tpu.memory_space<vmem>>) dst(%dma_wait3A_198 : memref<64x16xf32, #tpu.memory_space<vmem_shared>>)
      tpu.yield
    }) : () -> ()
    %mul3A_15 = arith.constant 640 : i32
    %mul3A_16 = arith.muli %arg1, %mul3A_15 : i32
    %add3A_17 = arith.constant 192 : i32
    %add3A_18 = arith.addi %mul3A_16, %add3A_17 : i32
    "tpu.region"() ({
      %run_scoped3A = tpu.sem_alloc : memref<!tpu.dma_semaphore, #tpu.memory_space<semaphore_mem>>
      %dma_start3A = arith.constant 0 : i32
      %dma_start3A_193 = tpu.memref_slice %arg14[%add3A_18, %dma_start3A] : memref<10240x128xf32, #tpu.memory_space<vmem_shared>> -> memref<64x128xf32, #tpu.memory_space<vmem_shared>>
      %dma_start3A_194 = arith.constant 0 : i32
      %dma_start3A_195 = tpu.memref_slice %arg14[%add3A_18, %dma_start3A_194] : memref<10240x128xf32, #tpu.memory_space<vmem_shared>> -> memref<64x128xf32, #tpu.memory_space<vmem_shared>>
      tpu.enqueue_dma source(%arg12 : memref<64x128xf32, #tpu.memory_space<vmem>>) target(%dma_start3A_195 : memref<64x128xf32, #tpu.memory_space<vmem_shared>>) target_semaphore(%run_scoped3A : memref<!tpu.dma_semaphore, #tpu.memory_space<semaphore_mem>>)
      %dma_wait3A = arith.constant 0 : i32
      %dma_wait3A_196 = tpu.memref_slice %arg14[%add3A_18, %dma_wait3A] : memref<10240x128xf32, #tpu.memory_space<vmem_shared>> -> memref<64x128xf32, #tpu.memory_space<vmem_shared>>
      %dma_wait3A_197 = arith.constant 0 : i32
      %dma_wait3A_198 = tpu.memref_slice %arg14[%add3A_18, %dma_wait3A_197] : memref<10240x128xf32, #tpu.memory_space<vmem_shared>> -> memref<64x128xf32, #tpu.memory_space<vmem_shared>>
      tpu.wait_dma2 semaphore(%run_scoped3A : memref<!tpu.dma_semaphore, #tpu.memory_space<semaphore_mem>>) src(%arg12 : memref<64x128xf32, #tpu.memory_space<vmem>>) dst(%dma_wait3A_198 : memref<64x128xf32, #tpu.memory_space<vmem_shared>>)
      tpu.yield
    }) : () -> ()
    "tpu.region"() ({
      %run_scoped3A = tpu.sem_alloc : memref<!tpu.dma_semaphore, #tpu.memory_space<semaphore_mem>>
      %dma_start3A = arith.constant 0 : i32
      %dma_start3A_193 = tpu.memref_slice %arg15[%add3A_18, %dma_start3A] : memref<10240x16xf32, #tpu.memory_space<vmem_shared>> -> memref<64x16xf32, #tpu.memory_space<vmem_shared>>
      %dma_start3A_194 = arith.constant 0 : i32
      %dma_start3A_195 = tpu.memref_slice %arg15[%add3A_18, %dma_start3A_194] : memref<10240x16xf32, #tpu.memory_space<vmem_shared>> -> memref<64x16xf32, #tpu.memory_space<vmem_shared>>
      tpu.enqueue_dma source(%arg13 : memref<64x16xf32, #tpu.memory_space<vmem>>) target(%dma_start3A_195 : memref<64x16xf32, #tpu.memory_space<vmem_shared>>) target_semaphore(%run_scoped3A : memref<!tpu.dma_semaphore, #tpu.memory_space<semaphore_mem>>)
      %dma_wait3A = arith.constant 0 : i32
      %dma_wait3A_196 = tpu.memref_slice %arg15[%add3A_18, %dma_wait3A] : memref<10240x16xf32, #tpu.memory_space<vmem_shared>> -> memref<64x16xf32, #tpu.memory_space<vmem_shared>>
      %dma_wait3A_197 = arith.constant 0 : i32
      %dma_wait3A_198 = tpu.memref_slice %arg15[%add3A_18, %dma_wait3A_197] : memref<10240x16xf32, #tpu.memory_space<vmem_shared>> -> memref<64x16xf32, #tpu.memory_space<vmem_shared>>
      tpu.wait_dma2 semaphore(%run_scoped3A : memref<!tpu.dma_semaphore, #tpu.memory_space<semaphore_mem>>) src(%arg13 : memref<64x16xf32, #tpu.memory_space<vmem>>) dst(%dma_wait3A_198 : memref<64x16xf32, #tpu.memory_space<vmem_shared>>)
      tpu.yield
    }) : () -> ()
    %mul3A_19 = arith.constant 640 : i32
    %mul3A_20 = arith.muli %arg1, %mul3A_19 : i32
    %add3A_21 = arith.constant 256 : i32
    %add3A_22 = arith.addi %mul3A_20, %add3A_21 : i32
    "tpu.region"() ({
      %run_scoped3A = tpu.sem_alloc : memref<!tpu.dma_semaphore, #tpu.memory_space<semaphore_mem>>
      %dma_start3A = arith.constant 0 : i32
      %dma_start3A_193 = tpu.memref_slice %arg14[%add3A_22, %dma_start3A] : memref<10240x128xf32, #tpu.memory_space<vmem_shared>> -> memref<64x128xf32, #tpu.memory_space<vmem_shared>>
      %dma_start3A_194 = arith.constant 0 : i32
      %dma_start3A_195 = tpu.memref_slice %arg14[%add3A_22, %dma_start3A_194] : memref<10240x128xf32, #tpu.memory_space<vmem_shared>> -> memref<64x128xf32, #tpu.memory_space<vmem_shared>>
      tpu.enqueue_dma source(%arg12 : memref<64x128xf32, #tpu.memory_space<vmem>>) target(%dma_start3A_195 : memref<64x128xf32, #tpu.memory_space<vmem_shared>>) target_semaphore(%run_scoped3A : memref<!tpu.dma_semaphore, #tpu.memory_space<semaphore_mem>>)
      %dma_wait3A = arith.constant 0 : i32
      %dma_wait3A_196 = tpu.memref_slice %arg14[%add3A_22, %dma_wait3A] : memref<10240x128xf32, #tpu.memory_space<vmem_shared>> -> memref<64x128xf32, #tpu.memory_space<vmem_shared>>
      %dma_wait3A_197 = arith.constant 0 : i32
      %dma_wait3A_198 = tpu.memref_slice %arg14[%add3A_22, %dma_wait3A_197] : memref<10240x128xf32, #tpu.memory_space<vmem_shared>> -> memref<64x128xf32, #tpu.memory_space<vmem_shared>>
      tpu.wait_dma2 semaphore(%run_scoped3A : memref<!tpu.dma_semaphore, #tpu.memory_space<semaphore_mem>>) src(%arg12 : memref<64x128xf32, #tpu.memory_space<vmem>>) dst(%dma_wait3A_198 : memref<64x128xf32, #tpu.memory_space<vmem_shared>>)
      tpu.yield
    }) : () -> ()
    "tpu.region"() ({
      %run_scoped3A = tpu.sem_alloc : memref<!tpu.dma_semaphore, #tpu.memory_space<semaphore_mem>>
      %dma_start3A = arith.constant 0 : i32
      %dma_start3A_193 = tpu.memref_slice %arg15[%add3A_22, %dma_start3A] : memref<10240x16xf32, #tpu.memory_space<vmem_shared>> -> memref<64x16xf32, #tpu.memory_space<vmem_shared>>
      %dma_start3A_194 = arith.constant 0 : i32
      %dma_start3A_195 = tpu.memref_slice %arg15[%add3A_22, %dma_start3A_194] : memref<10240x16xf32, #tpu.memory_space<vmem_shared>> -> memref<64x16xf32, #tpu.memory_space<vmem_shared>>
      tpu.enqueue_dma source(%arg13 : memref<64x16xf32, #tpu.memory_space<vmem>>) target(%dma_start3A_195 : memref<64x16xf32, #tpu.memory_space<vmem_shared>>) target_semaphore(%run_scoped3A : memref<!tpu.dma_semaphore, #tpu.memory_space<semaphore_mem>>)
      %dma_wait3A = arith.constant 0 : i32
      %dma_wait3A_196 = tpu.memref_slice %arg15[%add3A_22, %dma_wait3A] : memref<10240x16xf32, #tpu.memory_space<vmem_shared>> -> memref<64x16xf32, #tpu.memory_space<vmem_shared>>
      %dma_wait3A_197 = arith.constant 0 : i32
      %dma_wait3A_198 = tpu.memref_slice %arg15[%add3A_22, %dma_wait3A_197] : memref<10240x16xf32, #tpu.memory_space<vmem_shared>> -> memref<64x16xf32, #tpu.memory_space<vmem_shared>>
      tpu.wait_dma2 semaphore(%run_scoped3A : memref<!tpu.dma_semaphore, #tpu.memory_space<semaphore_mem>>) src(%arg13 : memref<64x16xf32, #tpu.memory_space<vmem>>) dst(%dma_wait3A_198 : memref<64x16xf32, #tpu.memory_space<vmem_shared>>)
      tpu.yield
    }) : () -> ()
    %mul3A_23 = arith.constant 640 : i32
    %mul3A_24 = arith.muli %arg1, %mul3A_23 : i32
    %add3A_25 = arith.constant 320 : i32
    %add3A_26 = arith.addi %mul3A_24, %add3A_25 : i32
    "tpu.region"() ({
      %run_scoped3A = tpu.sem_alloc : memref<!tpu.dma_semaphore, #tpu.memory_space<semaphore_mem>>
      %dma_start3A = arith.constant 0 : i32
      %dma_start3A_193 = tpu.memref_slice %arg14[%add3A_26, %dma_start3A] : memref<10240x128xf32, #tpu.memory_space<vmem_shared>> -> memref<64x128xf32, #tpu.memory_space<vmem_shared>>
      %dma_start3A_194 = arith.constant 0 : i32
      %dma_start3A_195 = tpu.memref_slice %arg14[%add3A_26, %dma_start3A_194] : memref<10240x128xf32, #tpu.memory_space<vmem_shared>> -> memref<64x128xf32, #tpu.memory_space<vmem_shared>>
      tpu.enqueue_dma source(%arg12 : memref<64x128xf32, #tpu.memory_space<vmem>>) target(%dma_start3A_195 : memref<64x128xf32, #tpu.memory_space<vmem_shared>>) target_semaphore(%run_scoped3A : memref<!tpu.dma_semaphore, #tpu.memory_space<semaphore_mem>>)
      %dma_wait3A = arith.constant 0 : i32
      %dma_wait3A_196 = tpu.memref_slice %arg14[%add3A_26, %dma_wait3A] : memref<10240x128xf32, #tpu.memory_space<vmem_shared>> -> memref<64x128xf32, #tpu.memory_space<vmem_shared>>
      %dma_wait3A_197 = arith.constant 0 : i32
      %dma_wait3A_198 = tpu.memref_slice %arg14[%add3A_26, %dma_wait3A_197] : memref<10240x128xf32, #tpu.memory_space<vmem_shared>> -> memref<64x128xf32, #tpu.memory_space<vmem_shared>>
      tpu.wait_dma2 semaphore(%run_scoped3A : memref<!tpu.dma_semaphore, #tpu.memory_space<semaphore_mem>>) src(%arg12 : memref<64x128xf32, #tpu.memory_space<vmem>>) dst(%dma_wait3A_198 : memref<64x128xf32, #tpu.memory_space<vmem_shared>>)
      tpu.yield
    }) : () -> ()
    "tpu.region"() ({
      %run_scoped3A = tpu.sem_alloc : memref<!tpu.dma_semaphore, #tpu.memory_space<semaphore_mem>>
      %dma_start3A = arith.constant 0 : i32
      %dma_start3A_193 = tpu.memref_slice %arg15[%add3A_26, %dma_start3A] : memref<10240x16xf32, #tpu.memory_space<vmem_shared>> -> memref<64x16xf32, #tpu.memory_space<vmem_shared>>
      %dma_start3A_194 = arith.constant 0 : i32
      %dma_start3A_195 = tpu.memref_slice %arg15[%add3A_26, %dma_start3A_194] : memref<10240x16xf32, #tpu.memory_space<vmem_shared>> -> memref<64x16xf32, #tpu.memory_space<vmem_shared>>
      tpu.enqueue_dma source(%arg13 : memref<64x16xf32, #tpu.memory_space<vmem>>) target(%dma_start3A_195 : memref<64x16xf32, #tpu.memory_space<vmem_shared>>) target_semaphore(%run_scoped3A : memref<!tpu.dma_semaphore, #tpu.memory_space<semaphore_mem>>)
      %dma_wait3A = arith.constant 0 : i32
      %dma_wait3A_196 = tpu.memref_slice %arg15[%add3A_26, %dma_wait3A] : memref<10240x16xf32, #tpu.memory_space<vmem_shared>> -> memref<64x16xf32, #tpu.memory_space<vmem_shared>>
      %dma_wait3A_197 = arith.constant 0 : i32
      %dma_wait3A_198 = tpu.memref_slice %arg15[%add3A_26, %dma_wait3A_197] : memref<10240x16xf32, #tpu.memory_space<vmem_shared>> -> memref<64x16xf32, #tpu.memory_space<vmem_shared>>
      tpu.wait_dma2 semaphore(%run_scoped3A : memref<!tpu.dma_semaphore, #tpu.memory_space<semaphore_mem>>) src(%arg13 : memref<64x16xf32, #tpu.memory_space<vmem>>) dst(%dma_wait3A_198 : memref<64x16xf32, #tpu.memory_space<vmem_shared>>)
      tpu.yield
    }) : () -> ()
    %mul3A_27 = arith.constant 640 : i32
    %mul3A_28 = arith.muli %arg1, %mul3A_27 : i32
    %add3A_29 = arith.constant 384 : i32
    %add3A_30 = arith.addi %mul3A_28, %add3A_29 : i32
    "tpu.region"() ({
      %run_scoped3A = tpu.sem_alloc : memref<!tpu.dma_semaphore, #tpu.memory_space<semaphore_mem>>
      %dma_start3A = arith.constant 0 : i32
      %dma_start3A_193 = tpu.memref_slice %arg14[%add3A_30, %dma_start3A] : memref<10240x128xf32, #tpu.memory_space<vmem_shared>> -> memref<64x128xf32, #tpu.memory_space<vmem_shared>>
      %dma_start3A_194 = arith.constant 0 : i32
      %dma_start3A_195 = tpu.memref_slice %arg14[%add3A_30, %dma_start3A_194] : memref<10240x128xf32, #tpu.memory_space<vmem_shared>> -> memref<64x128xf32, #tpu.memory_space<vmem_shared>>
      tpu.enqueue_dma source(%arg12 : memref<64x128xf32, #tpu.memory_space<vmem>>) target(%dma_start3A_195 : memref<64x128xf32, #tpu.memory_space<vmem_shared>>) target_semaphore(%run_scoped3A : memref<!tpu.dma_semaphore, #tpu.memory_space<semaphore_mem>>)
      %dma_wait3A = arith.constant 0 : i32
      %dma_wait3A_196 = tpu.memref_slice %arg14[%add3A_30, %dma_wait3A] : memref<10240x128xf32, #tpu.memory_space<vmem_shared>> -> memref<64x128xf32, #tpu.memory_space<vmem_shared>>
      %dma_wait3A_197 = arith.constant 0 : i32
      %dma_wait3A_198 = tpu.memref_slice %arg14[%add3A_30, %dma_wait3A_197] : memref<10240x128xf32, #tpu.memory_space<vmem_shared>> -> memref<64x128xf32, #tpu.memory_space<vmem_shared>>
      tpu.wait_dma2 semaphore(%run_scoped3A : memref<!tpu.dma_semaphore, #tpu.memory_space<semaphore_mem>>) src(%arg12 : memref<64x128xf32, #tpu.memory_space<vmem>>) dst(%dma_wait3A_198 : memref<64x128xf32, #tpu.memory_space<vmem_shared>>)
      tpu.yield
    }) : () -> ()
    "tpu.region"() ({
      %run_scoped3A = tpu.sem_alloc : memref<!tpu.dma_semaphore, #tpu.memory_space<semaphore_mem>>
      %dma_start3A = arith.constant 0 : i32
      %dma_start3A_193 = tpu.memref_slice %arg15[%add3A_30, %dma_start3A] : memref<10240x16xf32, #tpu.memory_space<vmem_shared>> -> memref<64x16xf32, #tpu.memory_space<vmem_shared>>
      %dma_start3A_194 = arith.constant 0 : i32
      %dma_start3A_195 = tpu.memref_slice %arg15[%add3A_30, %dma_start3A_194] : memref<10240x16xf32, #tpu.memory_space<vmem_shared>> -> memref<64x16xf32, #tpu.memory_space<vmem_shared>>
      tpu.enqueue_dma source(%arg13 : memref<64x16xf32, #tpu.memory_space<vmem>>) target(%dma_start3A_195 : memref<64x16xf32, #tpu.memory_space<vmem_shared>>) target_semaphore(%run_scoped3A : memref<!tpu.dma_semaphore, #tpu.memory_space<semaphore_mem>>)
      %dma_wait3A = arith.constant 0 : i32
      %dma_wait3A_196 = tpu.memref_slice %arg15[%add3A_30, %dma_wait3A] : memref<10240x16xf32, #tpu.memory_space<vmem_shared>> -> memref<64x16xf32, #tpu.memory_space<vmem_shared>>
      %dma_wait3A_197 = arith.constant 0 : i32
      %dma_wait3A_198 = tpu.memref_slice %arg15[%add3A_30, %dma_wait3A_197] : memref<10240x16xf32, #tpu.memory_space<vmem_shared>> -> memref<64x16xf32, #tpu.memory_space<vmem_shared>>
      tpu.wait_dma2 semaphore(%run_scoped3A : memref<!tpu.dma_semaphore, #tpu.memory_space<semaphore_mem>>) src(%arg13 : memref<64x16xf32, #tpu.memory_space<vmem>>) dst(%dma_wait3A_198 : memref<64x16xf32, #tpu.memory_space<vmem_shared>>)
      tpu.yield
    }) : () -> ()
    %mul3A_31 = arith.constant 640 : i32
    %mul3A_32 = arith.muli %arg1, %mul3A_31 : i32
    %add3A_33 = arith.constant 448 : i32
    %add3A_34 = arith.addi %mul3A_32, %add3A_33 : i32
    "tpu.region"() ({
      %run_scoped3A = tpu.sem_alloc : memref<!tpu.dma_semaphore, #tpu.memory_space<semaphore_mem>>
      %dma_start3A = arith.constant 0 : i32
      %dma_start3A_193 = tpu.memref_slice %arg14[%add3A_34, %dma_start3A] : memref<10240x128xf32, #tpu.memory_space<vmem_shared>> -> memref<64x128xf32, #tpu.memory_space<vmem_shared>>
      %dma_start3A_194 = arith.constant 0 : i32
      %dma_start3A_195 = tpu.memref_slice %arg14[%add3A_34, %dma_start3A_194] : memref<10240x128xf32, #tpu.memory_space<vmem_shared>> -> memref<64x128xf32, #tpu.memory_space<vmem_shared>>
      tpu.enqueue_dma source(%arg12 : memref<64x128xf32, #tpu.memory_space<vmem>>) target(%dma_start3A_195 : memref<64x128xf32, #tpu.memory_space<vmem_shared>>) target_semaphore(%run_scoped3A : memref<!tpu.dma_semaphore, #tpu.memory_space<semaphore_mem>>)
      %dma_wait3A = arith.constant 0 : i32
      %dma_wait3A_196 = tpu.memref_slice %arg14[%add3A_34, %dma_wait3A] : memref<10240x128xf32, #tpu.memory_space<vmem_shared>> -> memref<64x128xf32, #tpu.memory_space<vmem_shared>>
      %dma_wait3A_197 = arith.constant 0 : i32
      %dma_wait3A_198 = tpu.memref_slice %arg14[%add3A_34, %dma_wait3A_197] : memref<10240x128xf32, #tpu.memory_space<vmem_shared>> -> memref<64x128xf32, #tpu.memory_space<vmem_shared>>
      tpu.wait_dma2 semaphore(%run_scoped3A : memref<!tpu.dma_semaphore, #tpu.memory_space<semaphore_mem>>) src(%arg12 : memref<64x128xf32, #tpu.memory_space<vmem>>) dst(%dma_wait3A_198 : memref<64x128xf32, #tpu.memory_space<vmem_shared>>)
      tpu.yield
    }) : () -> ()
    "tpu.region"() ({
      %run_scoped3A = tpu.sem_alloc : memref<!tpu.dma_semaphore, #tpu.memory_space<semaphore_mem>>
      %dma_start3A = arith.constant 0 : i32
      %dma_start3A_193 = tpu.memref_slice %arg15[%add3A_34, %dma_start3A] : memref<10240x16xf32, #tpu.memory_space<vmem_shared>> -> memref<64x16xf32, #tpu.memory_space<vmem_shared>>
      %dma_start3A_194 = arith.constant 0 : i32
      %dma_start3A_195 = tpu.memref_slice %arg15[%add3A_34, %dma_start3A_194] : memref<10240x16xf32, #tpu.memory_space<vmem_shared>> -> memref<64x16xf32, #tpu.memory_space<vmem_shared>>
      tpu.enqueue_dma source(%arg13 : memref<64x16xf32, #tpu.memory_space<vmem>>) target(%dma_start3A_195 : memref<64x16xf32, #tpu.memory_space<vmem_shared>>) target_semaphore(%run_scoped3A : memref<!tpu.dma_semaphore, #tpu.memory_space<semaphore_mem>>)
      %dma_wait3A = arith.constant 0 : i32
      %dma_wait3A_196 = tpu.memref_slice %arg15[%add3A_34, %dma_wait3A] : memref<10240x16xf32, #tpu.memory_space<vmem_shared>> -> memref<64x16xf32, #tpu.memory_space<vmem_shared>>
      %dma_wait3A_197 = arith.constant 0 : i32
      %dma_wait3A_198 = tpu.memref_slice %arg15[%add3A_34, %dma_wait3A_197] : memref<10240x16xf32, #tpu.memory_space<vmem_shared>> -> memref<64x16xf32, #tpu.memory_space<vmem_shared>>
      tpu.wait_dma2 semaphore(%run_scoped3A : memref<!tpu.dma_semaphore, #tpu.memory_space<semaphore_mem>>) src(%arg13 : memref<64x16xf32, #tpu.memory_space<vmem>>) dst(%dma_wait3A_198 : memref<64x16xf32, #tpu.memory_space<vmem_shared>>)
      tpu.yield
    }) : () -> ()
    %mul3A_35 = arith.constant 640 : i32
    %mul3A_36 = arith.muli %arg1, %mul3A_35 : i32
    %add3A_37 = arith.constant 512 : i32
    %add3A_38 = arith.addi %mul3A_36, %add3A_37 : i32
    "tpu.region"() ({
      %run_scoped3A = tpu.sem_alloc : memref<!tpu.dma_semaphore, #tpu.memory_space<semaphore_mem>>
      %dma_start3A = arith.constant 0 : i32
      %dma_start3A_193 = tpu.memref_slice %arg14[%add3A_38, %dma_start3A] : memref<10240x128xf32, #tpu.memory_space<vmem_shared>> -> memref<64x128xf32, #tpu.memory_space<vmem_shared>>
      %dma_start3A_194 = arith.constant 0 : i32
      %dma_start3A_195 = tpu.memref_slice %arg14[%add3A_38, %dma_start3A_194] : memref<10240x128xf32, #tpu.memory_space<vmem_shared>> -> memref<64x128xf32, #tpu.memory_space<vmem_shared>>
      tpu.enqueue_dma source(%arg12 : memref<64x128xf32, #tpu.memory_space<vmem>>) target(%dma_start3A_195 : memref<64x128xf32, #tpu.memory_space<vmem_shared>>) target_semaphore(%run_scoped3A : memref<!tpu.dma_semaphore, #tpu.memory_space<semaphore_mem>>)
      %dma_wait3A = arith.constant 0 : i32
      %dma_wait3A_196 = tpu.memref_slice %arg14[%add3A_38, %dma_wait3A] : memref<10240x128xf32, #tpu.memory_space<vmem_shared>> -> memref<64x128xf32, #tpu.memory_space<vmem_shared>>
      %dma_wait3A_197 = arith.constant 0 : i32
      %dma_wait3A_198 = tpu.memref_slice %arg14[%add3A_38, %dma_wait3A_197] : memref<10240x128xf32, #tpu.memory_space<vmem_shared>> -> memref<64x128xf32, #tpu.memory_space<vmem_shared>>
      tpu.wait_dma2 semaphore(%run_scoped3A : memref<!tpu.dma_semaphore, #tpu.memory_space<semaphore_mem>>) src(%arg12 : memref<64x128xf32, #tpu.memory_space<vmem>>) dst(%dma_wait3A_198 : memref<64x128xf32, #tpu.memory_space<vmem_shared>>)
      tpu.yield
    }) : () -> ()
    "tpu.region"() ({
      %run_scoped3A = tpu.sem_alloc : memref<!tpu.dma_semaphore, #tpu.memory_space<semaphore_mem>>
      %dma_start3A = arith.constant 0 : i32
      %dma_start3A_193 = tpu.memref_slice %arg15[%add3A_38, %dma_start3A] : memref<10240x16xf32, #tpu.memory_space<vmem_shared>> -> memref<64x16xf32, #tpu.memory_space<vmem_shared>>
      %dma_start3A_194 = arith.constant 0 : i32
      %dma_start3A_195 = tpu.memref_slice %arg15[%add3A_38, %dma_start3A_194] : memref<10240x16xf32, #tpu.memory_space<vmem_shared>> -> memref<64x16xf32, #tpu.memory_space<vmem_shared>>
      tpu.enqueue_dma source(%arg13 : memref<64x16xf32, #tpu.memory_space<vmem>>) target(%dma_start3A_195 : memref<64x16xf32, #tpu.memory_space<vmem_shared>>) target_semaphore(%run_scoped3A : memref<!tpu.dma_semaphore, #tpu.memory_space<semaphore_mem>>)
      %dma_wait3A = arith.constant 0 : i32
      %dma_wait3A_196 = tpu.memref_slice %arg15[%add3A_38, %dma_wait3A] : memref<10240x16xf32, #tpu.memory_space<vmem_shared>> -> memref<64x16xf32, #tpu.memory_space<vmem_shared>>
      %dma_wait3A_197 = arith.constant 0 : i32
      %dma_wait3A_198 = tpu.memref_slice %arg15[%add3A_38, %dma_wait3A_197] : memref<10240x16xf32, #tpu.memory_space<vmem_shared>> -> memref<64x16xf32, #tpu.memory_space<vmem_shared>>
      tpu.wait_dma2 semaphore(%run_scoped3A : memref<!tpu.dma_semaphore, #tpu.memory_space<semaphore_mem>>) src(%arg13 : memref<64x16xf32, #tpu.memory_space<vmem>>) dst(%dma_wait3A_198 : memref<64x16xf32, #tpu.memory_space<vmem_shared>>)
      tpu.yield
    }) : () -> ()
    %mul3A_39 = arith.constant 640 : i32
    %mul3A_40 = arith.muli %arg1, %mul3A_39 : i32
    %add3A_41 = arith.constant 576 : i32
    %add3A_42 = arith.addi %mul3A_40, %add3A_41 : i32
    "tpu.region"() ({
      %run_scoped3A = tpu.sem_alloc : memref<!tpu.dma_semaphore, #tpu.memory_space<semaphore_mem>>
      %dma_start3A = arith.constant 0 : i32
      %dma_start3A_193 = tpu.memref_slice %arg14[%add3A_42, %dma_start3A] : memref<10240x128xf32, #tpu.memory_space<vmem_shared>> -> memref<64x128xf32, #tpu.memory_space<vmem_shared>>
      %dma_start3A_194 = arith.constant 0 : i32
      %dma_start3A_195 = tpu.memref_slice %arg14[%add3A_42, %dma_start3A_194] : memref<10240x128xf32, #tpu.memory_space<vmem_shared>> -> memref<64x128xf32, #tpu.memory_space<vmem_shared>>
      tpu.enqueue_dma source(%arg12 : memref<64x128xf32, #tpu.memory_space<vmem>>) target(%dma_start3A_195 : memref<64x128xf32, #tpu.memory_space<vmem_shared>>) target_semaphore(%run_scoped3A : memref<!tpu.dma_semaphore, #tpu.memory_space<semaphore_mem>>)
      %dma_wait3A = arith.constant 0 : i32
      %dma_wait3A_196 = tpu.memref_slice %arg14[%add3A_42, %dma_wait3A] : memref<10240x128xf32, #tpu.memory_space<vmem_shared>> -> memref<64x128xf32, #tpu.memory_space<vmem_shared>>
      %dma_wait3A_197 = arith.constant 0 : i32
      %dma_wait3A_198 = tpu.memref_slice %arg14[%add3A_42, %dma_wait3A_197] : memref<10240x128xf32, #tpu.memory_space<vmem_shared>> -> memref<64x128xf32, #tpu.memory_space<vmem_shared>>
      tpu.wait_dma2 semaphore(%run_scoped3A : memref<!tpu.dma_semaphore, #tpu.memory_space<semaphore_mem>>) src(%arg12 : memref<64x128xf32, #tpu.memory_space<vmem>>) dst(%dma_wait3A_198 : memref<64x128xf32, #tpu.memory_space<vmem_shared>>)
      tpu.yield
    }) : () -> ()
    "tpu.region"() ({
      %run_scoped3A = tpu.sem_alloc : memref<!tpu.dma_semaphore, #tpu.memory_space<semaphore_mem>>
      %dma_start3A = arith.constant 0 : i32
      %dma_start3A_193 = tpu.memref_slice %arg15[%add3A_42, %dma_start3A] : memref<10240x16xf32, #tpu.memory_space<vmem_shared>> -> memref<64x16xf32, #tpu.memory_space<vmem_shared>>
      %dma_start3A_194 = arith.constant 0 : i32
      %dma_start3A_195 = tpu.memref_slice %arg15[%add3A_42, %dma_start3A_194] : memref<10240x16xf32, #tpu.memory_space<vmem_shared>> -> memref<64x16xf32, #tpu.memory_space<vmem_shared>>
      tpu.enqueue_dma source(%arg13 : memref<64x16xf32, #tpu.memory_space<vmem>>) target(%dma_start3A_195 : memref<64x16xf32, #tpu.memory_space<vmem_shared>>) target_semaphore(%run_scoped3A : memref<!tpu.dma_semaphore, #tpu.memory_space<semaphore_mem>>)
      %dma_wait3A = arith.constant 0 : i32
      %dma_wait3A_196 = tpu.memref_slice %arg15[%add3A_42, %dma_wait3A] : memref<10240x16xf32, #tpu.memory_space<vmem_shared>> -> memref<64x16xf32, #tpu.memory_space<vmem_shared>>
      %dma_wait3A_197 = arith.constant 0 : i32
      %dma_wait3A_198 = tpu.memref_slice %arg15[%add3A_42, %dma_wait3A_197] : memref<10240x16xf32, #tpu.memory_space<vmem_shared>> -> memref<64x16xf32, #tpu.memory_space<vmem_shared>>
      tpu.wait_dma2 semaphore(%run_scoped3A : memref<!tpu.dma_semaphore, #tpu.memory_space<semaphore_mem>>) src(%arg13 : memref<64x16xf32, #tpu.memory_space<vmem>>) dst(%dma_wait3A_198 : memref<64x16xf32, #tpu.memory_space<vmem_shared>>)
      tpu.yield
    }) : () -> ()
    "tpu.region"() ({
      %run_scoped3A = tpu.sem_alloc : memref<!tpu.dma_semaphore, #tpu.memory_space<semaphore_mem>>
      tpu.enqueue_dma source(%arg5 : memref<64x16xf32, #tpu.memory_space<hbm>>) target(%arg13 : memref<64x16xf32, #tpu.memory_space<vmem>>) target_semaphore(%run_scoped3A : memref<!tpu.dma_semaphore, #tpu.memory_space<semaphore_mem>>)
      tpu.wait_dma2 semaphore(%run_scoped3A : memref<!tpu.dma_semaphore, #tpu.memory_space<semaphore_mem>>) src(%arg5 : memref<64x16xf32, #tpu.memory_space<hbm>>) dst(%arg13 : memref<64x16xf32, #tpu.memory_space<vmem>>)
      tpu.yield
    }) : () -> ()
    %barrier3A = arith.constant 0 : index
    tpu.barrier barrier_id(%barrier3A)
    %add3A_43 = arith.constant 0 : i32
    %add3A_44 = arith.addi %mul3A_2, %add3A_43 : i32
    "tpu.region"() ({
      %run_scoped3A = tpu.sem_alloc : memref<!tpu.dma_semaphore, #tpu.memory_space<semaphore_mem>>
      %dma_start3A = arith.constant 0 : i32
      %dma_start3A_193 = tpu.memref_slice %arg2[%add3A_44, %dma_start3A] : memref<5120x64xi32, #tpu.memory_space<hbm>> -> memref<32x64xi32, #tpu.memory_space<hbm>>
      %dma_start3A_194 = arith.constant 0 : i32
      %dma_start3A_195 = tpu.memref_slice %arg2[%add3A_44, %dma_start3A_194] : memref<5120x64xi32, #tpu.memory_space<hbm>> -> memref<32x64xi32, #tpu.memory_space<hbm>>
      tpu.enqueue_dma source(%dma_start3A_195 : memref<32x64xi32, #tpu.memory_space<hbm>>) target(%arg10 : memref<32x64xi32, #tpu.memory_space<vmem>>) target_semaphore(%run_scoped3A : memref<!tpu.dma_semaphore, #tpu.memory_space<semaphore_mem>>)
      %dma_wait3A = arith.constant 0 : i32
      %dma_wait3A_196 = tpu.memref_slice %arg2[%add3A_44, %dma_wait3A] : memref<5120x64xi32, #tpu.memory_space<hbm>> -> memref<32x64xi32, #tpu.memory_space<hbm>>
      %dma_wait3A_197 = arith.constant 0 : i32
      %dma_wait3A_198 = tpu.memref_slice %arg2[%add3A_44, %dma_wait3A_197] : memref<5120x64xi32, #tpu.memory_space<hbm>> -> memref<32x64xi32, #tpu.memory_space<hbm>>
      tpu.wait_dma2 semaphore(%run_scoped3A : memref<!tpu.dma_semaphore, #tpu.memory_space<semaphore_mem>>) src(%dma_wait3A_198 : memref<32x64xi32, #tpu.memory_space<hbm>>) dst(%arg10 : memref<32x64xi32, #tpu.memory_space<vmem>>)
      tpu.yield
    }) : () -> ()
    %add3A_45 = arith.constant 0 : i32
    %add3A_46 = arith.addi %mul3A_2, %add3A_45 : i32
    "tpu.region"() ({
      %run_scoped3A = tpu.sem_alloc : memref<!tpu.dma_semaphore, #tpu.memory_space<semaphore_mem>>
      %dma_start3A = arith.constant 0 : i32
      %dma_start3A_193 = tpu.memref_slice %arg3[%add3A_46, %dma_start3A] : memref<5120x64xi32, #tpu.memory_space<hbm>> -> memref<32x64xi32, #tpu.memory_space<hbm>>
      %dma_start3A_194 = arith.constant 0 : i32
      %dma_start3A_195 = tpu.memref_slice %arg3[%add3A_46, %dma_start3A_194] : memref<5120x64xi32, #tpu.memory_space<hbm>> -> memref<32x64xi32, #tpu.memory_space<hbm>>
      tpu.enqueue_dma source(%dma_start3A_195 : memref<32x64xi32, #tpu.memory_space<hbm>>) target(%arg11 : memref<32x64xi32, #tpu.memory_space<vmem>>) target_semaphore(%run_scoped3A : memref<!tpu.dma_semaphore, #tpu.memory_space<semaphore_mem>>)
      %dma_wait3A = arith.constant 0 : i32
      %dma_wait3A_196 = tpu.memref_slice %arg3[%add3A_46, %dma_wait3A] : memref<5120x64xi32, #tpu.memory_space<hbm>> -> memref<32x64xi32, #tpu.memory_space<hbm>>
      %dma_wait3A_197 = arith.constant 0 : i32
      %dma_wait3A_198 = tpu.memref_slice %arg3[%add3A_46, %dma_wait3A_197] : memref<5120x64xi32, #tpu.memory_space<hbm>> -> memref<32x64xi32, #tpu.memory_space<hbm>>
      tpu.wait_dma2 semaphore(%run_scoped3A : memref<!tpu.dma_semaphore, #tpu.memory_space<semaphore_mem>>) src(%dma_wait3A_198 : memref<32x64xi32, #tpu.memory_space<hbm>>) dst(%arg11 : memref<32x64xi32, #tpu.memory_space<vmem>>)
      tpu.yield
    }) : () -> ()
    %scan3A = arith.constant 0 : i32
    %scan3A_47 = arith.constant 0 : i32
    %scan3A_48 = arith.constant 32 : i32
    %scan3A_49 = arith.addi %scan3A_47, %scan3A_48 : i32
    %scan3A_50 = arith.constant 1 : i32
    scf.for %scan3A_193 = %scan3A_47 to %scan3A_49 step %scan3A_50  : i32 {
      %dma_start3A = arith.constant 0 : i32
      %dma_start3A_194 = tpu.memref_slice %arg10[%scan3A_193, %dma_start3A] : memref<32x64xi32, #tpu.memory_space<vmem>> -> memref<1x64xi32, #tpu.memory_space<vmem>>
      %dma_start3A_195 = tpu.memref_squeeze %dma_start3A_194 : memref<1x64xi32, #tpu.memory_space<vmem>> -> memref<64xi32, #tpu.memory_space<vmem>>
      %dma_start3A_196 = arith.constant 0 : i32
      %dma_start3A_197 = arith.constant 0 : i32
      %dma_start3A_198 = tpu.memref_slice %arg4[%dma_start3A_196, %dma_start3A_197] : memref<10000x128xf32, #tpu.memory_space<hbm>> -> memref<10000x128xf32, #tpu.memory_space<hbm>>
      tpu.enqueue_indirect_dma source(%dma_start3A_198 : memref<10000x128xf32, #tpu.memory_space<hbm>>) target(%arg12 : memref<64x128xf32, #tpu.memory_space<vmem>>) offsets(%dma_start3A_195 : memref<64xi32, #tpu.memory_space<vmem>>) semaphore(%arg16 : memref<!tpu.dma_semaphore, #tpu.memory_space<semaphore_mem>>)
      %dma_wait3A = arith.constant 0 : i32
      %dma_wait3A_199 = tpu.memref_slice %arg10[%scan3A_193, %dma_wait3A] : memref<32x64xi32, #tpu.memory_space<vmem>> -> memref<1x64xi32, #tpu.memory_space<vmem>>
      %dma_wait3A_200 = tpu.memref_squeeze %dma_wait3A_199 : memref<1x64xi32, #tpu.memory_space<vmem>> -> memref<64xi32, #tpu.memory_space<vmem>>
      %dma_wait3A_201 = arith.constant 0 : i32
      %dma_wait3A_202 = arith.constant 0 : i32
      %dma_wait3A_203 = tpu.memref_slice %arg4[%dma_wait3A_201, %dma_wait3A_202] : memref<10000x128xf32, #tpu.memory_space<hbm>> -> memref<10000x128xf32, #tpu.memory_space<hbm>>
      tpu.wait_indirect_dma semaphore(%arg16 : memref<!tpu.dma_semaphore, #tpu.memory_space<semaphore_mem>>) src(%dma_wait3A_203 : memref<10000x128xf32, #tpu.memory_space<hbm>>) dst(%arg12 : memref<64x128xf32, #tpu.memory_space<vmem>>)
      "tpu.region"() ({
        %run_scoped3A = tpu.sem_alloc : memref<!tpu.dma_semaphore, #tpu.memory_space<semaphore_mem>>
        %dma_start3A_204 = arith.constant 0 : i32
        %dma_start3A_205 = tpu.memref_slice %arg11[%scan3A_193, %dma_start3A_204] : memref<32x64xi32, #tpu.memory_space<vmem>> -> memref<1x64xi32, #tpu.memory_space<vmem>>
        %dma_start3A_206 = tpu.memref_squeeze %dma_start3A_205 : memref<1x64xi32, #tpu.memory_space<vmem>> -> memref<64xi32, #tpu.memory_space<vmem>>
        %dma_start3A_207 = arith.constant 0 : i32
        %dma_start3A_208 = arith.constant 0 : i32
        %dma_start3A_209 = tpu.memref_slice %arg14[%dma_start3A_207, %dma_start3A_208] : memref<10240x128xf32, #tpu.memory_space<vmem_shared>> -> memref<10240x128xf32, #tpu.memory_space<vmem_shared>>
        tpu.enqueue_indirect_dma source(%arg12 : memref<64x128xf32, #tpu.memory_space<vmem>>) target(%dma_start3A_209 : memref<10240x128xf32, #tpu.memory_space<vmem_shared>>) offsets(%dma_start3A_206 : memref<64xi32, #tpu.memory_space<vmem>>) semaphore(%run_scoped3A : memref<!tpu.dma_semaphore, #tpu.memory_space<semaphore_mem>>) {add = true}
        %dma_wait3A_210 = arith.constant 0 : i32
        %dma_wait3A_211 = tpu.memref_slice %arg11[%scan3A_193, %dma_wait3A_210] : memref<32x64xi32, #tpu.memory_space<vmem>> -> memref<1x64xi32, #tpu.memory_space<vmem>>
        %dma_wait3A_212 = tpu.memref_squeeze %dma_wait3A_211 : memref<1x64xi32, #tpu.memory_space<vmem>> -> memref<64xi32, #tpu.memory_space<vmem>>
        %dma_wait3A_213 = arith.constant 0 : i32
        %dma_wait3A_214 = arith.constant 0 : i32
        %dma_wait3A_215 = tpu.memref_slice %arg14[%dma_wait3A_213, %dma_wait3A_214] : memref<10240x128xf32, #tpu.memory_space<vmem_shared>> -> memref<10240x128xf32, #tpu.memory_space<vmem_shared>>
        tpu.wait_indirect_dma semaphore(%run_scoped3A : memref<!tpu.dma_semaphore, #tpu.memory_space<semaphore_mem>>) src(%arg12 : memref<64x128xf32, #tpu.memory_space<vmem>>) dst(%dma_wait3A_215 : memref<10240x128xf32, #tpu.memory_space<vmem_shared>>)
        tpu.yield
      }) : () -> ()
      "tpu.region"() ({
        %run_scoped3A = tpu.sem_alloc : memref<!tpu.dma_semaphore, #tpu.memory_space<semaphore_mem>>
        %dma_start3A_204 = arith.constant 0 : i32
        %dma_start3A_205 = tpu.memref_slice %arg11[%scan3A_193, %dma_start3A_204] : memref<32x64xi32, #tpu.memory_space<vmem>> -> memref<1x64xi32, #tpu.memory_space<vmem>>
        %dma_start3A_206 = tpu.memref_squeeze %dma_start3A_205 : memref<1x64xi32, #tpu.memory_space<vmem>> -> memref<64xi32, #tpu.memory_space<vmem>>
        %dma_start3A_207 = arith.constant 0 : i32
        %dma_start3A_208 = arith.constant 0 : i32
        %dma_start3A_209 = tpu.memref_slice %arg15[%dma_start3A_207, %dma_start3A_208] : memref<10240x16xf32, #tpu.memory_space<vmem_shared>> -> memref<10240x16xf32, #tpu.memory_space<vmem_shared>>
        tpu.enqueue_indirect_dma source(%arg13 : memref<64x16xf32, #tpu.memory_space<vmem>>) target(%dma_start3A_209 : memref<10240x16xf32, #tpu.memory_space<vmem_shared>>) offsets(%dma_start3A_206 : memref<64xi32, #tpu.memory_space<vmem>>) semaphore(%run_scoped3A : memref<!tpu.dma_semaphore, #tpu.memory_space<semaphore_mem>>) {add = true}
        %dma_wait3A_210 = arith.constant 0 : i32
        %dma_wait3A_211 = tpu.memref_slice %arg11[%scan3A_193, %dma_wait3A_210] : memref<32x64xi32, #tpu.memory_space<vmem>> -> memref<1x64xi32, #tpu.memory_space<vmem>>
        %dma_wait3A_212 = tpu.memref_squeeze %dma_wait3A_211 : memref<1x64xi32, #tpu.memory_space<vmem>> -> memref<64xi32, #tpu.memory_space<vmem>>
        %dma_wait3A_213 = arith.constant 0 : i32
        %dma_wait3A_214 = arith.constant 0 : i32
        %dma_wait3A_215 = tpu.memref_slice %arg15[%dma_wait3A_213, %dma_wait3A_214] : memref<10240x16xf32, #tpu.memory_space<vmem_shared>> -> memref<10240x16xf32, #tpu.memory_space<vmem_shared>>
        tpu.wait_indirect_dma semaphore(%run_scoped3A : memref<!tpu.dma_semaphore, #tpu.memory_space<semaphore_mem>>) src(%arg13 : memref<64x16xf32, #tpu.memory_space<vmem>>) dst(%dma_wait3A_215 : memref<10240x16xf32, #tpu.memory_space<vmem_shared>>)
        tpu.yield
      }) : () -> ()
    }
    %scan3A_51 = arith.constant 32 : i32
    %add3A_52 = arith.constant 32 : i32
    %add3A_53 = arith.addi %mul3A_2, %add3A_52 : i32
    "tpu.region"() ({
      %run_scoped3A = tpu.sem_alloc : memref<!tpu.dma_semaphore, #tpu.memory_space<semaphore_mem>>
      %dma_start3A = arith.constant 0 : i32
      %dma_start3A_193 = tpu.memref_slice %arg2[%add3A_53, %dma_start3A] : memref<5120x64xi32, #tpu.memory_space<hbm>> -> memref<32x64xi32, #tpu.memory_space<hbm>>
      %dma_start3A_194 = arith.constant 0 : i32
      %dma_start3A_195 = tpu.memref_slice %arg2[%add3A_53, %dma_start3A_194] : memref<5120x64xi32, #tpu.memory_space<hbm>> -> memref<32x64xi32, #tpu.memory_space<hbm>>
      tpu.enqueue_dma source(%dma_start3A_195 : memref<32x64xi32, #tpu.memory_space<hbm>>) target(%arg10 : memref<32x64xi32, #tpu.memory_space<vmem>>) target_semaphore(%run_scoped3A : memref<!tpu.dma_semaphore, #tpu.memory_space<semaphore_mem>>)
      %dma_wait3A = arith.constant 0 : i32
      %dma_wait3A_196 = tpu.memref_slice %arg2[%add3A_53, %dma_wait3A] : memref<5120x64xi32, #tpu.memory_space<hbm>> -> memref<32x64xi32, #tpu.memory_space<hbm>>
      %dma_wait3A_197 = arith.constant 0 : i32
      %dma_wait3A_198 = tpu.memref_slice %arg2[%add3A_53, %dma_wait3A_197] : memref<5120x64xi32, #tpu.memory_space<hbm>> -> memref<32x64xi32, #tpu.memory_space<hbm>>
      tpu.wait_dma2 semaphore(%run_scoped3A : memref<!tpu.dma_semaphore, #tpu.memory_space<semaphore_mem>>) src(%dma_wait3A_198 : memref<32x64xi32, #tpu.memory_space<hbm>>) dst(%arg10 : memref<32x64xi32, #tpu.memory_space<vmem>>)
      tpu.yield
    }) : () -> ()
    %add3A_54 = arith.constant 32 : i32
    %add3A_55 = arith.addi %mul3A_2, %add3A_54 : i32
    "tpu.region"() ({
      %run_scoped3A = tpu.sem_alloc : memref<!tpu.dma_semaphore, #tpu.memory_space<semaphore_mem>>
      %dma_start3A = arith.constant 0 : i32
      %dma_start3A_193 = tpu.memref_slice %arg3[%add3A_55, %dma_start3A] : memref<5120x64xi32, #tpu.memory_space<hbm>> -> memref<32x64xi32, #tpu.memory_space<hbm>>
      %dma_start3A_194 = arith.constant 0 : i32
      %dma_start3A_195 = tpu.memref_slice %arg3[%add3A_55, %dma_start3A_194] : memref<5120x64xi32, #tpu.memory_space<hbm>> -> memref<32x64xi32, #tpu.memory_space<hbm>>
      tpu.enqueue_dma source(%dma_start3A_195 : memref<32x64xi32, #tpu.memory_space<hbm>>) target(%arg11 : memref<32x64xi32, #tpu.memory_space<vmem>>) target_semaphore(%run_scoped3A : memref<!tpu.dma_semaphore, #tpu.memory_space<semaphore_mem>>)
      %dma_wait3A = arith.constant 0 : i32
      %dma_wait3A_196 = tpu.memref_slice %arg3[%add3A_55, %dma_wait3A] : memref<5120x64xi32, #tpu.memory_space<hbm>> -> memref<32x64xi32, #tpu.memory_space<hbm>>
      %dma_wait3A_197 = arith.constant 0 : i32
      %dma_wait3A_198 = tpu.memref_slice %arg3[%add3A_55, %dma_wait3A_197] : memref<5120x64xi32, #tpu.memory_space<hbm>> -> memref<32x64xi32, #tpu.memory_space<hbm>>
      tpu.wait_dma2 semaphore(%run_scoped3A : memref<!tpu.dma_semaphore, #tpu.memory_space<semaphore_mem>>) src(%dma_wait3A_198 : memref<32x64xi32, #tpu.memory_space<hbm>>) dst(%arg11 : memref<32x64xi32, #tpu.memory_space<vmem>>)
      tpu.yield
    }) : () -> ()
    %scan3A_56 = arith.constant 0 : i32
    %scan3A_57 = arith.constant 0 : i32
    %scan3A_58 = arith.constant 32 : i32
    %scan3A_59 = arith.addi %scan3A_57, %scan3A_58 : i32
    %scan3A_60 = arith.constant 1 : i32
    scf.for %scan3A_193 = %scan3A_57 to %scan3A_59 step %scan3A_60  : i32 {
      %dma_start3A = arith.constant 0 : i32
      %dma_start3A_194 = tpu.memref_slice %arg10[%scan3A_193, %dma_start3A] : memref<32x64xi32, #tpu.memory_space<vmem>> -> memref<1x64xi32, #tpu.memory_space<vmem>>
      %dma_start3A_195 = tpu.memref_squeeze %dma_start3A_194 : memref<1x64xi32, #tpu.memory_space<vmem>> -> memref<64xi32, #tpu.memory_space<vmem>>
      %dma_start3A_196 = arith.constant 0 : i32
      %dma_start3A_197 = arith.constant 0 : i32
      %dma_start3A_198 = tpu.memref_slice %arg4[%dma_start3A_196, %dma_start3A_197] : memref<10000x128xf32, #tpu.memory_space<hbm>> -> memref<10000x128xf32, #tpu.memory_space<hbm>>
      tpu.enqueue_indirect_dma source(%dma_start3A_198 : memref<10000x128xf32, #tpu.memory_space<hbm>>) target(%arg12 : memref<64x128xf32, #tpu.memory_space<vmem>>) offsets(%dma_start3A_195 : memref<64xi32, #tpu.memory_space<vmem>>) semaphore(%arg16 : memref<!tpu.dma_semaphore, #tpu.memory_space<semaphore_mem>>)
      %dma_wait3A = arith.constant 0 : i32
      %dma_wait3A_199 = tpu.memref_slice %arg10[%scan3A_193, %dma_wait3A] : memref<32x64xi32, #tpu.memory_space<vmem>> -> memref<1x64xi32, #tpu.memory_space<vmem>>
      %dma_wait3A_200 = tpu.memref_squeeze %dma_wait3A_199 : memref<1x64xi32, #tpu.memory_space<vmem>> -> memref<64xi32, #tpu.memory_space<vmem>>
      %dma_wait3A_201 = arith.constant 0 : i32
      %dma_wait3A_202 = arith.constant 0 : i32
      %dma_wait3A_203 = tpu.memref_slice %arg4[%dma_wait3A_201, %dma_wait3A_202] : memref<10000x128xf32, #tpu.memory_space<hbm>> -> memref<10000x128xf32, #tpu.memory_space<hbm>>
      tpu.wait_indirect_dma semaphore(%arg16 : memref<!tpu.dma_semaphore, #tpu.memory_space<semaphore_mem>>) src(%dma_wait3A_203 : memref<10000x128xf32, #tpu.memory_space<hbm>>) dst(%arg12 : memref<64x128xf32, #tpu.memory_space<vmem>>)
      "tpu.region"() ({
        %run_scoped3A = tpu.sem_alloc : memref<!tpu.dma_semaphore, #tpu.memory_space<semaphore_mem>>
        %dma_start3A_204 = arith.constant 0 : i32
        %dma_start3A_205 = tpu.memref_slice %arg11[%scan3A_193, %dma_start3A_204] : memref<32x64xi32, #tpu.memory_space<vmem>> -> memref<1x64xi32, #tpu.memory_space<vmem>>
        %dma_start3A_206 = tpu.memref_squeeze %dma_start3A_205 : memref<1x64xi32, #tpu.memory_space<vmem>> -> memref<64xi32, #tpu.memory_space<vmem>>
        %dma_start3A_207 = arith.constant 0 : i32
        %dma_start3A_208 = arith.constant 0 : i32
        %dma_start3A_209 = tpu.memref_slice %arg14[%dma_start3A_207, %dma_start3A_208] : memref<10240x128xf32, #tpu.memory_space<vmem_shared>> -> memref<10240x128xf32, #tpu.memory_space<vmem_shared>>
        tpu.enqueue_indirect_dma source(%arg12 : memref<64x128xf32, #tpu.memory_space<vmem>>) target(%dma_start3A_209 : memref<10240x128xf32, #tpu.memory_space<vmem_shared>>) offsets(%dma_start3A_206 : memref<64xi32, #tpu.memory_space<vmem>>) semaphore(%run_scoped3A : memref<!tpu.dma_semaphore, #tpu.memory_space<semaphore_mem>>) {add = true}
        %dma_wait3A_210 = arith.constant 0 : i32
        %dma_wait3A_211 = tpu.memref_slice %arg11[%scan3A_193, %dma_wait3A_210] : memref<32x64xi32, #tpu.memory_space<vmem>> -> memref<1x64xi32, #tpu.memory_space<vmem>>
        %dma_wait3A_212 = tpu.memref_squeeze %dma_wait3A_211 : memref<1x64xi32, #tpu.memory_space<vmem>> -> memref<64xi32, #tpu.memory_space<vmem>>
        %dma_wait3A_213 = arith.constant 0 : i32
        %dma_wait3A_214 = arith.constant 0 : i32
        %dma_wait3A_215 = tpu.memref_slice %arg14[%dma_wait3A_213, %dma_wait3A_214] : memref<10240x128xf32, #tpu.memory_space<vmem_shared>> -> memref<10240x128xf32, #tpu.memory_space<vmem_shared>>
        tpu.wait_indirect_dma semaphore(%run_scoped3A : memref<!tpu.dma_semaphore, #tpu.memory_space<semaphore_mem>>) src(%arg12 : memref<64x128xf32, #tpu.memory_space<vmem>>) dst(%dma_wait3A_215 : memref<10240x128xf32, #tpu.memory_space<vmem_shared>>)
        tpu.yield
      }) : () -> ()
      "tpu.region"() ({
        %run_scoped3A = tpu.sem_alloc : memref<!tpu.dma_semaphore, #tpu.memory_space<semaphore_mem>>
        %dma_start3A_204 = arith.constant 0 : i32
        %dma_start3A_205 = tpu.memref_slice %arg11[%scan3A_193, %dma_start3A_204] : memref<32x64xi32, #tpu.memory_space<vmem>> -> memref<1x64xi32, #tpu.memory_space<vmem>>
        %dma_start3A_206 = tpu.memref_squeeze %dma_start3A_205 : memref<1x64xi32, #tpu.memory_space<vmem>> -> memref<64xi32, #tpu.memory_space<vmem>>
        %dma_start3A_207 = arith.constant 0 : i32
        %dma_start3A_208 = arith.constant 0 : i32
        %dma_start3A_209 = tpu.memref_slice %arg15[%dma_start3A_207, %dma_start3A_208] : memref<10240x16xf32, #tpu.memory_space<vmem_shared>> -> memref<10240x16xf32, #tpu.memory_space<vmem_shared>>
        tpu.enqueue_indirect_dma source(%arg13 : memref<64x16xf32, #tpu.memory_space<vmem>>) target(%dma_start3A_209 : memref<10240x16xf32, #tpu.memory_space<vmem_shared>>) offsets(%dma_start3A_206 : memref<64xi32, #tpu.memory_space<vmem>>) semaphore(%run_scoped3A : memref<!tpu.dma_semaphore, #tpu.memory_space<semaphore_mem>>) {add = true}
        %dma_wait3A_210 = arith.constant 0 : i32
        %dma_wait3A_211 = tpu.memref_slice %arg11[%scan3A_193, %dma_wait3A_210] : memref<32x64xi32, #tpu.memory_space<vmem>> -> memref<1x64xi32, #tpu.memory_space<vmem>>
        %dma_wait3A_212 = tpu.memref_squeeze %dma_wait3A_211 : memref<1x64xi32, #tpu.memory_space<vmem>> -> memref<64xi32, #tpu.memory_space<vmem>>
        %dma_wait3A_213 = arith.constant 0 : i32
        %dma_wait3A_214 = arith.constant 0 : i32
        %dma_wait3A_215 = tpu.memref_slice %arg15[%dma_wait3A_213, %dma_wait3A_214] : memref<10240x16xf32, #tpu.memory_space<vmem_shared>> -> memref<10240x16xf32, #tpu.memory_space<vmem_shared>>
        tpu.wait_indirect_dma semaphore(%run_scoped3A : memref<!tpu.dma_semaphore, #tpu.memory_space<semaphore_mem>>) src(%arg13 : memref<64x16xf32, #tpu.memory_space<vmem>>) dst(%dma_wait3A_215 : memref<10240x16xf32, #tpu.memory_space<vmem_shared>>)
        tpu.yield
      }) : () -> ()
    }
    %scan3A_61 = arith.constant 32 : i32
    %add3A_62 = arith.constant 64 : i32
    %add3A_63 = arith.addi %mul3A_2, %add3A_62 : i32
    "tpu.region"() ({
      %run_scoped3A = tpu.sem_alloc : memref<!tpu.dma_semaphore, #tpu.memory_space<semaphore_mem>>
      %dma_start3A = arith.constant 0 : i32
      %dma_start3A_193 = tpu.memref_slice %arg2[%add3A_63, %dma_start3A] : memref<5120x64xi32, #tpu.memory_space<hbm>> -> memref<32x64xi32, #tpu.memory_space<hbm>>
      %dma_start3A_194 = arith.constant 0 : i32
      %dma_start3A_195 = tpu.memref_slice %arg2[%add3A_63, %dma_start3A_194] : memref<5120x64xi32, #tpu.memory_space<hbm>> -> memref<32x64xi32, #tpu.memory_space<hbm>>
      tpu.enqueue_dma source(%dma_start3A_195 : memref<32x64xi32, #tpu.memory_space<hbm>>) target(%arg10 : memref<32x64xi32, #tpu.memory_space<vmem>>) target_semaphore(%run_scoped3A : memref<!tpu.dma_semaphore, #tpu.memory_space<semaphore_mem>>)
      %dma_wait3A = arith.constant 0 : i32
      %dma_wait3A_196 = tpu.memref_slice %arg2[%add3A_63, %dma_wait3A] : memref<5120x64xi32, #tpu.memory_space<hbm>> -> memref<32x64xi32, #tpu.memory_space<hbm>>
      %dma_wait3A_197 = arith.constant 0 : i32
      %dma_wait3A_198 = tpu.memref_slice %arg2[%add3A_63, %dma_wait3A_197] : memref<5120x64xi32, #tpu.memory_space<hbm>> -> memref<32x64xi32, #tpu.memory_space<hbm>>
      tpu.wait_dma2 semaphore(%run_scoped3A : memref<!tpu.dma_semaphore, #tpu.memory_space<semaphore_mem>>) src(%dma_wait3A_198 : memref<32x64xi32, #tpu.memory_space<hbm>>) dst(%arg10 : memref<32x64xi32, #tpu.memory_space<vmem>>)
      tpu.yield
    }) : () -> ()
    %add3A_64 = arith.constant 64 : i32
    %add3A_65 = arith.addi %mul3A_2, %add3A_64 : i32
    "tpu.region"() ({
      %run_scoped3A = tpu.sem_alloc : memref<!tpu.dma_semaphore, #tpu.memory_space<semaphore_mem>>
      %dma_start3A = arith.constant 0 : i32
      %dma_start3A_193 = tpu.memref_slice %arg3[%add3A_65, %dma_start3A] : memref<5120x64xi32, #tpu.memory_space<hbm>> -> memref<32x64xi32, #tpu.memory_space<hbm>>
      %dma_start3A_194 = arith.constant 0 : i32
      %dma_start3A_195 = tpu.memref_slice %arg3[%add3A_65, %dma_start3A_194] : memref<5120x64xi32, #tpu.memory_space<hbm>> -> memref<32x64xi32, #tpu.memory_space<hbm>>
      tpu.enqueue_dma source(%dma_start3A_195 : memref<32x64xi32, #tpu.memory_space<hbm>>) target(%arg11 : memref<32x64xi32, #tpu.memory_space<vmem>>) target_semaphore(%run_scoped3A : memref<!tpu.dma_semaphore, #tpu.memory_space<semaphore_mem>>)
      %dma_wait3A = arith.constant 0 : i32
      %dma_wait3A_196 = tpu.memref_slice %arg3[%add3A_65, %dma_wait3A] : memref<5120x64xi32, #tpu.memory_space<hbm>> -> memref<32x64xi32, #tpu.memory_space<hbm>>
      %dma_wait3A_197 = arith.constant 0 : i32
      %dma_wait3A_198 = tpu.memref_slice %arg3[%add3A_65, %dma_wait3A_197] : memref<5120x64xi32, #tpu.memory_space<hbm>> -> memref<32x64xi32, #tpu.memory_space<hbm>>
      tpu.wait_dma2 semaphore(%run_scoped3A : memref<!tpu.dma_semaphore, #tpu.memory_space<semaphore_mem>>) src(%dma_wait3A_198 : memref<32x64xi32, #tpu.memory_space<hbm>>) dst(%arg11 : memref<32x64xi32, #tpu.memory_space<vmem>>)
      tpu.yield
    }) : () -> ()
    %scan3A_66 = arith.constant 0 : i32
    %scan3A_67 = arith.constant 0 : i32
    %scan3A_68 = arith.constant 32 : i32
    %scan3A_69 = arith.addi %scan3A_67, %scan3A_68 : i32
    %scan3A_70 = arith.constant 1 : i32
    scf.for %scan3A_193 = %scan3A_67 to %scan3A_69 step %scan3A_70  : i32 {
      %dma_start3A = arith.constant 0 : i32
      %dma_start3A_194 = tpu.memref_slice %arg10[%scan3A_193, %dma_start3A] : memref<32x64xi32, #tpu.memory_space<vmem>> -> memref<1x64xi32, #tpu.memory_space<vmem>>
      %dma_start3A_195 = tpu.memref_squeeze %dma_start3A_194 : memref<1x64xi32, #tpu.memory_space<vmem>> -> memref<64xi32, #tpu.memory_space<vmem>>
      %dma_start3A_196 = arith.constant 0 : i32
      %dma_start3A_197 = arith.constant 0 : i32
      %dma_start3A_198 = tpu.memref_slice %arg4[%dma_start3A_196, %dma_start3A_197] : memref<10000x128xf32, #tpu.memory_space<hbm>> -> memref<10000x128xf32, #tpu.memory_space<hbm>>
      tpu.enqueue_indirect_dma source(%dma_start3A_198 : memref<10000x128xf32, #tpu.memory_space<hbm>>) target(%arg12 : memref<64x128xf32, #tpu.memory_space<vmem>>) offsets(%dma_start3A_195 : memref<64xi32, #tpu.memory_space<vmem>>) semaphore(%arg16 : memref<!tpu.dma_semaphore, #tpu.memory_space<semaphore_mem>>)
      %dma_wait3A = arith.constant 0 : i32
      %dma_wait3A_199 = tpu.memref_slice %arg10[%scan3A_193, %dma_wait3A] : memref<32x64xi32, #tpu.memory_space<vmem>> -> memref<1x64xi32, #tpu.memory_space<vmem>>
      %dma_wait3A_200 = tpu.memref_squeeze %dma_wait3A_199 : memref<1x64xi32, #tpu.memory_space<vmem>> -> memref<64xi32, #tpu.memory_space<vmem>>
      %dma_wait3A_201 = arith.constant 0 : i32
      %dma_wait3A_202 = arith.constant 0 : i32
      %dma_wait3A_203 = tpu.memref_slice %arg4[%dma_wait3A_201, %dma_wait3A_202] : memref<10000x128xf32, #tpu.memory_space<hbm>> -> memref<10000x128xf32, #tpu.memory_space<hbm>>
      tpu.wait_indirect_dma semaphore(%arg16 : memref<!tpu.dma_semaphore, #tpu.memory_space<semaphore_mem>>) src(%dma_wait3A_203 : memref<10000x128xf32, #tpu.memory_space<hbm>>) dst(%arg12 : memref<64x128xf32, #tpu.memory_space<vmem>>)
      "tpu.region"() ({
        %run_scoped3A = tpu.sem_alloc : memref<!tpu.dma_semaphore, #tpu.memory_space<semaphore_mem>>
        %dma_start3A_204 = arith.constant 0 : i32
        %dma_start3A_205 = tpu.memref_slice %arg11[%scan3A_193, %dma_start3A_204] : memref<32x64xi32, #tpu.memory_space<vmem>> -> memref<1x64xi32, #tpu.memory_space<vmem>>
        %dma_start3A_206 = tpu.memref_squeeze %dma_start3A_205 : memref<1x64xi32, #tpu.memory_space<vmem>> -> memref<64xi32, #tpu.memory_space<vmem>>
        %dma_start3A_207 = arith.constant 0 : i32
        %dma_start3A_208 = arith.constant 0 : i32
        %dma_start3A_209 = tpu.memref_slice %arg14[%dma_start3A_207, %dma_start3A_208] : memref<10240x128xf32, #tpu.memory_space<vmem_shared>> -> memref<10240x128xf32, #tpu.memory_space<vmem_shared>>
        tpu.enqueue_indirect_dma source(%arg12 : memref<64x128xf32, #tpu.memory_space<vmem>>) target(%dma_start3A_209 : memref<10240x128xf32, #tpu.memory_space<vmem_shared>>) offsets(%dma_start3A_206 : memref<64xi32, #tpu.memory_space<vmem>>) semaphore(%run_scoped3A : memref<!tpu.dma_semaphore, #tpu.memory_space<semaphore_mem>>) {add = true}
        %dma_wait3A_210 = arith.constant 0 : i32
        %dma_wait3A_211 = tpu.memref_slice %arg11[%scan3A_193, %dma_wait3A_210] : memref<32x64xi32, #tpu.memory_space<vmem>> -> memref<1x64xi32, #tpu.memory_space<vmem>>
        %dma_wait3A_212 = tpu.memref_squeeze %dma_wait3A_211 : memref<1x64xi32, #tpu.memory_space<vmem>> -> memref<64xi32, #tpu.memory_space<vmem>>
        %dma_wait3A_213 = arith.constant 0 : i32
        %dma_wait3A_214 = arith.constant 0 : i32
        %dma_wait3A_215 = tpu.memref_slice %arg14[%dma_wait3A_213, %dma_wait3A_214] : memref<10240x128xf32, #tpu.memory_space<vmem_shared>> -> memref<10240x128xf32, #tpu.memory_space<vmem_shared>>
        tpu.wait_indirect_dma semaphore(%run_scoped3A : memref<!tpu.dma_semaphore, #tpu.memory_space<semaphore_mem>>) src(%arg12 : memref<64x128xf32, #tpu.memory_space<vmem>>) dst(%dma_wait3A_215 : memref<10240x128xf32, #tpu.memory_space<vmem_shared>>)
        tpu.yield
      }) : () -> ()
      "tpu.region"() ({
        %run_scoped3A = tpu.sem_alloc : memref<!tpu.dma_semaphore, #tpu.memory_space<semaphore_mem>>
        %dma_start3A_204 = arith.constant 0 : i32
        %dma_start3A_205 = tpu.memref_slice %arg11[%scan3A_193, %dma_start3A_204] : memref<32x64xi32, #tpu.memory_space<vmem>> -> memref<1x64xi32, #tpu.memory_space<vmem>>
        %dma_start3A_206 = tpu.memref_squeeze %dma_start3A_205 : memref<1x64xi32, #tpu.memory_space<vmem>> -> memref<64xi32, #tpu.memory_space<vmem>>
        %dma_start3A_207 = arith.constant 0 : i32
        %dma_start3A_208 = arith.constant 0 : i32
        %dma_start3A_209 = tpu.memref_slice %arg15[%dma_start3A_207, %dma_start3A_208] : memref<10240x16xf32, #tpu.memory_space<vmem_shared>> -> memref<10240x16xf32, #tpu.memory_space<vmem_shared>>
        tpu.enqueue_indirect_dma source(%arg13 : memref<64x16xf32, #tpu.memory_space<vmem>>) target(%dma_start3A_209 : memref<10240x16xf32, #tpu.memory_space<vmem_shared>>) offsets(%dma_start3A_206 : memref<64xi32, #tpu.memory_space<vmem>>) semaphore(%run_scoped3A : memref<!tpu.dma_semaphore, #tpu.memory_space<semaphore_mem>>) {add = true}
        %dma_wait3A_210 = arith.constant 0 : i32
        %dma_wait3A_211 = tpu.memref_slice %arg11[%scan3A_193, %dma_wait3A_210] : memref<32x64xi32, #tpu.memory_space<vmem>> -> memref<1x64xi32, #tpu.memory_space<vmem>>
        %dma_wait3A_212 = tpu.memref_squeeze %dma_wait3A_211 : memref<1x64xi32, #tpu.memory_space<vmem>> -> memref<64xi32, #tpu.memory_space<vmem>>
        %dma_wait3A_213 = arith.constant 0 : i32
        %dma_wait3A_214 = arith.constant 0 : i32
        %dma_wait3A_215 = tpu.memref_slice %arg15[%dma_wait3A_213, %dma_wait3A_214] : memref<10240x16xf32, #tpu.memory_space<vmem_shared>> -> memref<10240x16xf32, #tpu.memory_space<vmem_shared>>
        tpu.wait_indirect_dma semaphore(%run_scoped3A : memref<!tpu.dma_semaphore, #tpu.memory_space<semaphore_mem>>) src(%arg13 : memref<64x16xf32, #tpu.memory_space<vmem>>) dst(%dma_wait3A_215 : memref<10240x16xf32, #tpu.memory_space<vmem_shared>>)
        tpu.yield
      }) : () -> ()
    }
    %scan3A_71 = arith.constant 32 : i32
    %add3A_72 = arith.constant 96 : i32
    %add3A_73 = arith.addi %mul3A_2, %add3A_72 : i32
    "tpu.region"() ({
      %run_scoped3A = tpu.sem_alloc : memref<!tpu.dma_semaphore, #tpu.memory_space<semaphore_mem>>
      %dma_start3A = arith.constant 0 : i32
      %dma_start3A_193 = tpu.memref_slice %arg2[%add3A_73, %dma_start3A] : memref<5120x64xi32, #tpu.memory_space<hbm>> -> memref<32x64xi32, #tpu.memory_space<hbm>>
      %dma_start3A_194 = arith.constant 0 : i32
      %dma_start3A_195 = tpu.memref_slice %arg2[%add3A_73, %dma_start3A_194] : memref<5120x64xi32, #tpu.memory_space<hbm>> -> memref<32x64xi32, #tpu.memory_space<hbm>>
      tpu.enqueue_dma source(%dma_start3A_195 : memref<32x64xi32, #tpu.memory_space<hbm>>) target(%arg10 : memref<32x64xi32, #tpu.memory_space<vmem>>) target_semaphore(%run_scoped3A : memref<!tpu.dma_semaphore, #tpu.memory_space<semaphore_mem>>)
      %dma_wait3A = arith.constant 0 : i32
      %dma_wait3A_196 = tpu.memref_slice %arg2[%add3A_73, %dma_wait3A] : memref<5120x64xi32, #tpu.memory_space<hbm>> -> memref<32x64xi32, #tpu.memory_space<hbm>>
      %dma_wait3A_197 = arith.constant 0 : i32
      %dma_wait3A_198 = tpu.memref_slice %arg2[%add3A_73, %dma_wait3A_197] : memref<5120x64xi32, #tpu.memory_space<hbm>> -> memref<32x64xi32, #tpu.memory_space<hbm>>
      tpu.wait_dma2 semaphore(%run_scoped3A : memref<!tpu.dma_semaphore, #tpu.memory_space<semaphore_mem>>) src(%dma_wait3A_198 : memref<32x64xi32, #tpu.memory_space<hbm>>) dst(%arg10 : memref<32x64xi32, #tpu.memory_space<vmem>>)
      tpu.yield
    }) : () -> ()
    %add3A_74 = arith.constant 96 : i32
    %add3A_75 = arith.addi %mul3A_2, %add3A_74 : i32
    "tpu.region"() ({
      %run_scoped3A = tpu.sem_alloc : memref<!tpu.dma_semaphore, #tpu.memory_space<semaphore_mem>>
      %dma_start3A = arith.constant 0 : i32
      %dma_start3A_193 = tpu.memref_slice %arg3[%add3A_75, %dma_start3A] : memref<5120x64xi32, #tpu.memory_space<hbm>> -> memref<32x64xi32, #tpu.memory_space<hbm>>
      %dma_start3A_194 = arith.constant 0 : i32
      %dma_start3A_195 = tpu.memref_slice %arg3[%add3A_75, %dma_start3A_194] : memref<5120x64xi32, #tpu.memory_space<hbm>> -> memref<32x64xi32, #tpu.memory_space<hbm>>
      tpu.enqueue_dma source(%dma_start3A_195 : memref<32x64xi32, #tpu.memory_space<hbm>>) target(%arg11 : memref<32x64xi32, #tpu.memory_space<vmem>>) target_semaphore(%run_scoped3A : memref<!tpu.dma_semaphore, #tpu.memory_space<semaphore_mem>>)
      %dma_wait3A = arith.constant 0 : i32
      %dma_wait3A_196 = tpu.memref_slice %arg3[%add3A_75, %dma_wait3A] : memref<5120x64xi32, #tpu.memory_space<hbm>> -> memref<32x64xi32, #tpu.memory_space<hbm>>
      %dma_wait3A_197 = arith.constant 0 : i32
      %dma_wait3A_198 = tpu.memref_slice %arg3[%add3A_75, %dma_wait3A_197] : memref<5120x64xi32, #tpu.memory_space<hbm>> -> memref<32x64xi32, #tpu.memory_space<hbm>>
      tpu.wait_dma2 semaphore(%run_scoped3A : memref<!tpu.dma_semaphore, #tpu.memory_space<semaphore_mem>>) src(%dma_wait3A_198 : memref<32x64xi32, #tpu.memory_space<hbm>>) dst(%arg11 : memref<32x64xi32, #tpu.memory_space<vmem>>)
      tpu.yield
    }) : () -> ()
    %scan3A_76 = arith.constant 0 : i32
    %scan3A_77 = arith.constant 0 : i32
    %scan3A_78 = arith.constant 32 : i32
    %scan3A_79 = arith.addi %scan3A_77, %scan3A_78 : i32
    %scan3A_80 = arith.constant 1 : i32
    scf.for %scan3A_193 = %scan3A_77 to %scan3A_79 step %scan3A_80  : i32 {
      %dma_start3A = arith.constant 0 : i32
      %dma_start3A_194 = tpu.memref_slice %arg10[%scan3A_193, %dma_start3A] : memref<32x64xi32, #tpu.memory_space<vmem>> -> memref<1x64xi32, #tpu.memory_space<vmem>>
      %dma_start3A_195 = tpu.memref_squeeze %dma_start3A_194 : memref<1x64xi32, #tpu.memory_space<vmem>> -> memref<64xi32, #tpu.memory_space<vmem>>
      %dma_start3A_196 = arith.constant 0 : i32
      %dma_start3A_197 = arith.constant 0 : i32
      %dma_start3A_198 = tpu.memref_slice %arg4[%dma_start3A_196, %dma_start3A_197] : memref<10000x128xf32, #tpu.memory_space<hbm>> -> memref<10000x128xf32, #tpu.memory_space<hbm>>
      tpu.enqueue_indirect_dma source(%dma_start3A_198 : memref<10000x128xf32, #tpu.memory_space<hbm>>) target(%arg12 : memref<64x128xf32, #tpu.memory_space<vmem>>) offsets(%dma_start3A_195 : memref<64xi32, #tpu.memory_space<vmem>>) semaphore(%arg16 : memref<!tpu.dma_semaphore, #tpu.memory_space<semaphore_mem>>)
      %dma_wait3A = arith.constant 0 : i32
      %dma_wait3A_199 = tpu.memref_slice %arg10[%scan3A_193, %dma_wait3A] : memref<32x64xi32, #tpu.memory_space<vmem>> -> memref<1x64xi32, #tpu.memory_space<vmem>>
      %dma_wait3A_200 = tpu.memref_squeeze %dma_wait3A_199 : memref<1x64xi32, #tpu.memory_space<vmem>> -> memref<64xi32, #tpu.memory_space<vmem>>
      %dma_wait3A_201 = arith.constant 0 : i32
      %dma_wait3A_202 = arith.constant 0 : i32
      %dma_wait3A_203 = tpu.memref_slice %arg4[%dma_wait3A_201, %dma_wait3A_202] : memref<10000x128xf32, #tpu.memory_space<hbm>> -> memref<10000x128xf32, #tpu.memory_space<hbm>>
      tpu.wait_indirect_dma semaphore(%arg16 : memref<!tpu.dma_semaphore, #tpu.memory_space<semaphore_mem>>) src(%dma_wait3A_203 : memref<10000x128xf32, #tpu.memory_space<hbm>>) dst(%arg12 : memref<64x128xf32, #tpu.memory_space<vmem>>)
      "tpu.region"() ({
        %run_scoped3A = tpu.sem_alloc : memref<!tpu.dma_semaphore, #tpu.memory_space<semaphore_mem>>
        %dma_start3A_204 = arith.constant 0 : i32
        %dma_start3A_205 = tpu.memref_slice %arg11[%scan3A_193, %dma_start3A_204] : memref<32x64xi32, #tpu.memory_space<vmem>> -> memref<1x64xi32, #tpu.memory_space<vmem>>
        %dma_start3A_206 = tpu.memref_squeeze %dma_start3A_205 : memref<1x64xi32, #tpu.memory_space<vmem>> -> memref<64xi32, #tpu.memory_space<vmem>>
        %dma_start3A_207 = arith.constant 0 : i32
        %dma_start3A_208 = arith.constant 0 : i32
        %dma_start3A_209 = tpu.memref_slice %arg14[%dma_start3A_207, %dma_start3A_208] : memref<10240x128xf32, #tpu.memory_space<vmem_shared>> -> memref<10240x128xf32, #tpu.memory_space<vmem_shared>>
        tpu.enqueue_indirect_dma source(%arg12 : memref<64x128xf32, #tpu.memory_space<vmem>>) target(%dma_start3A_209 : memref<10240x128xf32, #tpu.memory_space<vmem_shared>>) offsets(%dma_start3A_206 : memref<64xi32, #tpu.memory_space<vmem>>) semaphore(%run_scoped3A : memref<!tpu.dma_semaphore, #tpu.memory_space<semaphore_mem>>) {add = true}
        %dma_wait3A_210 = arith.constant 0 : i32
        %dma_wait3A_211 = tpu.memref_slice %arg11[%scan3A_193, %dma_wait3A_210] : memref<32x64xi32, #tpu.memory_space<vmem>> -> memref<1x64xi32, #tpu.memory_space<vmem>>
        %dma_wait3A_212 = tpu.memref_squeeze %dma_wait3A_211 : memref<1x64xi32, #tpu.memory_space<vmem>> -> memref<64xi32, #tpu.memory_space<vmem>>
        %dma_wait3A_213 = arith.constant 0 : i32
        %dma_wait3A_214 = arith.constant 0 : i32
        %dma_wait3A_215 = tpu.memref_slice %arg14[%dma_wait3A_213, %dma_wait3A_214] : memref<10240x128xf32, #tpu.memory_space<vmem_shared>> -> memref<10240x128xf32, #tpu.memory_space<vmem_shared>>
        tpu.wait_indirect_dma semaphore(%run_scoped3A : memref<!tpu.dma_semaphore, #tpu.memory_space<semaphore_mem>>) src(%arg12 : memref<64x128xf32, #tpu.memory_space<vmem>>) dst(%dma_wait3A_215 : memref<10240x128xf32, #tpu.memory_space<vmem_shared>>)
        tpu.yield
      }) : () -> ()
      "tpu.region"() ({
        %run_scoped3A = tpu.sem_alloc : memref<!tpu.dma_semaphore, #tpu.memory_space<semaphore_mem>>
        %dma_start3A_204 = arith.constant 0 : i32
        %dma_start3A_205 = tpu.memref_slice %arg11[%scan3A_193, %dma_start3A_204] : memref<32x64xi32, #tpu.memory_space<vmem>> -> memref<1x64xi32, #tpu.memory_space<vmem>>
        %dma_start3A_206 = tpu.memref_squeeze %dma_start3A_205 : memref<1x64xi32, #tpu.memory_space<vmem>> -> memref<64xi32, #tpu.memory_space<vmem>>
        %dma_start3A_207 = arith.constant 0 : i32
        %dma_start3A_208 = arith.constant 0 : i32
        %dma_start3A_209 = tpu.memref_slice %arg15[%dma_start3A_207, %dma_start3A_208] : memref<10240x16xf32, #tpu.memory_space<vmem_shared>> -> memref<10240x16xf32, #tpu.memory_space<vmem_shared>>
        tpu.enqueue_indirect_dma source(%arg13 : memref<64x16xf32, #tpu.memory_space<vmem>>) target(%dma_start3A_209 : memref<10240x16xf32, #tpu.memory_space<vmem_shared>>) offsets(%dma_start3A_206 : memref<64xi32, #tpu.memory_space<vmem>>) semaphore(%run_scoped3A : memref<!tpu.dma_semaphore, #tpu.memory_space<semaphore_mem>>) {add = true}
        %dma_wait3A_210 = arith.constant 0 : i32
        %dma_wait3A_211 = tpu.memref_slice %arg11[%scan3A_193, %dma_wait3A_210] : memref<32x64xi32, #tpu.memory_space<vmem>> -> memref<1x64xi32, #tpu.memory_space<vmem>>
        %dma_wait3A_212 = tpu.memref_squeeze %dma_wait3A_211 : memref<1x64xi32, #tpu.memory_space<vmem>> -> memref<64xi32, #tpu.memory_space<vmem>>
        %dma_wait3A_213 = arith.constant 0 : i32
        %dma_wait3A_214 = arith.constant 0 : i32
        %dma_wait3A_215 = tpu.memref_slice %arg15[%dma_wait3A_213, %dma_wait3A_214] : memref<10240x16xf32, #tpu.memory_space<vmem_shared>> -> memref<10240x16xf32, #tpu.memory_space<vmem_shared>>
        tpu.wait_indirect_dma semaphore(%run_scoped3A : memref<!tpu.dma_semaphore, #tpu.memory_space<semaphore_mem>>) src(%arg13 : memref<64x16xf32, #tpu.memory_space<vmem>>) dst(%dma_wait3A_215 : memref<10240x16xf32, #tpu.memory_space<vmem_shared>>)
        tpu.yield
      }) : () -> ()
    }
    %scan3A_81 = arith.constant 32 : i32
    %add3A_82 = arith.constant 128 : i32
    %add3A_83 = arith.addi %mul3A_2, %add3A_82 : i32
    "tpu.region"() ({
      %run_scoped3A = tpu.sem_alloc : memref<!tpu.dma_semaphore, #tpu.memory_space<semaphore_mem>>
      %dma_start3A = arith.constant 0 : i32
      %dma_start3A_193 = tpu.memref_slice %arg2[%add3A_83, %dma_start3A] : memref<5120x64xi32, #tpu.memory_space<hbm>> -> memref<32x64xi32, #tpu.memory_space<hbm>>
      %dma_start3A_194 = arith.constant 0 : i32
      %dma_start3A_195 = tpu.memref_slice %arg2[%add3A_83, %dma_start3A_194] : memref<5120x64xi32, #tpu.memory_space<hbm>> -> memref<32x64xi32, #tpu.memory_space<hbm>>
      tpu.enqueue_dma source(%dma_start3A_195 : memref<32x64xi32, #tpu.memory_space<hbm>>) target(%arg10 : memref<32x64xi32, #tpu.memory_space<vmem>>) target_semaphore(%run_scoped3A : memref<!tpu.dma_semaphore, #tpu.memory_space<semaphore_mem>>)
      %dma_wait3A = arith.constant 0 : i32
      %dma_wait3A_196 = tpu.memref_slice %arg2[%add3A_83, %dma_wait3A] : memref<5120x64xi32, #tpu.memory_space<hbm>> -> memref<32x64xi32, #tpu.memory_space<hbm>>
      %dma_wait3A_197 = arith.constant 0 : i32
      %dma_wait3A_198 = tpu.memref_slice %arg2[%add3A_83, %dma_wait3A_197] : memref<5120x64xi32, #tpu.memory_space<hbm>> -> memref<32x64xi32, #tpu.memory_space<hbm>>
      tpu.wait_dma2 semaphore(%run_scoped3A : memref<!tpu.dma_semaphore, #tpu.memory_space<semaphore_mem>>) src(%dma_wait3A_198 : memref<32x64xi32, #tpu.memory_space<hbm>>) dst(%arg10 : memref<32x64xi32, #tpu.memory_space<vmem>>)
      tpu.yield
    }) : () -> ()
    %add3A_84 = arith.constant 128 : i32
    %add3A_85 = arith.addi %mul3A_2, %add3A_84 : i32
    "tpu.region"() ({
      %run_scoped3A = tpu.sem_alloc : memref<!tpu.dma_semaphore, #tpu.memory_space<semaphore_mem>>
      %dma_start3A = arith.constant 0 : i32
      %dma_start3A_193 = tpu.memref_slice %arg3[%add3A_85, %dma_start3A] : memref<5120x64xi32, #tpu.memory_space<hbm>> -> memref<32x64xi32, #tpu.memory_space<hbm>>
      %dma_start3A_194 = arith.constant 0 : i32
      %dma_start3A_195 = tpu.memref_slice %arg3[%add3A_85, %dma_start3A_194] : memref<5120x64xi32, #tpu.memory_space<hbm>> -> memref<32x64xi32, #tpu.memory_space<hbm>>
      tpu.enqueue_dma source(%dma_start3A_195 : memref<32x64xi32, #tpu.memory_space<hbm>>) target(%arg11 : memref<32x64xi32, #tpu.memory_space<vmem>>) target_semaphore(%run_scoped3A : memref<!tpu.dma_semaphore, #tpu.memory_space<semaphore_mem>>)
      %dma_wait3A = arith.constant 0 : i32
      %dma_wait3A_196 = tpu.memref_slice %arg3[%add3A_85, %dma_wait3A] : memref<5120x64xi32, #tpu.memory_space<hbm>> -> memref<32x64xi32, #tpu.memory_space<hbm>>
      %dma_wait3A_197 = arith.constant 0 : i32
      %dma_wait3A_198 = tpu.memref_slice %arg3[%add3A_85, %dma_wait3A_197] : memref<5120x64xi32, #tpu.memory_space<hbm>> -> memref<32x64xi32, #tpu.memory_space<hbm>>
      tpu.wait_dma2 semaphore(%run_scoped3A : memref<!tpu.dma_semaphore, #tpu.memory_space<semaphore_mem>>) src(%dma_wait3A_198 : memref<32x64xi32, #tpu.memory_space<hbm>>) dst(%arg11 : memref<32x64xi32, #tpu.memory_space<vmem>>)
      tpu.yield
    }) : () -> ()
    %scan3A_86 = arith.constant 0 : i32
    %scan3A_87 = arith.constant 0 : i32
    %scan3A_88 = arith.constant 32 : i32
    %scan3A_89 = arith.addi %scan3A_87, %scan3A_88 : i32
    %scan3A_90 = arith.constant 1 : i32
    scf.for %scan3A_193 = %scan3A_87 to %scan3A_89 step %scan3A_90  : i32 {
      %dma_start3A = arith.constant 0 : i32
      %dma_start3A_194 = tpu.memref_slice %arg10[%scan3A_193, %dma_start3A] : memref<32x64xi32, #tpu.memory_space<vmem>> -> memref<1x64xi32, #tpu.memory_space<vmem>>
      %dma_start3A_195 = tpu.memref_squeeze %dma_start3A_194 : memref<1x64xi32, #tpu.memory_space<vmem>> -> memref<64xi32, #tpu.memory_space<vmem>>
      %dma_start3A_196 = arith.constant 0 : i32
      %dma_start3A_197 = arith.constant 0 : i32
      %dma_start3A_198 = tpu.memref_slice %arg4[%dma_start3A_196, %dma_start3A_197] : memref<10000x128xf32, #tpu.memory_space<hbm>> -> memref<10000x128xf32, #tpu.memory_space<hbm>>
      tpu.enqueue_indirect_dma source(%dma_start3A_198 : memref<10000x128xf32, #tpu.memory_space<hbm>>) target(%arg12 : memref<64x128xf32, #tpu.memory_space<vmem>>) offsets(%dma_start3A_195 : memref<64xi32, #tpu.memory_space<vmem>>) semaphore(%arg16 : memref<!tpu.dma_semaphore, #tpu.memory_space<semaphore_mem>>)
      %dma_wait3A = arith.constant 0 : i32
      %dma_wait3A_199 = tpu.memref_slice %arg10[%scan3A_193, %dma_wait3A] : memref<32x64xi32, #tpu.memory_space<vmem>> -> memref<1x64xi32, #tpu.memory_space<vmem>>
      %dma_wait3A_200 = tpu.memref_squeeze %dma_wait3A_199 : memref<1x64xi32, #tpu.memory_space<vmem>> -> memref<64xi32, #tpu.memory_space<vmem>>
      %dma_wait3A_201 = arith.constant 0 : i32
      %dma_wait3A_202 = arith.constant 0 : i32
      %dma_wait3A_203 = tpu.memref_slice %arg4[%dma_wait3A_201, %dma_wait3A_202] : memref<10000x128xf32, #tpu.memory_space<hbm>> -> memref<10000x128xf32, #tpu.memory_space<hbm>>
      tpu.wait_indirect_dma semaphore(%arg16 : memref<!tpu.dma_semaphore, #tpu.memory_space<semaphore_mem>>) src(%dma_wait3A_203 : memref<10000x128xf32, #tpu.memory_space<hbm>>) dst(%arg12 : memref<64x128xf32, #tpu.memory_space<vmem>>)
      "tpu.region"() ({
        %run_scoped3A = tpu.sem_alloc : memref<!tpu.dma_semaphore, #tpu.memory_space<semaphore_mem>>
        %dma_start3A_204 = arith.constant 0 : i32
        %dma_start3A_205 = tpu.memref_slice %arg11[%scan3A_193, %dma_start3A_204] : memref<32x64xi32, #tpu.memory_space<vmem>> -> memref<1x64xi32, #tpu.memory_space<vmem>>
        %dma_start3A_206 = tpu.memref_squeeze %dma_start3A_205 : memref<1x64xi32, #tpu.memory_space<vmem>> -> memref<64xi32, #tpu.memory_space<vmem>>
        %dma_start3A_207 = arith.constant 0 : i32
        %dma_start3A_208 = arith.constant 0 : i32
        %dma_start3A_209 = tpu.memref_slice %arg14[%dma_start3A_207, %dma_start3A_208] : memref<10240x128xf32, #tpu.memory_space<vmem_shared>> -> memref<10240x128xf32, #tpu.memory_space<vmem_shared>>
        tpu.enqueue_indirect_dma source(%arg12 : memref<64x128xf32, #tpu.memory_space<vmem>>) target(%dma_start3A_209 : memref<10240x128xf32, #tpu.memory_space<vmem_shared>>) offsets(%dma_start3A_206 : memref<64xi32, #tpu.memory_space<vmem>>) semaphore(%run_scoped3A : memref<!tpu.dma_semaphore, #tpu.memory_space<semaphore_mem>>) {add = true}
        %dma_wait3A_210 = arith.constant 0 : i32
        %dma_wait3A_211 = tpu.memref_slice %arg11[%scan3A_193, %dma_wait3A_210] : memref<32x64xi32, #tpu.memory_space<vmem>> -> memref<1x64xi32, #tpu.memory_space<vmem>>
        %dma_wait3A_212 = tpu.memref_squeeze %dma_wait3A_211 : memref<1x64xi32, #tpu.memory_space<vmem>> -> memref<64xi32, #tpu.memory_space<vmem>>
        %dma_wait3A_213 = arith.constant 0 : i32
        %dma_wait3A_214 = arith.constant 0 : i32
        %dma_wait3A_215 = tpu.memref_slice %arg14[%dma_wait3A_213, %dma_wait3A_214] : memref<10240x128xf32, #tpu.memory_space<vmem_shared>> -> memref<10240x128xf32, #tpu.memory_space<vmem_shared>>
        tpu.wait_indirect_dma semaphore(%run_scoped3A : memref<!tpu.dma_semaphore, #tpu.memory_space<semaphore_mem>>) src(%arg12 : memref<64x128xf32, #tpu.memory_space<vmem>>) dst(%dma_wait3A_215 : memref<10240x128xf32, #tpu.memory_space<vmem_shared>>)
        tpu.yield
      }) : () -> ()
      "tpu.region"() ({
        %run_scoped3A = tpu.sem_alloc : memref<!tpu.dma_semaphore, #tpu.memory_space<semaphore_mem>>
        %dma_start3A_204 = arith.constant 0 : i32
        %dma_start3A_205 = tpu.memref_slice %arg11[%scan3A_193, %dma_start3A_204] : memref<32x64xi32, #tpu.memory_space<vmem>> -> memref<1x64xi32, #tpu.memory_space<vmem>>
        %dma_start3A_206 = tpu.memref_squeeze %dma_start3A_205 : memref<1x64xi32, #tpu.memory_space<vmem>> -> memref<64xi32, #tpu.memory_space<vmem>>
        %dma_start3A_207 = arith.constant 0 : i32
        %dma_start3A_208 = arith.constant 0 : i32
        %dma_start3A_209 = tpu.memref_slice %arg15[%dma_start3A_207, %dma_start3A_208] : memref<10240x16xf32, #tpu.memory_space<vmem_shared>> -> memref<10240x16xf32, #tpu.memory_space<vmem_shared>>
        tpu.enqueue_indirect_dma source(%arg13 : memref<64x16xf32, #tpu.memory_space<vmem>>) target(%dma_start3A_209 : memref<10240x16xf32, #tpu.memory_space<vmem_shared>>) offsets(%dma_start3A_206 : memref<64xi32, #tpu.memory_space<vmem>>) semaphore(%run_scoped3A : memref<!tpu.dma_semaphore, #tpu.memory_space<semaphore_mem>>) {add = true}
        %dma_wait3A_210 = arith.constant 0 : i32
        %dma_wait3A_211 = tpu.memref_slice %arg11[%scan3A_193, %dma_wait3A_210] : memref<32x64xi32, #tpu.memory_space<vmem>> -> memref<1x64xi32, #tpu.memory_space<vmem>>
        %dma_wait3A_212 = tpu.memref_squeeze %dma_wait3A_211 : memref<1x64xi32, #tpu.memory_space<vmem>> -> memref<64xi32, #tpu.memory_space<vmem>>
        %dma_wait3A_213 = arith.constant 0 : i32
        %dma_wait3A_214 = arith.constant 0 : i32
        %dma_wait3A_215 = tpu.memref_slice %arg15[%dma_wait3A_213, %dma_wait3A_214] : memref<10240x16xf32, #tpu.memory_space<vmem_shared>> -> memref<10240x16xf32, #tpu.memory_space<vmem_shared>>
        tpu.wait_indirect_dma semaphore(%run_scoped3A : memref<!tpu.dma_semaphore, #tpu.memory_space<semaphore_mem>>) src(%arg13 : memref<64x16xf32, #tpu.memory_space<vmem>>) dst(%dma_wait3A_215 : memref<10240x16xf32, #tpu.memory_space<vmem_shared>>)
        tpu.yield
      }) : () -> ()
    }
    %scan3A_91 = arith.constant 32 : i32
    %barrier3A_92 = arith.constant 0 : index
    tpu.barrier barrier_id(%barrier3A_92)
    %mul3A_93 = arith.constant 640 : i32
    %mul3A_94 = arith.muli %arg1, %mul3A_93 : i32
    %add3A_95 = arith.constant 0 : i32
    %add3A_96 = arith.addi %mul3A_94, %add3A_95 : i32
    "tpu.region"() ({
      %run_scoped3A = tpu.sem_alloc : memref<!tpu.dma_semaphore, #tpu.memory_space<semaphore_mem>>
      %dma_start3A = arith.constant 0 : i32
      %dma_start3A_193 = tpu.memref_slice %arg14[%add3A_96, %dma_start3A] : memref<10240x128xf32, #tpu.memory_space<vmem_shared>> -> memref<64x128xf32, #tpu.memory_space<vmem_shared>>
      %dma_start3A_194 = arith.constant 0 : i32
      %dma_start3A_195 = tpu.memref_slice %arg14[%add3A_96, %dma_start3A_194] : memref<10240x128xf32, #tpu.memory_space<vmem_shared>> -> memref<64x128xf32, #tpu.memory_space<vmem_shared>>
      tpu.enqueue_dma source(%dma_start3A_195 : memref<64x128xf32, #tpu.memory_space<vmem_shared>>) target(%arg12 : memref<64x128xf32, #tpu.memory_space<vmem>>) target_semaphore(%run_scoped3A : memref<!tpu.dma_semaphore, #tpu.memory_space<semaphore_mem>>)
      %dma_wait3A = arith.constant 0 : i32
      %dma_wait3A_196 = tpu.memref_slice %arg14[%add3A_96, %dma_wait3A] : memref<10240x128xf32, #tpu.memory_space<vmem_shared>> -> memref<64x128xf32, #tpu.memory_space<vmem_shared>>
      %dma_wait3A_197 = arith.constant 0 : i32
      %dma_wait3A_198 = tpu.memref_slice %arg14[%add3A_96, %dma_wait3A_197] : memref<10240x128xf32, #tpu.memory_space<vmem_shared>> -> memref<64x128xf32, #tpu.memory_space<vmem_shared>>
      tpu.wait_dma2 semaphore(%run_scoped3A : memref<!tpu.dma_semaphore, #tpu.memory_space<semaphore_mem>>) src(%dma_wait3A_198 : memref<64x128xf32, #tpu.memory_space<vmem_shared>>) dst(%arg12 : memref<64x128xf32, #tpu.memory_space<vmem>>)
      tpu.yield
    }) : () -> ()
    %mul3A_97 = arith.constant 10240 : i32
    %mul3A_98 = arith.muli %arg0, %mul3A_97 : i32
    %add3A_99 = arith.addi %mul3A_98, %add3A_96 : i32
    "tpu.region"() ({
      %run_scoped3A = tpu.sem_alloc : memref<!tpu.dma_semaphore, #tpu.memory_space<semaphore_mem>>
      %dma_start3A = arith.constant 0 : i32
      %dma_start3A_193 = tpu.memref_slice %arg8[%add3A_99, %dma_start3A] : memref<20480x128xf32, #tpu.memory_space<hbm>> -> memref<64x128xf32, #tpu.memory_space<hbm>>
      %dma_start3A_194 = arith.constant 0 : i32
      %dma_start3A_195 = tpu.memref_slice %arg8[%add3A_99, %dma_start3A_194] : memref<20480x128xf32, #tpu.memory_space<hbm>> -> memref<64x128xf32, #tpu.memory_space<hbm>>
      tpu.enqueue_dma source(%arg12 : memref<64x128xf32, #tpu.memory_space<vmem>>) target(%dma_start3A_195 : memref<64x128xf32, #tpu.memory_space<hbm>>) target_semaphore(%run_scoped3A : memref<!tpu.dma_semaphore, #tpu.memory_space<semaphore_mem>>)
      %dma_wait3A = arith.constant 0 : i32
      %dma_wait3A_196 = tpu.memref_slice %arg8[%add3A_99, %dma_wait3A] : memref<20480x128xf32, #tpu.memory_space<hbm>> -> memref<64x128xf32, #tpu.memory_space<hbm>>
      %dma_wait3A_197 = arith.constant 0 : i32
      %dma_wait3A_198 = tpu.memref_slice %arg8[%add3A_99, %dma_wait3A_197] : memref<20480x128xf32, #tpu.memory_space<hbm>> -> memref<64x128xf32, #tpu.memory_space<hbm>>
      tpu.wait_dma2 semaphore(%run_scoped3A : memref<!tpu.dma_semaphore, #tpu.memory_space<semaphore_mem>>) src(%arg12 : memref<64x128xf32, #tpu.memory_space<vmem>>) dst(%dma_wait3A_198 : memref<64x128xf32, #tpu.memory_space<hbm>>)
      tpu.yield
    }) : () -> ()
    "tpu.region"() ({
      %run_scoped3A = tpu.sem_alloc : memref<!tpu.dma_semaphore, #tpu.memory_space<semaphore_mem>>
      %dma_start3A = arith.constant 0 : i32
      %dma_start3A_193 = tpu.memref_slice %arg15[%add3A_96, %dma_start3A] : memref<10240x16xf32, #tpu.memory_space<vmem_shared>> -> memref<64x16xf32, #tpu.memory_space<vmem_shared>>
      %dma_start3A_194 = arith.constant 0 : i32
      %dma_start3A_195 = tpu.memref_slice %arg15[%add3A_96, %dma_start3A_194] : memref<10240x16xf32, #tpu.memory_space<vmem_shared>> -> memref<64x16xf32, #tpu.memory_space<vmem_shared>>
      tpu.enqueue_dma source(%dma_start3A_195 : memref<64x16xf32, #tpu.memory_space<vmem_shared>>) target(%arg13 : memref<64x16xf32, #tpu.memory_space<vmem>>) target_semaphore(%run_scoped3A : memref<!tpu.dma_semaphore, #tpu.memory_space<semaphore_mem>>)
      %dma_wait3A = arith.constant 0 : i32
      %dma_wait3A_196 = tpu.memref_slice %arg15[%add3A_96, %dma_wait3A] : memref<10240x16xf32, #tpu.memory_space<vmem_shared>> -> memref<64x16xf32, #tpu.memory_space<vmem_shared>>
      %dma_wait3A_197 = arith.constant 0 : i32
      %dma_wait3A_198 = tpu.memref_slice %arg15[%add3A_96, %dma_wait3A_197] : memref<10240x16xf32, #tpu.memory_space<vmem_shared>> -> memref<64x16xf32, #tpu.memory_space<vmem_shared>>
      tpu.wait_dma2 semaphore(%run_scoped3A : memref<!tpu.dma_semaphore, #tpu.memory_space<semaphore_mem>>) src(%dma_wait3A_198 : memref<64x16xf32, #tpu.memory_space<vmem_shared>>) dst(%arg13 : memref<64x16xf32, #tpu.memory_space<vmem>>)
      tpu.yield
    }) : () -> ()
    %mul3A_100 = arith.constant 10240 : i32
    %mul3A_101 = arith.muli %arg0, %mul3A_100 : i32
    %add3A_102 = arith.addi %mul3A_101, %add3A_96 : i32
    "tpu.region"() ({
      %run_scoped3A = tpu.sem_alloc : memref<!tpu.dma_semaphore, #tpu.memory_space<semaphore_mem>>
      %dma_start3A = arith.constant 0 : i32
      %dma_start3A_193 = tpu.memref_slice %arg9[%add3A_102, %dma_start3A] : memref<20480x16xf32, #tpu.memory_space<hbm>> -> memref<64x16xf32, #tpu.memory_space<hbm>>
      %dma_start3A_194 = arith.constant 0 : i32
      %dma_start3A_195 = tpu.memref_slice %arg9[%add3A_102, %dma_start3A_194] : memref<20480x16xf32, #tpu.memory_space<hbm>> -> memref<64x16xf32, #tpu.memory_space<hbm>>
      tpu.enqueue_dma source(%arg13 : memref<64x16xf32, #tpu.memory_space<vmem>>) target(%dma_start3A_195 : memref<64x16xf32, #tpu.memory_space<hbm>>) target_semaphore(%run_scoped3A : memref<!tpu.dma_semaphore, #tpu.memory_space<semaphore_mem>>)
      %dma_wait3A = arith.constant 0 : i32
      %dma_wait3A_196 = tpu.memref_slice %arg9[%add3A_102, %dma_wait3A] : memref<20480x16xf32, #tpu.memory_space<hbm>> -> memref<64x16xf32, #tpu.memory_space<hbm>>
      %dma_wait3A_197 = arith.constant 0 : i32
      %dma_wait3A_198 = tpu.memref_slice %arg9[%add3A_102, %dma_wait3A_197] : memref<20480x16xf32, #tpu.memory_space<hbm>> -> memref<64x16xf32, #tpu.memory_space<hbm>>
      tpu.wait_dma2 semaphore(%run_scoped3A : memref<!tpu.dma_semaphore, #tpu.memory_space<semaphore_mem>>) src(%arg13 : memref<64x16xf32, #tpu.memory_space<vmem>>) dst(%dma_wait3A_198 : memref<64x16xf32, #tpu.memory_space<hbm>>)
      tpu.yield
    }) : () -> ()
    %mul3A_103 = arith.constant 640 : i32
    %mul3A_104 = arith.muli %arg1, %mul3A_103 : i32
    %add3A_105 = arith.constant 64 : i32
    %add3A_106 = arith.addi %mul3A_104, %add3A_105 : i32
    "tpu.region"() ({
      %run_scoped3A = tpu.sem_alloc : memref<!tpu.dma_semaphore, #tpu.memory_space<semaphore_mem>>
      %dma_start3A = arith.constant 0 : i32
      %dma_start3A_193 = tpu.memref_slice %arg14[%add3A_106, %dma_start3A] : memref<10240x128xf32, #tpu.memory_space<vmem_shared>> -> memref<64x128xf32, #tpu.memory_space<vmem_shared>>
      %dma_start3A_194 = arith.constant 0 : i32
      %dma_start3A_195 = tpu.memref_slice %arg14[%add3A_106, %dma_start3A_194] : memref<10240x128xf32, #tpu.memory_space<vmem_shared>> -> memref<64x128xf32, #tpu.memory_space<vmem_shared>>
      tpu.enqueue_dma source(%dma_start3A_195 : memref<64x128xf32, #tpu.memory_space<vmem_shared>>) target(%arg12 : memref<64x128xf32, #tpu.memory_space<vmem>>) target_semaphore(%run_scoped3A : memref<!tpu.dma_semaphore, #tpu.memory_space<semaphore_mem>>)
      %dma_wait3A = arith.constant 0 : i32
      %dma_wait3A_196 = tpu.memref_slice %arg14[%add3A_106, %dma_wait3A] : memref<10240x128xf32, #tpu.memory_space<vmem_shared>> -> memref<64x128xf32, #tpu.memory_space<vmem_shared>>
      %dma_wait3A_197 = arith.constant 0 : i32
      %dma_wait3A_198 = tpu.memref_slice %arg14[%add3A_106, %dma_wait3A_197] : memref<10240x128xf32, #tpu.memory_space<vmem_shared>> -> memref<64x128xf32, #tpu.memory_space<vmem_shared>>
      tpu.wait_dma2 semaphore(%run_scoped3A : memref<!tpu.dma_semaphore, #tpu.memory_space<semaphore_mem>>) src(%dma_wait3A_198 : memref<64x128xf32, #tpu.memory_space<vmem_shared>>) dst(%arg12 : memref<64x128xf32, #tpu.memory_space<vmem>>)
      tpu.yield
    }) : () -> ()
    %mul3A_107 = arith.constant 10240 : i32
    %mul3A_108 = arith.muli %arg0, %mul3A_107 : i32
    %add3A_109 = arith.addi %mul3A_108, %add3A_106 : i32
    "tpu.region"() ({
      %run_scoped3A = tpu.sem_alloc : memref<!tpu.dma_semaphore, #tpu.memory_space<semaphore_mem>>
      %dma_start3A = arith.constant 0 : i32
      %dma_start3A_193 = tpu.memref_slice %arg8[%add3A_109, %dma_start3A] : memref<20480x128xf32, #tpu.memory_space<hbm>> -> memref<64x128xf32, #tpu.memory_space<hbm>>
      %dma_start3A_194 = arith.constant 0 : i32
      %dma_start3A_195 = tpu.memref_slice %arg8[%add3A_109, %dma_start3A_194] : memref<20480x128xf32, #tpu.memory_space<hbm>> -> memref<64x128xf32, #tpu.memory_space<hbm>>
      tpu.enqueue_dma source(%arg12 : memref<64x128xf32, #tpu.memory_space<vmem>>) target(%dma_start3A_195 : memref<64x128xf32, #tpu.memory_space<hbm>>) target_semaphore(%run_scoped3A : memref<!tpu.dma_semaphore, #tpu.memory_space<semaphore_mem>>)
      %dma_wait3A = arith.constant 0 : i32
      %dma_wait3A_196 = tpu.memref_slice %arg8[%add3A_109, %dma_wait3A] : memref<20480x128xf32, #tpu.memory_space<hbm>> -> memref<64x128xf32, #tpu.memory_space<hbm>>
      %dma_wait3A_197 = arith.constant 0 : i32
      %dma_wait3A_198 = tpu.memref_slice %arg8[%add3A_109, %dma_wait3A_197] : memref<20480x128xf32, #tpu.memory_space<hbm>> -> memref<64x128xf32, #tpu.memory_space<hbm>>
      tpu.wait_dma2 semaphore(%run_scoped3A : memref<!tpu.dma_semaphore, #tpu.memory_space<semaphore_mem>>) src(%arg12 : memref<64x128xf32, #tpu.memory_space<vmem>>) dst(%dma_wait3A_198 : memref<64x128xf32, #tpu.memory_space<hbm>>)
      tpu.yield
    }) : () -> ()
    "tpu.region"() ({
      %run_scoped3A = tpu.sem_alloc : memref<!tpu.dma_semaphore, #tpu.memory_space<semaphore_mem>>
      %dma_start3A = arith.constant 0 : i32
      %dma_start3A_193 = tpu.memref_slice %arg15[%add3A_106, %dma_start3A] : memref<10240x16xf32, #tpu.memory_space<vmem_shared>> -> memref<64x16xf32, #tpu.memory_space<vmem_shared>>
      %dma_start3A_194 = arith.constant 0 : i32
      %dma_start3A_195 = tpu.memref_slice %arg15[%add3A_106, %dma_start3A_194] : memref<10240x16xf32, #tpu.memory_space<vmem_shared>> -> memref<64x16xf32, #tpu.memory_space<vmem_shared>>
      tpu.enqueue_dma source(%dma_start3A_195 : memref<64x16xf32, #tpu.memory_space<vmem_shared>>) target(%arg13 : memref<64x16xf32, #tpu.memory_space<vmem>>) target_semaphore(%run_scoped3A : memref<!tpu.dma_semaphore, #tpu.memory_space<semaphore_mem>>)
      %dma_wait3A = arith.constant 0 : i32
      %dma_wait3A_196 = tpu.memref_slice %arg15[%add3A_106, %dma_wait3A] : memref<10240x16xf32, #tpu.memory_space<vmem_shared>> -> memref<64x16xf32, #tpu.memory_space<vmem_shared>>
      %dma_wait3A_197 = arith.constant 0 : i32
      %dma_wait3A_198 = tpu.memref_slice %arg15[%add3A_106, %dma_wait3A_197] : memref<10240x16xf32, #tpu.memory_space<vmem_shared>> -> memref<64x16xf32, #tpu.memory_space<vmem_shared>>
      tpu.wait_dma2 semaphore(%run_scoped3A : memref<!tpu.dma_semaphore, #tpu.memory_space<semaphore_mem>>) src(%dma_wait3A_198 : memref<64x16xf32, #tpu.memory_space<vmem_shared>>) dst(%arg13 : memref<64x16xf32, #tpu.memory_space<vmem>>)
      tpu.yield
    }) : () -> ()
    %mul3A_110 = arith.constant 10240 : i32
    %mul3A_111 = arith.muli %arg0, %mul3A_110 : i32
    %add3A_112 = arith.addi %mul3A_111, %add3A_106 : i32
    "tpu.region"() ({
      %run_scoped3A = tpu.sem_alloc : memref<!tpu.dma_semaphore, #tpu.memory_space<semaphore_mem>>
      %dma_start3A = arith.constant 0 : i32
      %dma_start3A_193 = tpu.memref_slice %arg9[%add3A_112, %dma_start3A] : memref<20480x16xf32, #tpu.memory_space<hbm>> -> memref<64x16xf32, #tpu.memory_space<hbm>>
      %dma_start3A_194 = arith.constant 0 : i32
      %dma_start3A_195 = tpu.memref_slice %arg9[%add3A_112, %dma_start3A_194] : memref<20480x16xf32, #tpu.memory_space<hbm>> -> memref<64x16xf32, #tpu.memory_space<hbm>>
      tpu.enqueue_dma source(%arg13 : memref<64x16xf32, #tpu.memory_space<vmem>>) target(%dma_start3A_195 : memref<64x16xf32, #tpu.memory_space<hbm>>) target_semaphore(%run_scoped3A : memref<!tpu.dma_semaphore, #tpu.memory_space<semaphore_mem>>)
      %dma_wait3A = arith.constant 0 : i32
      %dma_wait3A_196 = tpu.memref_slice %arg9[%add3A_112, %dma_wait3A] : memref<20480x16xf32, #tpu.memory_space<hbm>> -> memref<64x16xf32, #tpu.memory_space<hbm>>
      %dma_wait3A_197 = arith.constant 0 : i32
      %dma_wait3A_198 = tpu.memref_slice %arg9[%add3A_112, %dma_wait3A_197] : memref<20480x16xf32, #tpu.memory_space<hbm>> -> memref<64x16xf32, #tpu.memory_space<hbm>>
      tpu.wait_dma2 semaphore(%run_scoped3A : memref<!tpu.dma_semaphore, #tpu.memory_space<semaphore_mem>>) src(%arg13 : memref<64x16xf32, #tpu.memory_space<vmem>>) dst(%dma_wait3A_198 : memref<64x16xf32, #tpu.memory_space<hbm>>)
      tpu.yield
    }) : () -> ()
    %mul3A_113 = arith.constant 640 : i32
    %mul3A_114 = arith.muli %arg1, %mul3A_113 : i32
    %add3A_115 = arith.constant 128 : i32
    %add3A_116 = arith.addi %mul3A_114, %add3A_115 : i32
    "tpu.region"() ({
      %run_scoped3A = tpu.sem_alloc : memref<!tpu.dma_semaphore, #tpu.memory_space<semaphore_mem>>
      %dma_start3A = arith.constant 0 : i32
      %dma_start3A_193 = tpu.memref_slice %arg14[%add3A_116, %dma_start3A] : memref<10240x128xf32, #tpu.memory_space<vmem_shared>> -> memref<64x128xf32, #tpu.memory_space<vmem_shared>>
      %dma_start3A_194 = arith.constant 0 : i32
      %dma_start3A_195 = tpu.memref_slice %arg14[%add3A_116, %dma_start3A_194] : memref<10240x128xf32, #tpu.memory_space<vmem_shared>> -> memref<64x128xf32, #tpu.memory_space<vmem_shared>>
      tpu.enqueue_dma source(%dma_start3A_195 : memref<64x128xf32, #tpu.memory_space<vmem_shared>>) target(%arg12 : memref<64x128xf32, #tpu.memory_space<vmem>>) target_semaphore(%run_scoped3A : memref<!tpu.dma_semaphore, #tpu.memory_space<semaphore_mem>>)
      %dma_wait3A = arith.constant 0 : i32
      %dma_wait3A_196 = tpu.memref_slice %arg14[%add3A_116, %dma_wait3A] : memref<10240x128xf32, #tpu.memory_space<vmem_shared>> -> memref<64x128xf32, #tpu.memory_space<vmem_shared>>
      %dma_wait3A_197 = arith.constant 0 : i32
      %dma_wait3A_198 = tpu.memref_slice %arg14[%add3A_116, %dma_wait3A_197] : memref<10240x128xf32, #tpu.memory_space<vmem_shared>> -> memref<64x128xf32, #tpu.memory_space<vmem_shared>>
      tpu.wait_dma2 semaphore(%run_scoped3A : memref<!tpu.dma_semaphore, #tpu.memory_space<semaphore_mem>>) src(%dma_wait3A_198 : memref<64x128xf32, #tpu.memory_space<vmem_shared>>) dst(%arg12 : memref<64x128xf32, #tpu.memory_space<vmem>>)
      tpu.yield
    }) : () -> ()
    %mul3A_117 = arith.constant 10240 : i32
    %mul3A_118 = arith.muli %arg0, %mul3A_117 : i32
    %add3A_119 = arith.addi %mul3A_118, %add3A_116 : i32
    "tpu.region"() ({
      %run_scoped3A = tpu.sem_alloc : memref<!tpu.dma_semaphore, #tpu.memory_space<semaphore_mem>>
      %dma_start3A = arith.constant 0 : i32
      %dma_start3A_193 = tpu.memref_slice %arg8[%add3A_119, %dma_start3A] : memref<20480x128xf32, #tpu.memory_space<hbm>> -> memref<64x128xf32, #tpu.memory_space<hbm>>
      %dma_start3A_194 = arith.constant 0 : i32
      %dma_start3A_195 = tpu.memref_slice %arg8[%add3A_119, %dma_start3A_194] : memref<20480x128xf32, #tpu.memory_space<hbm>> -> memref<64x128xf32, #tpu.memory_space<hbm>>
      tpu.enqueue_dma source(%arg12 : memref<64x128xf32, #tpu.memory_space<vmem>>) target(%dma_start3A_195 : memref<64x128xf32, #tpu.memory_space<hbm>>) target_semaphore(%run_scoped3A : memref<!tpu.dma_semaphore, #tpu.memory_space<semaphore_mem>>)
      %dma_wait3A = arith.constant 0 : i32
      %dma_wait3A_196 = tpu.memref_slice %arg8[%add3A_119, %dma_wait3A] : memref<20480x128xf32, #tpu.memory_space<hbm>> -> memref<64x128xf32, #tpu.memory_space<hbm>>
      %dma_wait3A_197 = arith.constant 0 : i32
      %dma_wait3A_198 = tpu.memref_slice %arg8[%add3A_119, %dma_wait3A_197] : memref<20480x128xf32, #tpu.memory_space<hbm>> -> memref<64x128xf32, #tpu.memory_space<hbm>>
      tpu.wait_dma2 semaphore(%run_scoped3A : memref<!tpu.dma_semaphore, #tpu.memory_space<semaphore_mem>>) src(%arg12 : memref<64x128xf32, #tpu.memory_space<vmem>>) dst(%dma_wait3A_198 : memref<64x128xf32, #tpu.memory_space<hbm>>)
      tpu.yield
    }) : () -> ()
    "tpu.region"() ({
      %run_scoped3A = tpu.sem_alloc : memref<!tpu.dma_semaphore, #tpu.memory_space<semaphore_mem>>
      %dma_start3A = arith.constant 0 : i32
      %dma_start3A_193 = tpu.memref_slice %arg15[%add3A_116, %dma_start3A] : memref<10240x16xf32, #tpu.memory_space<vmem_shared>> -> memref<64x16xf32, #tpu.memory_space<vmem_shared>>
      %dma_start3A_194 = arith.constant 0 : i32
      %dma_start3A_195 = tpu.memref_slice %arg15[%add3A_116, %dma_start3A_194] : memref<10240x16xf32, #tpu.memory_space<vmem_shared>> -> memref<64x16xf32, #tpu.memory_space<vmem_shared>>
      tpu.enqueue_dma source(%dma_start3A_195 : memref<64x16xf32, #tpu.memory_space<vmem_shared>>) target(%arg13 : memref<64x16xf32, #tpu.memory_space<vmem>>) target_semaphore(%run_scoped3A : memref<!tpu.dma_semaphore, #tpu.memory_space<semaphore_mem>>)
      %dma_wait3A = arith.constant 0 : i32
      %dma_wait3A_196 = tpu.memref_slice %arg15[%add3A_116, %dma_wait3A] : memref<10240x16xf32, #tpu.memory_space<vmem_shared>> -> memref<64x16xf32, #tpu.memory_space<vmem_shared>>
      %dma_wait3A_197 = arith.constant 0 : i32
      %dma_wait3A_198 = tpu.memref_slice %arg15[%add3A_116, %dma_wait3A_197] : memref<10240x16xf32, #tpu.memory_space<vmem_shared>> -> memref<64x16xf32, #tpu.memory_space<vmem_shared>>
      tpu.wait_dma2 semaphore(%run_scoped3A : memref<!tpu.dma_semaphore, #tpu.memory_space<semaphore_mem>>) src(%dma_wait3A_198 : memref<64x16xf32, #tpu.memory_space<vmem_shared>>) dst(%arg13 : memref<64x16xf32, #tpu.memory_space<vmem>>)
      tpu.yield
    }) : () -> ()
    %mul3A_120 = arith.constant 10240 : i32
    %mul3A_121 = arith.muli %arg0, %mul3A_120 : i32
    %add3A_122 = arith.addi %mul3A_121, %add3A_116 : i32
    "tpu.region"() ({
      %run_scoped3A = tpu.sem_alloc : memref<!tpu.dma_semaphore, #tpu.memory_space<semaphore_mem>>
      %dma_start3A = arith.constant 0 : i32
      %dma_start3A_193 = tpu.memref_slice %arg9[%add3A_122, %dma_start3A] : memref<20480x16xf32, #tpu.memory_space<hbm>> -> memref<64x16xf32, #tpu.memory_space<hbm>>
      %dma_start3A_194 = arith.constant 0 : i32
      %dma_start3A_195 = tpu.memref_slice %arg9[%add3A_122, %dma_start3A_194] : memref<20480x16xf32, #tpu.memory_space<hbm>> -> memref<64x16xf32, #tpu.memory_space<hbm>>
      tpu.enqueue_dma source(%arg13 : memref<64x16xf32, #tpu.memory_space<vmem>>) target(%dma_start3A_195 : memref<64x16xf32, #tpu.memory_space<hbm>>) target_semaphore(%run_scoped3A : memref<!tpu.dma_semaphore, #tpu.memory_space<semaphore_mem>>)
      %dma_wait3A = arith.constant 0 : i32
      %dma_wait3A_196 = tpu.memref_slice %arg9[%add3A_122, %dma_wait3A] : memref<20480x16xf32, #tpu.memory_space<hbm>> -> memref<64x16xf32, #tpu.memory_space<hbm>>
      %dma_wait3A_197 = arith.constant 0 : i32
      %dma_wait3A_198 = tpu.memref_slice %arg9[%add3A_122, %dma_wait3A_197] : memref<20480x16xf32, #tpu.memory_space<hbm>> -> memref<64x16xf32, #tpu.memory_space<hbm>>
      tpu.wait_dma2 semaphore(%run_scoped3A : memref<!tpu.dma_semaphore, #tpu.memory_space<semaphore_mem>>) src(%arg13 : memref<64x16xf32, #tpu.memory_space<vmem>>) dst(%dma_wait3A_198 : memref<64x16xf32, #tpu.memory_space<hbm>>)
      tpu.yield
    }) : () -> ()
    %mul3A_123 = arith.constant 640 : i32
    %mul3A_124 = arith.muli %arg1, %mul3A_123 : i32
    %add3A_125 = arith.constant 192 : i32
    %add3A_126 = arith.addi %mul3A_124, %add3A_125 : i32
    "tpu.region"() ({
      %run_scoped3A = tpu.sem_alloc : memref<!tpu.dma_semaphore, #tpu.memory_space<semaphore_mem>>
      %dma_start3A = arith.constant 0 : i32
      %dma_start3A_193 = tpu.memref_slice %arg14[%add3A_126, %dma_start3A] : memref<10240x128xf32, #tpu.memory_space<vmem_shared>> -> memref<64x128xf32, #tpu.memory_space<vmem_shared>>
      %dma_start3A_194 = arith.constant 0 : i32
      %dma_start3A_195 = tpu.memref_slice %arg14[%add3A_126, %dma_start3A_194] : memref<10240x128xf32, #tpu.memory_space<vmem_shared>> -> memref<64x128xf32, #tpu.memory_space<vmem_shared>>
      tpu.enqueue_dma source(%dma_start3A_195 : memref<64x128xf32, #tpu.memory_space<vmem_shared>>) target(%arg12 : memref<64x128xf32, #tpu.memory_space<vmem>>) target_semaphore(%run_scoped3A : memref<!tpu.dma_semaphore, #tpu.memory_space<semaphore_mem>>)
      %dma_wait3A = arith.constant 0 : i32
      %dma_wait3A_196 = tpu.memref_slice %arg14[%add3A_126, %dma_wait3A] : memref<10240x128xf32, #tpu.memory_space<vmem_shared>> -> memref<64x128xf32, #tpu.memory_space<vmem_shared>>
      %dma_wait3A_197 = arith.constant 0 : i32
      %dma_wait3A_198 = tpu.memref_slice %arg14[%add3A_126, %dma_wait3A_197] : memref<10240x128xf32, #tpu.memory_space<vmem_shared>> -> memref<64x128xf32, #tpu.memory_space<vmem_shared>>
      tpu.wait_dma2 semaphore(%run_scoped3A : memref<!tpu.dma_semaphore, #tpu.memory_space<semaphore_mem>>) src(%dma_wait3A_198 : memref<64x128xf32, #tpu.memory_space<vmem_shared>>) dst(%arg12 : memref<64x128xf32, #tpu.memory_space<vmem>>)
      tpu.yield
    }) : () -> ()
    %mul3A_127 = arith.constant 10240 : i32
    %mul3A_128 = arith.muli %arg0, %mul3A_127 : i32
    %add3A_129 = arith.addi %mul3A_128, %add3A_126 : i32
    "tpu.region"() ({
      %run_scoped3A = tpu.sem_alloc : memref<!tpu.dma_semaphore, #tpu.memory_space<semaphore_mem>>
      %dma_start3A = arith.constant 0 : i32
      %dma_start3A_193 = tpu.memref_slice %arg8[%add3A_129, %dma_start3A] : memref<20480x128xf32, #tpu.memory_space<hbm>> -> memref<64x128xf32, #tpu.memory_space<hbm>>
      %dma_start3A_194 = arith.constant 0 : i32
      %dma_start3A_195 = tpu.memref_slice %arg8[%add3A_129, %dma_start3A_194] : memref<20480x128xf32, #tpu.memory_space<hbm>> -> memref<64x128xf32, #tpu.memory_space<hbm>>
      tpu.enqueue_dma source(%arg12 : memref<64x128xf32, #tpu.memory_space<vmem>>) target(%dma_start3A_195 : memref<64x128xf32, #tpu.memory_space<hbm>>) target_semaphore(%run_scoped3A : memref<!tpu.dma_semaphore, #tpu.memory_space<semaphore_mem>>)
      %dma_wait3A = arith.constant 0 : i32
      %dma_wait3A_196 = tpu.memref_slice %arg8[%add3A_129, %dma_wait3A] : memref<20480x128xf32, #tpu.memory_space<hbm>> -> memref<64x128xf32, #tpu.memory_space<hbm>>
      %dma_wait3A_197 = arith.constant 0 : i32
      %dma_wait3A_198 = tpu.memref_slice %arg8[%add3A_129, %dma_wait3A_197] : memref<20480x128xf32, #tpu.memory_space<hbm>> -> memref<64x128xf32, #tpu.memory_space<hbm>>
      tpu.wait_dma2 semaphore(%run_scoped3A : memref<!tpu.dma_semaphore, #tpu.memory_space<semaphore_mem>>) src(%arg12 : memref<64x128xf32, #tpu.memory_space<vmem>>) dst(%dma_wait3A_198 : memref<64x128xf32, #tpu.memory_space<hbm>>)
      tpu.yield
    }) : () -> ()
    "tpu.region"() ({
      %run_scoped3A = tpu.sem_alloc : memref<!tpu.dma_semaphore, #tpu.memory_space<semaphore_mem>>
      %dma_start3A = arith.constant 0 : i32
      %dma_start3A_193 = tpu.memref_slice %arg15[%add3A_126, %dma_start3A] : memref<10240x16xf32, #tpu.memory_space<vmem_shared>> -> memref<64x16xf32, #tpu.memory_space<vmem_shared>>
      %dma_start3A_194 = arith.constant 0 : i32
      %dma_start3A_195 = tpu.memref_slice %arg15[%add3A_126, %dma_start3A_194] : memref<10240x16xf32, #tpu.memory_space<vmem_shared>> -> memref<64x16xf32, #tpu.memory_space<vmem_shared>>
      tpu.enqueue_dma source(%dma_start3A_195 : memref<64x16xf32, #tpu.memory_space<vmem_shared>>) target(%arg13 : memref<64x16xf32, #tpu.memory_space<vmem>>) target_semaphore(%run_scoped3A : memref<!tpu.dma_semaphore, #tpu.memory_space<semaphore_mem>>)
      %dma_wait3A = arith.constant 0 : i32
      %dma_wait3A_196 = tpu.memref_slice %arg15[%add3A_126, %dma_wait3A] : memref<10240x16xf32, #tpu.memory_space<vmem_shared>> -> memref<64x16xf32, #tpu.memory_space<vmem_shared>>
      %dma_wait3A_197 = arith.constant 0 : i32
      %dma_wait3A_198 = tpu.memref_slice %arg15[%add3A_126, %dma_wait3A_197] : memref<10240x16xf32, #tpu.memory_space<vmem_shared>> -> memref<64x16xf32, #tpu.memory_space<vmem_shared>>
      tpu.wait_dma2 semaphore(%run_scoped3A : memref<!tpu.dma_semaphore, #tpu.memory_space<semaphore_mem>>) src(%dma_wait3A_198 : memref<64x16xf32, #tpu.memory_space<vmem_shared>>) dst(%arg13 : memref<64x16xf32, #tpu.memory_space<vmem>>)
      tpu.yield
    }) : () -> ()
    %mul3A_130 = arith.constant 10240 : i32
    %mul3A_131 = arith.muli %arg0, %mul3A_130 : i32
    %add3A_132 = arith.addi %mul3A_131, %add3A_126 : i32
    "tpu.region"() ({
      %run_scoped3A = tpu.sem_alloc : memref<!tpu.dma_semaphore, #tpu.memory_space<semaphore_mem>>
      %dma_start3A = arith.constant 0 : i32
      %dma_start3A_193 = tpu.memref_slice %arg9[%add3A_132, %dma_start3A] : memref<20480x16xf32, #tpu.memory_space<hbm>> -> memref<64x16xf32, #tpu.memory_space<hbm>>
      %dma_start3A_194 = arith.constant 0 : i32
      %dma_start3A_195 = tpu.memref_slice %arg9[%add3A_132, %dma_start3A_194] : memref<20480x16xf32, #tpu.memory_space<hbm>> -> memref<64x16xf32, #tpu.memory_space<hbm>>
      tpu.enqueue_dma source(%arg13 : memref<64x16xf32, #tpu.memory_space<vmem>>) target(%dma_start3A_195 : memref<64x16xf32, #tpu.memory_space<hbm>>) target_semaphore(%run_scoped3A : memref<!tpu.dma_semaphore, #tpu.memory_space<semaphore_mem>>)
      %dma_wait3A = arith.constant 0 : i32
      %dma_wait3A_196 = tpu.memref_slice %arg9[%add3A_132, %dma_wait3A] : memref<20480x16xf32, #tpu.memory_space<hbm>> -> memref<64x16xf32, #tpu.memory_space<hbm>>
      %dma_wait3A_197 = arith.constant 0 : i32
      %dma_wait3A_198 = tpu.memref_slice %arg9[%add3A_132, %dma_wait3A_197] : memref<20480x16xf32, #tpu.memory_space<hbm>> -> memref<64x16xf32, #tpu.memory_space<hbm>>
      tpu.wait_dma2 semaphore(%run_scoped3A : memref<!tpu.dma_semaphore, #tpu.memory_space<semaphore_mem>>) src(%arg13 : memref<64x16xf32, #tpu.memory_space<vmem>>) dst(%dma_wait3A_198 : memref<64x16xf32, #tpu.memory_space<hbm>>)
      tpu.yield
    }) : () -> ()
    %mul3A_133 = arith.constant 640 : i32
    %mul3A_134 = arith.muli %arg1, %mul3A_133 : i32
    %add3A_135 = arith.constant 256 : i32
    %add3A_136 = arith.addi %mul3A_134, %add3A_135 : i32
    "tpu.region"() ({
      %run_scoped3A = tpu.sem_alloc : memref<!tpu.dma_semaphore, #tpu.memory_space<semaphore_mem>>
      %dma_start3A = arith.constant 0 : i32
      %dma_start3A_193 = tpu.memref_slice %arg14[%add3A_136, %dma_start3A] : memref<10240x128xf32, #tpu.memory_space<vmem_shared>> -> memref<64x128xf32, #tpu.memory_space<vmem_shared>>
      %dma_start3A_194 = arith.constant 0 : i32
      %dma_start3A_195 = tpu.memref_slice %arg14[%add3A_136, %dma_start3A_194] : memref<10240x128xf32, #tpu.memory_space<vmem_shared>> -> memref<64x128xf32, #tpu.memory_space<vmem_shared>>
      tpu.enqueue_dma source(%dma_start3A_195 : memref<64x128xf32, #tpu.memory_space<vmem_shared>>) target(%arg12 : memref<64x128xf32, #tpu.memory_space<vmem>>) target_semaphore(%run_scoped3A : memref<!tpu.dma_semaphore, #tpu.memory_space<semaphore_mem>>)
      %dma_wait3A = arith.constant 0 : i32
      %dma_wait3A_196 = tpu.memref_slice %arg14[%add3A_136, %dma_wait3A] : memref<10240x128xf32, #tpu.memory_space<vmem_shared>> -> memref<64x128xf32, #tpu.memory_space<vmem_shared>>
      %dma_wait3A_197 = arith.constant 0 : i32
      %dma_wait3A_198 = tpu.memref_slice %arg14[%add3A_136, %dma_wait3A_197] : memref<10240x128xf32, #tpu.memory_space<vmem_shared>> -> memref<64x128xf32, #tpu.memory_space<vmem_shared>>
      tpu.wait_dma2 semaphore(%run_scoped3A : memref<!tpu.dma_semaphore, #tpu.memory_space<semaphore_mem>>) src(%dma_wait3A_198 : memref<64x128xf32, #tpu.memory_space<vmem_shared>>) dst(%arg12 : memref<64x128xf32, #tpu.memory_space<vmem>>)
      tpu.yield
    }) : () -> ()
    %mul3A_137 = arith.constant 10240 : i32
    %mul3A_138 = arith.muli %arg0, %mul3A_137 : i32
    %add3A_139 = arith.addi %mul3A_138, %add3A_136 : i32
    "tpu.region"() ({
      %run_scoped3A = tpu.sem_alloc : memref<!tpu.dma_semaphore, #tpu.memory_space<semaphore_mem>>
      %dma_start3A = arith.constant 0 : i32
      %dma_start3A_193 = tpu.memref_slice %arg8[%add3A_139, %dma_start3A] : memref<20480x128xf32, #tpu.memory_space<hbm>> -> memref<64x128xf32, #tpu.memory_space<hbm>>
      %dma_start3A_194 = arith.constant 0 : i32
      %dma_start3A_195 = tpu.memref_slice %arg8[%add3A_139, %dma_start3A_194] : memref<20480x128xf32, #tpu.memory_space<hbm>> -> memref<64x128xf32, #tpu.memory_space<hbm>>
      tpu.enqueue_dma source(%arg12 : memref<64x128xf32, #tpu.memory_space<vmem>>) target(%dma_start3A_195 : memref<64x128xf32, #tpu.memory_space<hbm>>) target_semaphore(%run_scoped3A : memref<!tpu.dma_semaphore, #tpu.memory_space<semaphore_mem>>)
      %dma_wait3A = arith.constant 0 : i32
      %dma_wait3A_196 = tpu.memref_slice %arg8[%add3A_139, %dma_wait3A] : memref<20480x128xf32, #tpu.memory_space<hbm>> -> memref<64x128xf32, #tpu.memory_space<hbm>>
      %dma_wait3A_197 = arith.constant 0 : i32
      %dma_wait3A_198 = tpu.memref_slice %arg8[%add3A_139, %dma_wait3A_197] : memref<20480x128xf32, #tpu.memory_space<hbm>> -> memref<64x128xf32, #tpu.memory_space<hbm>>
      tpu.wait_dma2 semaphore(%run_scoped3A : memref<!tpu.dma_semaphore, #tpu.memory_space<semaphore_mem>>) src(%arg12 : memref<64x128xf32, #tpu.memory_space<vmem>>) dst(%dma_wait3A_198 : memref<64x128xf32, #tpu.memory_space<hbm>>)
      tpu.yield
    }) : () -> ()
    "tpu.region"() ({
      %run_scoped3A = tpu.sem_alloc : memref<!tpu.dma_semaphore, #tpu.memory_space<semaphore_mem>>
      %dma_start3A = arith.constant 0 : i32
      %dma_start3A_193 = tpu.memref_slice %arg15[%add3A_136, %dma_start3A] : memref<10240x16xf32, #tpu.memory_space<vmem_shared>> -> memref<64x16xf32, #tpu.memory_space<vmem_shared>>
      %dma_start3A_194 = arith.constant 0 : i32
      %dma_start3A_195 = tpu.memref_slice %arg15[%add3A_136, %dma_start3A_194] : memref<10240x16xf32, #tpu.memory_space<vmem_shared>> -> memref<64x16xf32, #tpu.memory_space<vmem_shared>>
      tpu.enqueue_dma source(%dma_start3A_195 : memref<64x16xf32, #tpu.memory_space<vmem_shared>>) target(%arg13 : memref<64x16xf32, #tpu.memory_space<vmem>>) target_semaphore(%run_scoped3A : memref<!tpu.dma_semaphore, #tpu.memory_space<semaphore_mem>>)
      %dma_wait3A = arith.constant 0 : i32
      %dma_wait3A_196 = tpu.memref_slice %arg15[%add3A_136, %dma_wait3A] : memref<10240x16xf32, #tpu.memory_space<vmem_shared>> -> memref<64x16xf32, #tpu.memory_space<vmem_shared>>
      %dma_wait3A_197 = arith.constant 0 : i32
      %dma_wait3A_198 = tpu.memref_slice %arg15[%add3A_136, %dma_wait3A_197] : memref<10240x16xf32, #tpu.memory_space<vmem_shared>> -> memref<64x16xf32, #tpu.memory_space<vmem_shared>>
      tpu.wait_dma2 semaphore(%run_scoped3A : memref<!tpu.dma_semaphore, #tpu.memory_space<semaphore_mem>>) src(%dma_wait3A_198 : memref<64x16xf32, #tpu.memory_space<vmem_shared>>) dst(%arg13 : memref<64x16xf32, #tpu.memory_space<vmem>>)
      tpu.yield
    }) : () -> ()
    %mul3A_140 = arith.constant 10240 : i32
    %mul3A_141 = arith.muli %arg0, %mul3A_140 : i32
    %add3A_142 = arith.addi %mul3A_141, %add3A_136 : i32
    "tpu.region"() ({
      %run_scoped3A = tpu.sem_alloc : memref<!tpu.dma_semaphore, #tpu.memory_space<semaphore_mem>>
      %dma_start3A = arith.constant 0 : i32
      %dma_start3A_193 = tpu.memref_slice %arg9[%add3A_142, %dma_start3A] : memref<20480x16xf32, #tpu.memory_space<hbm>> -> memref<64x16xf32, #tpu.memory_space<hbm>>
      %dma_start3A_194 = arith.constant 0 : i32
      %dma_start3A_195 = tpu.memref_slice %arg9[%add3A_142, %dma_start3A_194] : memref<20480x16xf32, #tpu.memory_space<hbm>> -> memref<64x16xf32, #tpu.memory_space<hbm>>
      tpu.enqueue_dma source(%arg13 : memref<64x16xf32, #tpu.memory_space<vmem>>) target(%dma_start3A_195 : memref<64x16xf32, #tpu.memory_space<hbm>>) target_semaphore(%run_scoped3A : memref<!tpu.dma_semaphore, #tpu.memory_space<semaphore_mem>>)
      %dma_wait3A = arith.constant 0 : i32
      %dma_wait3A_196 = tpu.memref_slice %arg9[%add3A_142, %dma_wait3A] : memref<20480x16xf32, #tpu.memory_space<hbm>> -> memref<64x16xf32, #tpu.memory_space<hbm>>
      %dma_wait3A_197 = arith.constant 0 : i32
      %dma_wait3A_198 = tpu.memref_slice %arg9[%add3A_142, %dma_wait3A_197] : memref<20480x16xf32, #tpu.memory_space<hbm>> -> memref<64x16xf32, #tpu.memory_space<hbm>>
      tpu.wait_dma2 semaphore(%run_scoped3A : memref<!tpu.dma_semaphore, #tpu.memory_space<semaphore_mem>>) src(%arg13 : memref<64x16xf32, #tpu.memory_space<vmem>>) dst(%dma_wait3A_198 : memref<64x16xf32, #tpu.memory_space<hbm>>)
      tpu.yield
    }) : () -> ()
    %mul3A_143 = arith.constant 640 : i32
    %mul3A_144 = arith.muli %arg1, %mul3A_143 : i32
    %add3A_145 = arith.constant 320 : i32
    %add3A_146 = arith.addi %mul3A_144, %add3A_145 : i32
    "tpu.region"() ({
      %run_scoped3A = tpu.sem_alloc : memref<!tpu.dma_semaphore, #tpu.memory_space<semaphore_mem>>
      %dma_start3A = arith.constant 0 : i32
      %dma_start3A_193 = tpu.memref_slice %arg14[%add3A_146, %dma_start3A] : memref<10240x128xf32, #tpu.memory_space<vmem_shared>> -> memref<64x128xf32, #tpu.memory_space<vmem_shared>>
      %dma_start3A_194 = arith.constant 0 : i32
      %dma_start3A_195 = tpu.memref_slice %arg14[%add3A_146, %dma_start3A_194] : memref<10240x128xf32, #tpu.memory_space<vmem_shared>> -> memref<64x128xf32, #tpu.memory_space<vmem_shared>>
      tpu.enqueue_dma source(%dma_start3A_195 : memref<64x128xf32, #tpu.memory_space<vmem_shared>>) target(%arg12 : memref<64x128xf32, #tpu.memory_space<vmem>>) target_semaphore(%run_scoped3A : memref<!tpu.dma_semaphore, #tpu.memory_space<semaphore_mem>>)
      %dma_wait3A = arith.constant 0 : i32
      %dma_wait3A_196 = tpu.memref_slice %arg14[%add3A_146, %dma_wait3A] : memref<10240x128xf32, #tpu.memory_space<vmem_shared>> -> memref<64x128xf32, #tpu.memory_space<vmem_shared>>
      %dma_wait3A_197 = arith.constant 0 : i32
      %dma_wait3A_198 = tpu.memref_slice %arg14[%add3A_146, %dma_wait3A_197] : memref<10240x128xf32, #tpu.memory_space<vmem_shared>> -> memref<64x128xf32, #tpu.memory_space<vmem_shared>>
      tpu.wait_dma2 semaphore(%run_scoped3A : memref<!tpu.dma_semaphore, #tpu.memory_space<semaphore_mem>>) src(%dma_wait3A_198 : memref<64x128xf32, #tpu.memory_space<vmem_shared>>) dst(%arg12 : memref<64x128xf32, #tpu.memory_space<vmem>>)
      tpu.yield
    }) : () -> ()
    %mul3A_147 = arith.constant 10240 : i32
    %mul3A_148 = arith.muli %arg0, %mul3A_147 : i32
    %add3A_149 = arith.addi %mul3A_148, %add3A_146 : i32
    "tpu.region"() ({
      %run_scoped3A = tpu.sem_alloc : memref<!tpu.dma_semaphore, #tpu.memory_space<semaphore_mem>>
      %dma_start3A = arith.constant 0 : i32
      %dma_start3A_193 = tpu.memref_slice %arg8[%add3A_149, %dma_start3A] : memref<20480x128xf32, #tpu.memory_space<hbm>> -> memref<64x128xf32, #tpu.memory_space<hbm>>
      %dma_start3A_194 = arith.constant 0 : i32
      %dma_start3A_195 = tpu.memref_slice %arg8[%add3A_149, %dma_start3A_194] : memref<20480x128xf32, #tpu.memory_space<hbm>> -> memref<64x128xf32, #tpu.memory_space<hbm>>
      tpu.enqueue_dma source(%arg12 : memref<64x128xf32, #tpu.memory_space<vmem>>) target(%dma_start3A_195 : memref<64x128xf32, #tpu.memory_space<hbm>>) target_semaphore(%run_scoped3A : memref<!tpu.dma_semaphore, #tpu.memory_space<semaphore_mem>>)
      %dma_wait3A = arith.constant 0 : i32
      %dma_wait3A_196 = tpu.memref_slice %arg8[%add3A_149, %dma_wait3A] : memref<20480x128xf32, #tpu.memory_space<hbm>> -> memref<64x128xf32, #tpu.memory_space<hbm>>
      %dma_wait3A_197 = arith.constant 0 : i32
      %dma_wait3A_198 = tpu.memref_slice %arg8[%add3A_149, %dma_wait3A_197] : memref<20480x128xf32, #tpu.memory_space<hbm>> -> memref<64x128xf32, #tpu.memory_space<hbm>>
      tpu.wait_dma2 semaphore(%run_scoped3A : memref<!tpu.dma_semaphore, #tpu.memory_space<semaphore_mem>>) src(%arg12 : memref<64x128xf32, #tpu.memory_space<vmem>>) dst(%dma_wait3A_198 : memref<64x128xf32, #tpu.memory_space<hbm>>)
      tpu.yield
    }) : () -> ()
    "tpu.region"() ({
      %run_scoped3A = tpu.sem_alloc : memref<!tpu.dma_semaphore, #tpu.memory_space<semaphore_mem>>
      %dma_start3A = arith.constant 0 : i32
      %dma_start3A_193 = tpu.memref_slice %arg15[%add3A_146, %dma_start3A] : memref<10240x16xf32, #tpu.memory_space<vmem_shared>> -> memref<64x16xf32, #tpu.memory_space<vmem_shared>>
      %dma_start3A_194 = arith.constant 0 : i32
      %dma_start3A_195 = tpu.memref_slice %arg15[%add3A_146, %dma_start3A_194] : memref<10240x16xf32, #tpu.memory_space<vmem_shared>> -> memref<64x16xf32, #tpu.memory_space<vmem_shared>>
      tpu.enqueue_dma source(%dma_start3A_195 : memref<64x16xf32, #tpu.memory_space<vmem_shared>>) target(%arg13 : memref<64x16xf32, #tpu.memory_space<vmem>>) target_semaphore(%run_scoped3A : memref<!tpu.dma_semaphore, #tpu.memory_space<semaphore_mem>>)
      %dma_wait3A = arith.constant 0 : i32
      %dma_wait3A_196 = tpu.memref_slice %arg15[%add3A_146, %dma_wait3A] : memref<10240x16xf32, #tpu.memory_space<vmem_shared>> -> memref<64x16xf32, #tpu.memory_space<vmem_shared>>
      %dma_wait3A_197 = arith.constant 0 : i32
      %dma_wait3A_198 = tpu.memref_slice %arg15[%add3A_146, %dma_wait3A_197] : memref<10240x16xf32, #tpu.memory_space<vmem_shared>> -> memref<64x16xf32, #tpu.memory_space<vmem_shared>>
      tpu.wait_dma2 semaphore(%run_scoped3A : memref<!tpu.dma_semaphore, #tpu.memory_space<semaphore_mem>>) src(%dma_wait3A_198 : memref<64x16xf32, #tpu.memory_space<vmem_shared>>) dst(%arg13 : memref<64x16xf32, #tpu.memory_space<vmem>>)
      tpu.yield
    }) : () -> ()
    %mul3A_150 = arith.constant 10240 : i32
    %mul3A_151 = arith.muli %arg0, %mul3A_150 : i32
    %add3A_152 = arith.addi %mul3A_151, %add3A_146 : i32
    "tpu.region"() ({
      %run_scoped3A = tpu.sem_alloc : memref<!tpu.dma_semaphore, #tpu.memory_space<semaphore_mem>>
      %dma_start3A = arith.constant 0 : i32
      %dma_start3A_193 = tpu.memref_slice %arg9[%add3A_152, %dma_start3A] : memref<20480x16xf32, #tpu.memory_space<hbm>> -> memref<64x16xf32, #tpu.memory_space<hbm>>
      %dma_start3A_194 = arith.constant 0 : i32
      %dma_start3A_195 = tpu.memref_slice %arg9[%add3A_152, %dma_start3A_194] : memref<20480x16xf32, #tpu.memory_space<hbm>> -> memref<64x16xf32, #tpu.memory_space<hbm>>
      tpu.enqueue_dma source(%arg13 : memref<64x16xf32, #tpu.memory_space<vmem>>) target(%dma_start3A_195 : memref<64x16xf32, #tpu.memory_space<hbm>>) target_semaphore(%run_scoped3A : memref<!tpu.dma_semaphore, #tpu.memory_space<semaphore_mem>>)
      %dma_wait3A = arith.constant 0 : i32
      %dma_wait3A_196 = tpu.memref_slice %arg9[%add3A_152, %dma_wait3A] : memref<20480x16xf32, #tpu.memory_space<hbm>> -> memref<64x16xf32, #tpu.memory_space<hbm>>
      %dma_wait3A_197 = arith.constant 0 : i32
      %dma_wait3A_198 = tpu.memref_slice %arg9[%add3A_152, %dma_wait3A_197] : memref<20480x16xf32, #tpu.memory_space<hbm>> -> memref<64x16xf32, #tpu.memory_space<hbm>>
      tpu.wait_dma2 semaphore(%run_scoped3A : memref<!tpu.dma_semaphore, #tpu.memory_space<semaphore_mem>>) src(%arg13 : memref<64x16xf32, #tpu.memory_space<vmem>>) dst(%dma_wait3A_198 : memref<64x16xf32, #tpu.memory_space<hbm>>)
      tpu.yield
    }) : () -> ()
    %mul3A_153 = arith.constant 640 : i32
    %mul3A_154 = arith.muli %arg1, %mul3A_153 : i32
    %add3A_155 = arith.constant 384 : i32
    %add3A_156 = arith.addi %mul3A_154, %add3A_155 : i32
    "tpu.region"() ({
      %run_scoped3A = tpu.sem_alloc : memref<!tpu.dma_semaphore, #tpu.memory_space<semaphore_mem>>
      %dma_start3A = arith.constant 0 : i32
      %dma_start3A_193 = tpu.memref_slice %arg14[%add3A_156, %dma_start3A] : memref<10240x128xf32, #tpu.memory_space<vmem_shared>> -> memref<64x128xf32, #tpu.memory_space<vmem_shared>>
      %dma_start3A_194 = arith.constant 0 : i32
      %dma_start3A_195 = tpu.memref_slice %arg14[%add3A_156, %dma_start3A_194] : memref<10240x128xf32, #tpu.memory_space<vmem_shared>> -> memref<64x128xf32, #tpu.memory_space<vmem_shared>>
      tpu.enqueue_dma source(%dma_start3A_195 : memref<64x128xf32, #tpu.memory_space<vmem_shared>>) target(%arg12 : memref<64x128xf32, #tpu.memory_space<vmem>>) target_semaphore(%run_scoped3A : memref<!tpu.dma_semaphore, #tpu.memory_space<semaphore_mem>>)
      %dma_wait3A = arith.constant 0 : i32
      %dma_wait3A_196 = tpu.memref_slice %arg14[%add3A_156, %dma_wait3A] : memref<10240x128xf32, #tpu.memory_space<vmem_shared>> -> memref<64x128xf32, #tpu.memory_space<vmem_shared>>
      %dma_wait3A_197 = arith.constant 0 : i32
      %dma_wait3A_198 = tpu.memref_slice %arg14[%add3A_156, %dma_wait3A_197] : memref<10240x128xf32, #tpu.memory_space<vmem_shared>> -> memref<64x128xf32, #tpu.memory_space<vmem_shared>>
      tpu.wait_dma2 semaphore(%run_scoped3A : memref<!tpu.dma_semaphore, #tpu.memory_space<semaphore_mem>>) src(%dma_wait3A_198 : memref<64x128xf32, #tpu.memory_space<vmem_shared>>) dst(%arg12 : memref<64x128xf32, #tpu.memory_space<vmem>>)
      tpu.yield
    }) : () -> ()
    %mul3A_157 = arith.constant 10240 : i32
    %mul3A_158 = arith.muli %arg0, %mul3A_157 : i32
    %add3A_159 = arith.addi %mul3A_158, %add3A_156 : i32
    "tpu.region"() ({
      %run_scoped3A = tpu.sem_alloc : memref<!tpu.dma_semaphore, #tpu.memory_space<semaphore_mem>>
      %dma_start3A = arith.constant 0 : i32
      %dma_start3A_193 = tpu.memref_slice %arg8[%add3A_159, %dma_start3A] : memref<20480x128xf32, #tpu.memory_space<hbm>> -> memref<64x128xf32, #tpu.memory_space<hbm>>
      %dma_start3A_194 = arith.constant 0 : i32
      %dma_start3A_195 = tpu.memref_slice %arg8[%add3A_159, %dma_start3A_194] : memref<20480x128xf32, #tpu.memory_space<hbm>> -> memref<64x128xf32, #tpu.memory_space<hbm>>
      tpu.enqueue_dma source(%arg12 : memref<64x128xf32, #tpu.memory_space<vmem>>) target(%dma_start3A_195 : memref<64x128xf32, #tpu.memory_space<hbm>>) target_semaphore(%run_scoped3A : memref<!tpu.dma_semaphore, #tpu.memory_space<semaphore_mem>>)
      %dma_wait3A = arith.constant 0 : i32
      %dma_wait3A_196 = tpu.memref_slice %arg8[%add3A_159, %dma_wait3A] : memref<20480x128xf32, #tpu.memory_space<hbm>> -> memref<64x128xf32, #tpu.memory_space<hbm>>
      %dma_wait3A_197 = arith.constant 0 : i32
      %dma_wait3A_198 = tpu.memref_slice %arg8[%add3A_159, %dma_wait3A_197] : memref<20480x128xf32, #tpu.memory_space<hbm>> -> memref<64x128xf32, #tpu.memory_space<hbm>>
      tpu.wait_dma2 semaphore(%run_scoped3A : memref<!tpu.dma_semaphore, #tpu.memory_space<semaphore_mem>>) src(%arg12 : memref<64x128xf32, #tpu.memory_space<vmem>>) dst(%dma_wait3A_198 : memref<64x128xf32, #tpu.memory_space<hbm>>)
      tpu.yield
    }) : () -> ()
    "tpu.region"() ({
      %run_scoped3A = tpu.sem_alloc : memref<!tpu.dma_semaphore, #tpu.memory_space<semaphore_mem>>
      %dma_start3A = arith.constant 0 : i32
      %dma_start3A_193 = tpu.memref_slice %arg15[%add3A_156, %dma_start3A] : memref<10240x16xf32, #tpu.memory_space<vmem_shared>> -> memref<64x16xf32, #tpu.memory_space<vmem_shared>>
      %dma_start3A_194 = arith.constant 0 : i32
      %dma_start3A_195 = tpu.memref_slice %arg15[%add3A_156, %dma_start3A_194] : memref<10240x16xf32, #tpu.memory_space<vmem_shared>> -> memref<64x16xf32, #tpu.memory_space<vmem_shared>>
      tpu.enqueue_dma source(%dma_start3A_195 : memref<64x16xf32, #tpu.memory_space<vmem_shared>>) target(%arg13 : memref<64x16xf32, #tpu.memory_space<vmem>>) target_semaphore(%run_scoped3A : memref<!tpu.dma_semaphore, #tpu.memory_space<semaphore_mem>>)
      %dma_wait3A = arith.constant 0 : i32
      %dma_wait3A_196 = tpu.memref_slice %arg15[%add3A_156, %dma_wait3A] : memref<10240x16xf32, #tpu.memory_space<vmem_shared>> -> memref<64x16xf32, #tpu.memory_space<vmem_shared>>
      %dma_wait3A_197 = arith.constant 0 : i32
      %dma_wait3A_198 = tpu.memref_slice %arg15[%add3A_156, %dma_wait3A_197] : memref<10240x16xf32, #tpu.memory_space<vmem_shared>> -> memref<64x16xf32, #tpu.memory_space<vmem_shared>>
      tpu.wait_dma2 semaphore(%run_scoped3A : memref<!tpu.dma_semaphore, #tpu.memory_space<semaphore_mem>>) src(%dma_wait3A_198 : memref<64x16xf32, #tpu.memory_space<vmem_shared>>) dst(%arg13 : memref<64x16xf32, #tpu.memory_space<vmem>>)
      tpu.yield
    }) : () -> ()
    %mul3A_160 = arith.constant 10240 : i32
    %mul3A_161 = arith.muli %arg0, %mul3A_160 : i32
    %add3A_162 = arith.addi %mul3A_161, %add3A_156 : i32
    "tpu.region"() ({
      %run_scoped3A = tpu.sem_alloc : memref<!tpu.dma_semaphore, #tpu.memory_space<semaphore_mem>>
      %dma_start3A = arith.constant 0 : i32
      %dma_start3A_193 = tpu.memref_slice %arg9[%add3A_162, %dma_start3A] : memref<20480x16xf32, #tpu.memory_space<hbm>> -> memref<64x16xf32, #tpu.memory_space<hbm>>
      %dma_start3A_194 = arith.constant 0 : i32
      %dma_start3A_195 = tpu.memref_slice %arg9[%add3A_162, %dma_start3A_194] : memref<20480x16xf32, #tpu.memory_space<hbm>> -> memref<64x16xf32, #tpu.memory_space<hbm>>
      tpu.enqueue_dma source(%arg13 : memref<64x16xf32, #tpu.memory_space<vmem>>) target(%dma_start3A_195 : memref<64x16xf32, #tpu.memory_space<hbm>>) target_semaphore(%run_scoped3A : memref<!tpu.dma_semaphore, #tpu.memory_space<semaphore_mem>>)
      %dma_wait3A = arith.constant 0 : i32
      %dma_wait3A_196 = tpu.memref_slice %arg9[%add3A_162, %dma_wait3A] : memref<20480x16xf32, #tpu.memory_space<hbm>> -> memref<64x16xf32, #tpu.memory_space<hbm>>
      %dma_wait3A_197 = arith.constant 0 : i32
      %dma_wait3A_198 = tpu.memref_slice %arg9[%add3A_162, %dma_wait3A_197] : memref<20480x16xf32, #tpu.memory_space<hbm>> -> memref<64x16xf32, #tpu.memory_space<hbm>>
      tpu.wait_dma2 semaphore(%run_scoped3A : memref<!tpu.dma_semaphore, #tpu.memory_space<semaphore_mem>>) src(%arg13 : memref<64x16xf32, #tpu.memory_space<vmem>>) dst(%dma_wait3A_198 : memref<64x16xf32, #tpu.memory_space<hbm>>)
      tpu.yield
    }) : () -> ()
    %mul3A_163 = arith.constant 640 : i32
    %mul3A_164 = arith.muli %arg1, %mul3A_163 : i32
    %add3A_165 = arith.constant 448 : i32
    %add3A_166 = arith.addi %mul3A_164, %add3A_165 : i32
    "tpu.region"() ({
      %run_scoped3A = tpu.sem_alloc : memref<!tpu.dma_semaphore, #tpu.memory_space<semaphore_mem>>
      %dma_start3A = arith.constant 0 : i32
      %dma_start3A_193 = tpu.memref_slice %arg14[%add3A_166, %dma_start3A] : memref<10240x128xf32, #tpu.memory_space<vmem_shared>> -> memref<64x128xf32, #tpu.memory_space<vmem_shared>>
      %dma_start3A_194 = arith.constant 0 : i32
      %dma_start3A_195 = tpu.memref_slice %arg14[%add3A_166, %dma_start3A_194] : memref<10240x128xf32, #tpu.memory_space<vmem_shared>> -> memref<64x128xf32, #tpu.memory_space<vmem_shared>>
      tpu.enqueue_dma source(%dma_start3A_195 : memref<64x128xf32, #tpu.memory_space<vmem_shared>>) target(%arg12 : memref<64x128xf32, #tpu.memory_space<vmem>>) target_semaphore(%run_scoped3A : memref<!tpu.dma_semaphore, #tpu.memory_space<semaphore_mem>>)
      %dma_wait3A = arith.constant 0 : i32
      %dma_wait3A_196 = tpu.memref_slice %arg14[%add3A_166, %dma_wait3A] : memref<10240x128xf32, #tpu.memory_space<vmem_shared>> -> memref<64x128xf32, #tpu.memory_space<vmem_shared>>
      %dma_wait3A_197 = arith.constant 0 : i32
      %dma_wait3A_198 = tpu.memref_slice %arg14[%add3A_166, %dma_wait3A_197] : memref<10240x128xf32, #tpu.memory_space<vmem_shared>> -> memref<64x128xf32, #tpu.memory_space<vmem_shared>>
      tpu.wait_dma2 semaphore(%run_scoped3A : memref<!tpu.dma_semaphore, #tpu.memory_space<semaphore_mem>>) src(%dma_wait3A_198 : memref<64x128xf32, #tpu.memory_space<vmem_shared>>) dst(%arg12 : memref<64x128xf32, #tpu.memory_space<vmem>>)
      tpu.yield
    }) : () -> ()
    %mul3A_167 = arith.constant 10240 : i32
    %mul3A_168 = arith.muli %arg0, %mul3A_167 : i32
    %add3A_169 = arith.addi %mul3A_168, %add3A_166 : i32
    "tpu.region"() ({
      %run_scoped3A = tpu.sem_alloc : memref<!tpu.dma_semaphore, #tpu.memory_space<semaphore_mem>>
      %dma_start3A = arith.constant 0 : i32
      %dma_start3A_193 = tpu.memref_slice %arg8[%add3A_169, %dma_start3A] : memref<20480x128xf32, #tpu.memory_space<hbm>> -> memref<64x128xf32, #tpu.memory_space<hbm>>
      %dma_start3A_194 = arith.constant 0 : i32
      %dma_start3A_195 = tpu.memref_slice %arg8[%add3A_169, %dma_start3A_194] : memref<20480x128xf32, #tpu.memory_space<hbm>> -> memref<64x128xf32, #tpu.memory_space<hbm>>
      tpu.enqueue_dma source(%arg12 : memref<64x128xf32, #tpu.memory_space<vmem>>) target(%dma_start3A_195 : memref<64x128xf32, #tpu.memory_space<hbm>>) target_semaphore(%run_scoped3A : memref<!tpu.dma_semaphore, #tpu.memory_space<semaphore_mem>>)
      %dma_wait3A = arith.constant 0 : i32
      %dma_wait3A_196 = tpu.memref_slice %arg8[%add3A_169, %dma_wait3A] : memref<20480x128xf32, #tpu.memory_space<hbm>> -> memref<64x128xf32, #tpu.memory_space<hbm>>
      %dma_wait3A_197 = arith.constant 0 : i32
      %dma_wait3A_198 = tpu.memref_slice %arg8[%add3A_169, %dma_wait3A_197] : memref<20480x128xf32, #tpu.memory_space<hbm>> -> memref<64x128xf32, #tpu.memory_space<hbm>>
      tpu.wait_dma2 semaphore(%run_scoped3A : memref<!tpu.dma_semaphore, #tpu.memory_space<semaphore_mem>>) src(%arg12 : memref<64x128xf32, #tpu.memory_space<vmem>>) dst(%dma_wait3A_198 : memref<64x128xf32, #tpu.memory_space<hbm>>)
      tpu.yield
    }) : () -> ()
    "tpu.region"() ({
      %run_scoped3A = tpu.sem_alloc : memref<!tpu.dma_semaphore, #tpu.memory_space<semaphore_mem>>
      %dma_start3A = arith.constant 0 : i32
      %dma_start3A_193 = tpu.memref_slice %arg15[%add3A_166, %dma_start3A] : memref<10240x16xf32, #tpu.memory_space<vmem_shared>> -> memref<64x16xf32, #tpu.memory_space<vmem_shared>>
      %dma_start3A_194 = arith.constant 0 : i32
      %dma_start3A_195 = tpu.memref_slice %arg15[%add3A_166, %dma_start3A_194] : memref<10240x16xf32, #tpu.memory_space<vmem_shared>> -> memref<64x16xf32, #tpu.memory_space<vmem_shared>>
      tpu.enqueue_dma source(%dma_start3A_195 : memref<64x16xf32, #tpu.memory_space<vmem_shared>>) target(%arg13 : memref<64x16xf32, #tpu.memory_space<vmem>>) target_semaphore(%run_scoped3A : memref<!tpu.dma_semaphore, #tpu.memory_space<semaphore_mem>>)
      %dma_wait3A = arith.constant 0 : i32
      %dma_wait3A_196 = tpu.memref_slice %arg15[%add3A_166, %dma_wait3A] : memref<10240x16xf32, #tpu.memory_space<vmem_shared>> -> memref<64x16xf32, #tpu.memory_space<vmem_shared>>
      %dma_wait3A_197 = arith.constant 0 : i32
      %dma_wait3A_198 = tpu.memref_slice %arg15[%add3A_166, %dma_wait3A_197] : memref<10240x16xf32, #tpu.memory_space<vmem_shared>> -> memref<64x16xf32, #tpu.memory_space<vmem_shared>>
      tpu.wait_dma2 semaphore(%run_scoped3A : memref<!tpu.dma_semaphore, #tpu.memory_space<semaphore_mem>>) src(%dma_wait3A_198 : memref<64x16xf32, #tpu.memory_space<vmem_shared>>) dst(%arg13 : memref<64x16xf32, #tpu.memory_space<vmem>>)
      tpu.yield
    }) : () -> ()
    %mul3A_170 = arith.constant 10240 : i32
    %mul3A_171 = arith.muli %arg0, %mul3A_170 : i32
    %add3A_172 = arith.addi %mul3A_171, %add3A_166 : i32
    "tpu.region"() ({
      %run_scoped3A = tpu.sem_alloc : memref<!tpu.dma_semaphore, #tpu.memory_space<semaphore_mem>>
      %dma_start3A = arith.constant 0 : i32
      %dma_start3A_193 = tpu.memref_slice %arg9[%add3A_172, %dma_start3A] : memref<20480x16xf32, #tpu.memory_space<hbm>> -> memref<64x16xf32, #tpu.memory_space<hbm>>
      %dma_start3A_194 = arith.constant 0 : i32
      %dma_start3A_195 = tpu.memref_slice %arg9[%add3A_172, %dma_start3A_194] : memref<20480x16xf32, #tpu.memory_space<hbm>> -> memref<64x16xf32, #tpu.memory_space<hbm>>
      tpu.enqueue_dma source(%arg13 : memref<64x16xf32, #tpu.memory_space<vmem>>) target(%dma_start3A_195 : memref<64x16xf32, #tpu.memory_space<hbm>>) target_semaphore(%run_scoped3A : memref<!tpu.dma_semaphore, #tpu.memory_space<semaphore_mem>>)
      %dma_wait3A = arith.constant 0 : i32
      %dma_wait3A_196 = tpu.memref_slice %arg9[%add3A_172, %dma_wait3A] : memref<20480x16xf32, #tpu.memory_space<hbm>> -> memref<64x16xf32, #tpu.memory_space<hbm>>
      %dma_wait3A_197 = arith.constant 0 : i32
      %dma_wait3A_198 = tpu.memref_slice %arg9[%add3A_172, %dma_wait3A_197] : memref<20480x16xf32, #tpu.memory_space<hbm>> -> memref<64x16xf32, #tpu.memory_space<hbm>>
      tpu.wait_dma2 semaphore(%run_scoped3A : memref<!tpu.dma_semaphore, #tpu.memory_space<semaphore_mem>>) src(%arg13 : memref<64x16xf32, #tpu.memory_space<vmem>>) dst(%dma_wait3A_198 : memref<64x16xf32, #tpu.memory_space<hbm>>)
      tpu.yield
    }) : () -> ()
    %mul3A_173 = arith.constant 640 : i32
    %mul3A_174 = arith.muli %arg1, %mul3A_173 : i32
    %add3A_175 = arith.constant 512 : i32
    %add3A_176 = arith.addi %mul3A_174, %add3A_175 : i32
    "tpu.region"() ({
      %run_scoped3A = tpu.sem_alloc : memref<!tpu.dma_semaphore, #tpu.memory_space<semaphore_mem>>
      %dma_start3A = arith.constant 0 : i32
      %dma_start3A_193 = tpu.memref_slice %arg14[%add3A_176, %dma_start3A] : memref<10240x128xf32, #tpu.memory_space<vmem_shared>> -> memref<64x128xf32, #tpu.memory_space<vmem_shared>>
      %dma_start3A_194 = arith.constant 0 : i32
      %dma_start3A_195 = tpu.memref_slice %arg14[%add3A_176, %dma_start3A_194] : memref<10240x128xf32, #tpu.memory_space<vmem_shared>> -> memref<64x128xf32, #tpu.memory_space<vmem_shared>>
      tpu.enqueue_dma source(%dma_start3A_195 : memref<64x128xf32, #tpu.memory_space<vmem_shared>>) target(%arg12 : memref<64x128xf32, #tpu.memory_space<vmem>>) target_semaphore(%run_scoped3A : memref<!tpu.dma_semaphore, #tpu.memory_space<semaphore_mem>>)
      %dma_wait3A = arith.constant 0 : i32
      %dma_wait3A_196 = tpu.memref_slice %arg14[%add3A_176, %dma_wait3A] : memref<10240x128xf32, #tpu.memory_space<vmem_shared>> -> memref<64x128xf32, #tpu.memory_space<vmem_shared>>
      %dma_wait3A_197 = arith.constant 0 : i32
      %dma_wait3A_198 = tpu.memref_slice %arg14[%add3A_176, %dma_wait3A_197] : memref<10240x128xf32, #tpu.memory_space<vmem_shared>> -> memref<64x128xf32, #tpu.memory_space<vmem_shared>>
      tpu.wait_dma2 semaphore(%run_scoped3A : memref<!tpu.dma_semaphore, #tpu.memory_space<semaphore_mem>>) src(%dma_wait3A_198 : memref<64x128xf32, #tpu.memory_space<vmem_shared>>) dst(%arg12 : memref<64x128xf32, #tpu.memory_space<vmem>>)
      tpu.yield
    }) : () -> ()
    %mul3A_177 = arith.constant 10240 : i32
    %mul3A_178 = arith.muli %arg0, %mul3A_177 : i32
    %add3A_179 = arith.addi %mul3A_178, %add3A_176 : i32
    "tpu.region"() ({
      %run_scoped3A = tpu.sem_alloc : memref<!tpu.dma_semaphore, #tpu.memory_space<semaphore_mem>>
      %dma_start3A = arith.constant 0 : i32
      %dma_start3A_193 = tpu.memref_slice %arg8[%add3A_179, %dma_start3A] : memref<20480x128xf32, #tpu.memory_space<hbm>> -> memref<64x128xf32, #tpu.memory_space<hbm>>
      %dma_start3A_194 = arith.constant 0 : i32
      %dma_start3A_195 = tpu.memref_slice %arg8[%add3A_179, %dma_start3A_194] : memref<20480x128xf32, #tpu.memory_space<hbm>> -> memref<64x128xf32, #tpu.memory_space<hbm>>
      tpu.enqueue_dma source(%arg12 : memref<64x128xf32, #tpu.memory_space<vmem>>) target(%dma_start3A_195 : memref<64x128xf32, #tpu.memory_space<hbm>>) target_semaphore(%run_scoped3A : memref<!tpu.dma_semaphore, #tpu.memory_space<semaphore_mem>>)
      %dma_wait3A = arith.constant 0 : i32
      %dma_wait3A_196 = tpu.memref_slice %arg8[%add3A_179, %dma_wait3A] : memref<20480x128xf32, #tpu.memory_space<hbm>> -> memref<64x128xf32, #tpu.memory_space<hbm>>
      %dma_wait3A_197 = arith.constant 0 : i32
      %dma_wait3A_198 = tpu.memref_slice %arg8[%add3A_179, %dma_wait3A_197] : memref<20480x128xf32, #tpu.memory_space<hbm>> -> memref<64x128xf32, #tpu.memory_space<hbm>>
      tpu.wait_dma2 semaphore(%run_scoped3A : memref<!tpu.dma_semaphore, #tpu.memory_space<semaphore_mem>>) src(%arg12 : memref<64x128xf32, #tpu.memory_space<vmem>>) dst(%dma_wait3A_198 : memref<64x128xf32, #tpu.memory_space<hbm>>)
      tpu.yield
    }) : () -> ()
    "tpu.region"() ({
      %run_scoped3A = tpu.sem_alloc : memref<!tpu.dma_semaphore, #tpu.memory_space<semaphore_mem>>
      %dma_start3A = arith.constant 0 : i32
      %dma_start3A_193 = tpu.memref_slice %arg15[%add3A_176, %dma_start3A] : memref<10240x16xf32, #tpu.memory_space<vmem_shared>> -> memref<64x16xf32, #tpu.memory_space<vmem_shared>>
      %dma_start3A_194 = arith.constant 0 : i32
      %dma_start3A_195 = tpu.memref_slice %arg15[%add3A_176, %dma_start3A_194] : memref<10240x16xf32, #tpu.memory_space<vmem_shared>> -> memref<64x16xf32, #tpu.memory_space<vmem_shared>>
      tpu.enqueue_dma source(%dma_start3A_195 : memref<64x16xf32, #tpu.memory_space<vmem_shared>>) target(%arg13 : memref<64x16xf32, #tpu.memory_space<vmem>>) target_semaphore(%run_scoped3A : memref<!tpu.dma_semaphore, #tpu.memory_space<semaphore_mem>>)
      %dma_wait3A = arith.constant 0 : i32
      %dma_wait3A_196 = tpu.memref_slice %arg15[%add3A_176, %dma_wait3A] : memref<10240x16xf32, #tpu.memory_space<vmem_shared>> -> memref<64x16xf32, #tpu.memory_space<vmem_shared>>
      %dma_wait3A_197 = arith.constant 0 : i32
      %dma_wait3A_198 = tpu.memref_slice %arg15[%add3A_176, %dma_wait3A_197] : memref<10240x16xf32, #tpu.memory_space<vmem_shared>> -> memref<64x16xf32, #tpu.memory_space<vmem_shared>>
      tpu.wait_dma2 semaphore(%run_scoped3A : memref<!tpu.dma_semaphore, #tpu.memory_space<semaphore_mem>>) src(%dma_wait3A_198 : memref<64x16xf32, #tpu.memory_space<vmem_shared>>) dst(%arg13 : memref<64x16xf32, #tpu.memory_space<vmem>>)
      tpu.yield
    }) : () -> ()
    %mul3A_180 = arith.constant 10240 : i32
    %mul3A_181 = arith.muli %arg0, %mul3A_180 : i32
    %add3A_182 = arith.addi %mul3A_181, %add3A_176 : i32
    "tpu.region"() ({
      %run_scoped3A = tpu.sem_alloc : memref<!tpu.dma_semaphore, #tpu.memory_space<semaphore_mem>>
      %dma_start3A = arith.constant 0 : i32
      %dma_start3A_193 = tpu.memref_slice %arg9[%add3A_182, %dma_start3A] : memref<20480x16xf32, #tpu.memory_space<hbm>> -> memref<64x16xf32, #tpu.memory_space<hbm>>
      %dma_start3A_194 = arith.constant 0 : i32
      %dma_start3A_195 = tpu.memref_slice %arg9[%add3A_182, %dma_start3A_194] : memref<20480x16xf32, #tpu.memory_space<hbm>> -> memref<64x16xf32, #tpu.memory_space<hbm>>
      tpu.enqueue_dma source(%arg13 : memref<64x16xf32, #tpu.memory_space<vmem>>) target(%dma_start3A_195 : memref<64x16xf32, #tpu.memory_space<hbm>>) target_semaphore(%run_scoped3A : memref<!tpu.dma_semaphore, #tpu.memory_space<semaphore_mem>>)
      %dma_wait3A = arith.constant 0 : i32
      %dma_wait3A_196 = tpu.memref_slice %arg9[%add3A_182, %dma_wait3A] : memref<20480x16xf32, #tpu.memory_space<hbm>> -> memref<64x16xf32, #tpu.memory_space<hbm>>
      %dma_wait3A_197 = arith.constant 0 : i32
      %dma_wait3A_198 = tpu.memref_slice %arg9[%add3A_182, %dma_wait3A_197] : memref<20480x16xf32, #tpu.memory_space<hbm>> -> memref<64x16xf32, #tpu.memory_space<hbm>>
      tpu.wait_dma2 semaphore(%run_scoped3A : memref<!tpu.dma_semaphore, #tpu.memory_space<semaphore_mem>>) src(%arg13 : memref<64x16xf32, #tpu.memory_space<vmem>>) dst(%dma_wait3A_198 : memref<64x16xf32, #tpu.memory_space<hbm>>)
      tpu.yield
    }) : () -> ()
    %mul3A_183 = arith.constant 640 : i32
    %mul3A_184 = arith.muli %arg1, %mul3A_183 : i32
    %add3A_185 = arith.constant 576 : i32
    %add3A_186 = arith.addi %mul3A_184, %add3A_185 : i32
    "tpu.region"() ({
      %run_scoped3A = tpu.sem_alloc : memref<!tpu.dma_semaphore, #tpu.memory_space<semaphore_mem>>
      %dma_start3A = arith.constant 0 : i32
      %dma_start3A_193 = tpu.memref_slice %arg14[%add3A_186, %dma_start3A] : memref<10240x128xf32, #tpu.memory_space<vmem_shared>> -> memref<64x128xf32, #tpu.memory_space<vmem_shared>>
      %dma_start3A_194 = arith.constant 0 : i32
      %dma_start3A_195 = tpu.memref_slice %arg14[%add3A_186, %dma_start3A_194] : memref<10240x128xf32, #tpu.memory_space<vmem_shared>> -> memref<64x128xf32, #tpu.memory_space<vmem_shared>>
      tpu.enqueue_dma source(%dma_start3A_195 : memref<64x128xf32, #tpu.memory_space<vmem_shared>>) target(%arg12 : memref<64x128xf32, #tpu.memory_space<vmem>>) target_semaphore(%run_scoped3A : memref<!tpu.dma_semaphore, #tpu.memory_space<semaphore_mem>>)
      %dma_wait3A = arith.constant 0 : i32
      %dma_wait3A_196 = tpu.memref_slice %arg14[%add3A_186, %dma_wait3A] : memref<10240x128xf32, #tpu.memory_space<vmem_shared>> -> memref<64x128xf32, #tpu.memory_space<vmem_shared>>
      %dma_wait3A_197 = arith.constant 0 : i32
      %dma_wait3A_198 = tpu.memref_slice %arg14[%add3A_186, %dma_wait3A_197] : memref<10240x128xf32, #tpu.memory_space<vmem_shared>> -> memref<64x128xf32, #tpu.memory_space<vmem_shared>>
      tpu.wait_dma2 semaphore(%run_scoped3A : memref<!tpu.dma_semaphore, #tpu.memory_space<semaphore_mem>>) src(%dma_wait3A_198 : memref<64x128xf32, #tpu.memory_space<vmem_shared>>) dst(%arg12 : memref<64x128xf32, #tpu.memory_space<vmem>>)
      tpu.yield
    }) : () -> ()
    %mul3A_187 = arith.constant 10240 : i32
    %mul3A_188 = arith.muli %arg0, %mul3A_187 : i32
    %add3A_189 = arith.addi %mul3A_188, %add3A_186 : i32
    "tpu.region"() ({
      %run_scoped3A = tpu.sem_alloc : memref<!tpu.dma_semaphore, #tpu.memory_space<semaphore_mem>>
      %dma_start3A = arith.constant 0 : i32
      %dma_start3A_193 = tpu.memref_slice %arg8[%add3A_189, %dma_start3A] : memref<20480x128xf32, #tpu.memory_space<hbm>> -> memref<64x128xf32, #tpu.memory_space<hbm>>
      %dma_start3A_194 = arith.constant 0 : i32
      %dma_start3A_195 = tpu.memref_slice %arg8[%add3A_189, %dma_start3A_194] : memref<20480x128xf32, #tpu.memory_space<hbm>> -> memref<64x128xf32, #tpu.memory_space<hbm>>
      tpu.enqueue_dma source(%arg12 : memref<64x128xf32, #tpu.memory_space<vmem>>) target(%dma_start3A_195 : memref<64x128xf32, #tpu.memory_space<hbm>>) target_semaphore(%run_scoped3A : memref<!tpu.dma_semaphore, #tpu.memory_space<semaphore_mem>>)
      %dma_wait3A = arith.constant 0 : i32
      %dma_wait3A_196 = tpu.memref_slice %arg8[%add3A_189, %dma_wait3A] : memref<20480x128xf32, #tpu.memory_space<hbm>> -> memref<64x128xf32, #tpu.memory_space<hbm>>
      %dma_wait3A_197 = arith.constant 0 : i32
      %dma_wait3A_198 = tpu.memref_slice %arg8[%add3A_189, %dma_wait3A_197] : memref<20480x128xf32, #tpu.memory_space<hbm>> -> memref<64x128xf32, #tpu.memory_space<hbm>>
      tpu.wait_dma2 semaphore(%run_scoped3A : memref<!tpu.dma_semaphore, #tpu.memory_space<semaphore_mem>>) src(%arg12 : memref<64x128xf32, #tpu.memory_space<vmem>>) dst(%dma_wait3A_198 : memref<64x128xf32, #tpu.memory_space<hbm>>)
      tpu.yield
    }) : () -> ()
    "tpu.region"() ({
      %run_scoped3A = tpu.sem_alloc : memref<!tpu.dma_semaphore, #tpu.memory_space<semaphore_mem>>
      %dma_start3A = arith.constant 0 : i32
      %dma_start3A_193 = tpu.memref_slice %arg15[%add3A_186, %dma_start3A] : memref<10240x16xf32, #tpu.memory_space<vmem_shared>> -> memref<64x16xf32, #tpu.memory_space<vmem_shared>>
      %dma_start3A_194 = arith.constant 0 : i32
      %dma_start3A_195 = tpu.memref_slice %arg15[%add3A_186, %dma_start3A_194] : memref<10240x16xf32, #tpu.memory_space<vmem_shared>> -> memref<64x16xf32, #tpu.memory_space<vmem_shared>>
      tpu.enqueue_dma source(%dma_start3A_195 : memref<64x16xf32, #tpu.memory_space<vmem_shared>>) target(%arg13 : memref<64x16xf32, #tpu.memory_space<vmem>>) target_semaphore(%run_scoped3A : memref<!tpu.dma_semaphore, #tpu.memory_space<semaphore_mem>>)
      %dma_wait3A = arith.constant 0 : i32
      %dma_wait3A_196 = tpu.memref_slice %arg15[%add3A_186, %dma_wait3A] : memref<10240x16xf32, #tpu.memory_space<vmem_shared>> -> memref<64x16xf32, #tpu.memory_space<vmem_shared>>
      %dma_wait3A_197 = arith.constant 0 : i32
      %dma_wait3A_198 = tpu.memref_slice %arg15[%add3A_186, %dma_wait3A_197] : memref<10240x16xf32, #tpu.memory_space<vmem_shared>> -> memref<64x16xf32, #tpu.memory_space<vmem_shared>>
      tpu.wait_dma2 semaphore(%run_scoped3A : memref<!tpu.dma_semaphore, #tpu.memory_space<semaphore_mem>>) src(%dma_wait3A_198 : memref<64x16xf32, #tpu.memory_space<vmem_shared>>) dst(%arg13 : memref<64x16xf32, #tpu.memory_space<vmem>>)
      tpu.yield
    }) : () -> ()
    %mul3A_190 = arith.constant 10240 : i32
    %mul3A_191 = arith.muli %arg0, %mul3A_190 : i32
    %add3A_192 = arith.addi %mul3A_191, %add3A_186 : i32
    "tpu.region"() ({
      %run_scoped3A = tpu.sem_alloc : memref<!tpu.dma_semaphore, #tpu.memory_space<semaphore_mem>>
      %dma_start3A = arith.constant 0 : i32
      %dma_start3A_193 = tpu.memref_slice %arg9[%add3A_192, %dma_start3A] : memref<20480x16xf32, #tpu.memory_space<hbm>> -> memref<64x16xf32, #tpu.memory_space<hbm>>
      %dma_start3A_194 = arith.constant 0 : i32
      %dma_start3A_195 = tpu.memref_slice %arg9[%add3A_192, %dma_start3A_194] : memref<20480x16xf32, #tpu.memory_space<hbm>> -> memref<64x16xf32, #tpu.memory_space<hbm>>
      tpu.enqueue_dma source(%arg13 : memref<64x16xf32, #tpu.memory_space<vmem>>) target(%dma_start3A_195 : memref<64x16xf32, #tpu.memory_space<hbm>>) target_semaphore(%run_scoped3A : memref<!tpu.dma_semaphore, #tpu.memory_space<semaphore_mem>>)
      %dma_wait3A = arith.constant 0 : i32
      %dma_wait3A_196 = tpu.memref_slice %arg9[%add3A_192, %dma_wait3A] : memref<20480x16xf32, #tpu.memory_space<hbm>> -> memref<64x16xf32, #tpu.memory_space<hbm>>
      %dma_wait3A_197 = arith.constant 0 : i32
      %dma_wait3A_198 = tpu.memref_slice %arg9[%add3A_192, %dma_wait3A_197] : memref<20480x16xf32, #tpu.memory_space<hbm>> -> memref<64x16xf32, #tpu.memory_space<hbm>>
      tpu.wait_dma2 semaphore(%run_scoped3A : memref<!tpu.dma_semaphore, #tpu.memory_space<semaphore_mem>>) src(%arg13 : memref<64x16xf32, #tpu.memory_space<vmem>>) dst(%dma_wait3A_198 : memref<64x16xf32, #tpu.memory_space<hbm>>)
      tpu.yield
    }) : () -> ()
    return
  }
}

module attributes {stable_mosaic.version = 14 : i64} {
  func.func @_tc_post_body(%arg0: i32, %arg1: memref<2x400x128xf32, #tpu.memory_space<vmem>>, %arg2: memref<2x400x16xf32, #tpu.memory_space<vmem>>, %arg3: memref<1x1x400xi32, #tpu.memory_space<vmem>>, %arg4: memref<128x128xf32, #tpu.memory_space<vmem>>, %arg5: memref<1x128xf32, #tpu.memory_space<vmem>>, %arg6: memref<128x10xf32, #tpu.memory_space<vmem>>, %arg7: memref<1x10xf32, #tpu.memory_space<vmem>>, %arg8: memref<128x10xf32, #tpu.memory_space<vmem>>, %arg9: memref<128x128xf32, #tpu.memory_space<vmem>>) attributes {dimension_semantics = [#tpu.dimension_semantics<arbitrary>], iteration_bounds = array<i64: 25>, scalar_prefetch = 0 : i64, scratch_operands = 1 : i64, tpu.core_type = #tpu.core_type<tc>, window_params = [{transform_indices = @transform_0, window_bounds = array<i64: 2, 400, 128>}, {transform_indices = @transform_1, window_bounds = array<i64: 2, 400, 16>}, {transform_indices = @transform_2, window_bounds = array<i64: 1, 1, 400>}, {pipeline_mode = #tpu.pipeline_mode<synchronous>, transform_indices = @transform_3, window_bounds = array<i64: 128, 128>}, {pipeline_mode = #tpu.pipeline_mode<synchronous>, transform_indices = @transform_4, window_bounds = array<i64: 1, 128>}, {pipeline_mode = #tpu.pipeline_mode<synchronous>, transform_indices = @transform_5, window_bounds = array<i64: 128, 10>}, {pipeline_mode = #tpu.pipeline_mode<synchronous>, transform_indices = @transform_6, window_bounds = array<i64: 1, 10>}, {pipeline_mode = #tpu.pipeline_mode<synchronous>, transform_indices = @transform_7, window_bounds = array<i64: 128, 10>}]} {
    %get3A = arith.constant 0 : index
    %get3A_0 = arith.constant 0 : index
    %get3A_1 = arith.constant 0 : index
    %get3A_2 = vector.load %arg1[%get3A, %get3A_0, %get3A_1] : memref<2x400x128xf32, #tpu.memory_space<vmem>>, vector<1x400x128xf32>
    %get3A_3 = vector.shape_cast %get3A_2 : vector<1x400x128xf32> to vector<400x128xf32>
    %get3A_4 = arith.constant 1 : index
    %get3A_5 = arith.constant 0 : index
    %get3A_6 = arith.constant 0 : index
    %get3A_7 = vector.load %arg1[%get3A_4, %get3A_5, %get3A_6] : memref<2x400x128xf32, #tpu.memory_space<vmem>>, vector<1x400x128xf32>
    %get3A_8 = vector.shape_cast %get3A_7 : vector<1x400x128xf32> to vector<400x128xf32>
    %add3A = arith.addf %get3A_3, %get3A_8 : vector<400x128xf32>
    %get3A_9 = arith.constant 0 : index
    %get3A_10 = arith.constant 0 : index
    %get3A_11 = arith.constant 0 : index
    %get3A_12 = vector.load %arg2[%get3A_9, %get3A_10, %get3A_11] : memref<2x400x16xf32, #tpu.memory_space<vmem>>, vector<1x400x1xf32>
    %get3A_13 = vector.shape_cast %get3A_12 : vector<1x400x1xf32> to vector<400x1xf32>
    %get3A_14 = arith.constant 1 : index
    %get3A_15 = arith.constant 0 : index
    %get3A_16 = arith.constant 0 : index
    %get3A_17 = vector.load %arg2[%get3A_14, %get3A_15, %get3A_16] : memref<2x400x16xf32, #tpu.memory_space<vmem>>, vector<1x400x1xf32>
    %get3A_18 = vector.shape_cast %get3A_17 : vector<1x400x1xf32> to vector<400x1xf32>
    %add3A_19 = arith.addf %get3A_13, %get3A_18 : vector<400x1xf32>
    %max3A = arith.constant 1.000000e+00 : f32
    %max3A_20 = vector.broadcast %max3A : f32 to vector<400x1xf32>
    %max3A_21 = arith.maximumf %add3A_19, %max3A_20 : vector<400x1xf32>
    %div3A = vector.broadcast %max3A_21 : vector<400x1xf32> to vector<400x128xf32>
    %div3A_22 = arith.divf %add3A, %div3A : vector<400x128xf32>
    %get3A_23 = arith.constant 0 : index
    %get3A_24 = arith.constant 0 : index
    %get3A_25 = vector.load %arg4[%get3A_23, %get3A_24] : memref<128x128xf32, #tpu.memory_space<vmem>>, vector<128x128xf32>
    %dot_general3A = arith.constant dense<0.000000e+00> : vector<400x128xf32>
    %dot_general3A_26 = tpu.matmul %div3A_22, %get3A_25, %dot_general3A {dimension_numbers = #tpu.dot_dimension_numbers<[1], [0], [0], [1], [0, 0, 1, 1], [], []>, transpose_lhs_hint = false} : vector<400x128xf32>, vector<128x128xf32>, vector<400x128xf32> -> vector<400x128xf32>
    %get3A_27 = arith.constant 0 : index
    %get3A_28 = arith.constant 0 : index
    %get3A_29 = vector.load %arg5[%get3A_27, %get3A_28] : memref<1x128xf32, #tpu.memory_space<vmem>>, vector<1x128xf32>
    %add3A_30 = vector.broadcast %get3A_29 : vector<1x128xf32> to vector<400x128xf32>
    %add3A_31 = arith.addf %dot_general3A_26, %add3A_30 : vector<400x128xf32>
    %max3A_32 = arith.constant 0.000000e+00 : f32
    %max3A_33 = vector.broadcast %max3A_32 : f32 to vector<400x128xf32>
    %max3A_34 = arith.maximumf %add3A_31, %max3A_33 : vector<400x128xf32>
    %get3A_35 = arith.constant 0 : index
    %get3A_36 = arith.constant 0 : index
    %get3A_37 = arith.constant 0 : index
    %get3A_38 = vector.load %arg3[%get3A_35, %get3A_36, %get3A_37] : memref<1x1x400xi32, #tpu.memory_space<vmem>>, vector<1x1x400xi32>
    %get3A_39 = vector.shape_cast %get3A_38 : vector<1x1x400xi32> to vector<1x400xi32>
    %iota3A = tpu.iota {dimensions = array<i32: 0>} : vector<128x1xi32>
    %eq3A = vector.broadcast %get3A_39 : vector<1x400xi32> to vector<128x400xi32>
    %eq3A_40 = vector.broadcast %iota3A : vector<128x1xi32> to vector<128x400xi32>
    %eq3A_41 = arith.cmpi eq, %eq3A, %eq3A_40 : vector<128x400xi32>
    %convert_element_type3A = arith.extui %eq3A_41 : vector<128x400xi1> to vector<128x400xi32>
    %convert_element_type3A_42 = arith.sitofp %convert_element_type3A : vector<128x400xi32> to vector<128x400xf32>
    %eq3A_43 = arith.constant 0 : i32
    %eq3A_44 = arith.cmpi eq, %arg0, %eq3A_43 : i32
    %convert_element_type3A_45 = arith.extui %eq3A_44 : i1 to i32
    %cond3A = arith.constant 0 : i32
    %cond3A_46 = arith.cmpi ne, %convert_element_type3A_45, %cond3A : i32
    scf.if %cond3A_46 {
      %broadcast_in_dim3A = arith.constant 0.000000e+00 : f32
      %broadcast_in_dim3A_60 = vector.broadcast %broadcast_in_dim3A : f32 to vector<128x128xf32>
      %swap3A_61 = arith.constant 0 : index
      %swap3A_62 = arith.constant 0 : index
      %swap3A_63 = vector.load %arg9[%swap3A_61, %swap3A_62] : memref<128x128xf32, #tpu.memory_space<vmem>>, vector<128x128xf32>
      tpu.vector_store %arg9[%swap3A_61, %swap3A_62], %broadcast_in_dim3A_60 {strides = array<i32>} : memref<128x128xf32, #tpu.memory_space<vmem>>, vector<128x128xf32>,
    } else {
    }
    %get3A_47 = arith.constant 0 : index
    %get3A_48 = arith.constant 0 : index
    %get3A_49 = vector.load %arg9[%get3A_47, %get3A_48] : memref<128x128xf32, #tpu.memory_space<vmem>>, vector<128x128xf32>
    %dot_general3A_50 = arith.constant dense<0.000000e+00> : vector<128x128xf32>
    %dot_general3A_51 = tpu.matmul %convert_element_type3A_42, %max3A_34, %dot_general3A_50 {dimension_numbers = #tpu.dot_dimension_numbers<[1], [0], [0], [1], [0, 0, 1, 1], [], []>, transpose_lhs_hint = false} : vector<128x400xf32>, vector<400x128xf32>, vector<128x128xf32> -> vector<128x128xf32>
    %add3A_52 = arith.addf %get3A_49, %dot_general3A_51 : vector<128x128xf32>
    %swap3A = arith.constant 0 : index
    %swap3A_53 = arith.constant 0 : index
    %swap3A_54 = vector.load %arg9[%swap3A, %swap3A_53] : memref<128x128xf32, #tpu.memory_space<vmem>>, vector<128x128xf32>
    tpu.vector_store %arg9[%swap3A, %swap3A_53], %add3A_52 {strides = array<i32>} : memref<128x128xf32, #tpu.memory_space<vmem>>, vector<128x128xf32>,
    %eq3A_55 = arith.constant 24 : i32
    %eq3A_56 = arith.cmpi eq, %arg0, %eq3A_55 : i32
    %convert_element_type3A_57 = arith.extui %eq3A_56 : i1 to i32
    %cond3A_58 = arith.constant 0 : i32
    %cond3A_59 = arith.cmpi ne, %convert_element_type3A_57, %cond3A_58 : i32
    scf.if %cond3A_59 {
      %get3A_60 = arith.constant 0 : index
      %get3A_61 = arith.constant 0 : index
      %get3A_62 = vector.load %arg9[%get3A_60, %get3A_61] : memref<128x128xf32, #tpu.memory_space<vmem>>, vector<128x128xf32>
      %get3A_63 = arith.constant 0 : index
      %get3A_64 = arith.constant 0 : index
      %get3A_65 = vector.load %arg6[%get3A_63, %get3A_64] : memref<128x10xf32, #tpu.memory_space<vmem>>, vector<128x10xf32>
      %dot_general3A_66 = arith.constant dense<0.000000e+00> : vector<128x10xf32>
      %dot_general3A_67 = tpu.matmul %get3A_62, %get3A_65, %dot_general3A_66 {dimension_numbers = #tpu.dot_dimension_numbers<[1], [0], [0], [1], [0, 0, 1, 1], [], []>, transpose_lhs_hint = false} : vector<128x128xf32>, vector<128x10xf32>, vector<128x10xf32> -> vector<128x10xf32>
      %get3A_68 = arith.constant 0 : index
      %get3A_69 = arith.constant 0 : index
      %get3A_70 = vector.load %arg7[%get3A_68, %get3A_69] : memref<1x10xf32, #tpu.memory_space<vmem>>, vector<1x10xf32>
      %add3A_71 = vector.broadcast %get3A_70 : vector<1x10xf32> to vector<128x10xf32>
      %add3A_72 = arith.addf %dot_general3A_67, %add3A_71 : vector<128x10xf32>
      %swap3A_73 = arith.constant 0 : index
      %swap3A_74 = arith.constant 0 : index
      %swap3A_75 = vector.load %arg8[%swap3A_73, %swap3A_74] : memref<128x10xf32, #tpu.memory_space<vmem>>, vector<128x10xf32>
      tpu.vector_store %arg8[%swap3A_73, %swap3A_74], %add3A_72 {strides = array<i32>} : memref<128x10xf32, #tpu.memory_space<vmem>>, vector<128x10xf32>,
    } else {
    }
    return
  }
  func.func @transform_0(%arg0: i32) -> (i32, i32, i32) {
    %c0_i32 = arith.constant 0 : i32
    %c0_i32_0 = arith.constant 0 : i32
    %c0_i32_1 = arith.constant 0 : i32
    return %c0_i32, %arg0, %c0_i32_0 : i32, i32, i32
  }
  func.func @transform_1(%arg0: i32) -> (i32, i32, i32) {
    %c0_i32 = arith.constant 0 : i32
    %c0_i32_0 = arith.constant 0 : i32
    %c0_i32_1 = arith.constant 0 : i32
    return %c0_i32, %arg0, %c0_i32_0 : i32, i32, i32
  }
  func.func @transform_2(%arg0: i32) -> (i32, i32, i32) {
    %c0_i32 = arith.constant 0 : i32
    %c0_i32_0 = arith.constant 0 : i32
    %c0_i32_1 = arith.constant 0 : i32
    return %arg0, %c0_i32, %c0_i32_0 : i32, i32, i32
  }
  func.func @transform_3(%arg0: i32) -> (i32, i32) {
    %c0_i32 = arith.constant 0 : i32
    %c0_i32_0 = arith.constant 0 : i32
    %c0_i32_1 = arith.constant 0 : i32
    return %c0_i32, %c0_i32_0 : i32, i32
  }
  func.func @transform_4(%arg0: i32) -> (i32, i32) {
    %c0_i32 = arith.constant 0 : i32
    %c0_i32_0 = arith.constant 0 : i32
    %c0_i32_1 = arith.constant 0 : i32
    return %c0_i32, %c0_i32_0 : i32, i32
  }
  func.func @transform_5(%arg0: i32) -> (i32, i32) {
    %c0_i32 = arith.constant 0 : i32
    %c0_i32_0 = arith.constant 0 : i32
    %c0_i32_1 = arith.constant 0 : i32
    return %c0_i32, %c0_i32_0 : i32, i32
  }
  func.func @transform_6(%arg0: i32) -> (i32, i32) {
    %c0_i32 = arith.constant 0 : i32
    %c0_i32_0 = arith.constant 0 : i32
    %c0_i32_1 = arith.constant 0 : i32
    return %c0_i32, %c0_i32_0 : i32, i32
  }
  func.func @transform_7(%arg0: i32) -> (i32, i32) {
    %c0_i32 = arith.constant 0 : i32
    %c0_i32_0 = arith.constant 0 : i32
    %c0_i32_1 = arith.constant 0 : i32
    return %c0_i32, %c0_i32_0 : i32, i32
  }
}

</mosaic_0001>

<sc_bundles>
// kernel: kernel.4.cloned.1.call-start
scs
__scs_entry_jumppad:
0x0: {  	(pc) =	sbr.rel $0x88, $3  }
0x1: {  	(tag) =	ssettag $0x0;
	lr =	simm.s32 $0x1  }
0x2: {  	[smem:$0x3F9A] =	sst lr;
	_ =	strace $0xD0000000  }
0x3: {  	_ = 	snop  }
0x4: {  	_ = 	snop  }
0x5: {  	_ = 	snop  }
0x6: {  	_ = 	snop  }
0x7: {  	_ = 	snop  }
__scs_overlays_trampoline_lowered:
0x8: {  	[smem:$0x3FA9] =	sst s0  }
0x9: {  	[smem:$0x3FAA] =	sst s1  }
0xa: {  	[smem:$0x3FAB] =	sst s2  }
0xb: {  	[smem:$0x3FAC] =	sst s3  }
0xc: {  	[smem:$0x3FAD] =	sst s4  }
0xd: {  	[smem:$0x3FAE] =	sst s5  }
0xe: {  	[smem:$0x3FAF] =	sst s6  }
0xf: {  	[smem:$0x3FB0] =	sst s7  }
0x10: {  	[smem:$0x3FB1] =	sst s8  }
0x11: {  	[smem:$0x3FB2] =	sst s9;
	s0 =	simm.s32 @!p0 $0x0  }
0x12: {  	s1 =	sld [smem:$0x3F98];
	s0 =	simm.s32 @p0 $0x1  }
0x13: {  	[smem:$0x3FB3] =	sst s0;
	s0 =	simm.s32 @!p1 $0x0  }
0x14: {  	s2 =	sld [smem:$0x3F97];
	s0 =	simm.s32 @p1 $0x1  }
0x15: {  	[smem:$0x3FB4] =	sst s0;
	s0 =	simm.s32 @!p2 $0x0  }
0x16: {  	s3 =	sld [smem:$0x3FDB];
	s0 =	simm.s32 @p2 $0x1  }
0x17: {  	s4 =	simm.s32 $0x1BF5;
	[smem:$0x3FB6] =	sst s0  }
0x18: {  	s0 =	sld [smem:$0x3F99];
	_ =	swait.ge [sflag:s4], $0x0  }
0x19: {  	s7 =	sld [smem:$0x3F9A]  }
0x1a: {  	s8 =	sadd.s32 $0xFFFFE003, lr  }
0x1b: {  	s9 =	sadd.s32 $0xFFFFFEF7, lr;
	s5 =	simm.s32 $0xFFFFFFFF;
	p2 =	slt.u32 s8, $0xFFFFF086  }
0x1c: {  	p1 =	slt.u32 s9, $0xF7A;
	s5 =	simm.s32 @!p2 $0x0  }
0x1d: {  	s5 =	simm.s32 @p1 $0x1;
	p0 =	seq.s32 s7, s2  }
0x1e: {  	s7 =	smul.u32 @!p0 $0xF7A, s2;
	p2 =	seq.s32 @!p0 s5, $0x0  }
0x1f: {  	s9 =	smul.u32 $0xF7A, s1;
	s8 =	simm.s32 @!p0 $0x1BF5;
	p2 =	por !p2, p0  }
0x20: {  	[sflag:s8] =	ssyncset.s32 @!p0 $0xFFFFF086;
	s6 =	sadd.s32 @!p0 s3, s7;
	s7 =	simm.s32 @!p0 $0x108  }
0x21: {  	s3 =	sadd.s32 s3, s9;
	s6 =	sadd.s32 @!p0 $0x88, s6;
	s7 =	simm.s32 @p2 $0x1082  }
0x22: {  	[simem:s7], [sflag:s8] =	dma.local @!p0 [hbm:s6], $0xF7A  }
0x23: {  	s9 =	sor.u32 $0xD0000000, s2;
	s6 =	simm.s32 $0x108;
	_ =	swait.ge @!p0 [sflag:s8], $0x0  }
0x24: {  	s3 =	sadd.s32 $0x88, s3;
	s6 =	simm.s32 @!p1 $0x1082;
	[sflag:s4] =	ssyncset.s32 $0xFFFFF086  }
0x25: {  	[simem:s6], [sflag:s4] =	dma.local [hbm:s3], $0xF7A  }
0x26: {  	[smem:$0x3F9A] =	sst s1;
	(tag) =	ssettag s2;
	_ =	strace s9  }
0x27: {  	s1 =	sld [smem:$0x3FAA]  }
0x28: {  	s2 =	sld [smem:$0x3FAB]  }
0x29: {  	s4 =	sld [smem:$0x3FAD]  }
0x2a: {  	p0 =	seq.s32 s5, $0x0;
	s5 =	sld [smem:$0x3FAE]  }
0x2b: {  	s6 =	sld [smem:$0x3FAF]  }
0x2c: {  	s7 =	sld [smem:$0x3FB0]  }
0x2d: {  	s3 =	simm.s32 $0x108;
	s8 =	sld [smem:$0x3FB1]  }
0x2e: {  	s3 =	simm.s32 @!p0 $0x1082;
	s9 =	sld [smem:$0x3FB2]  }
0x2f: {  	lr =	sadd.s32 s0, s3;
	s0 =	sld [smem:$0x3FA9]  }
0x30: {  	s3 =	sld [smem:$0x3FAC]  }
0x31: {  	[smem:$0x3FB5] =	sst s10  }
0x32: {  	s10 =	sld [smem:$0x3FB3];
	_ =	sdelay $0x3  }
0x33: {  	p0 =	seq.s32 s10, $0x1;
	s10 =	sld [smem:$0x3FB5];
	_ =	sdelay $0x3  }
0x34: {  	[smem:$0x3FB5] =	sst s10  }
0x35: {  	s10 =	sld [smem:$0x3FB4];
	_ =	sdelay $0x3  }
0x36: {  	p1 =	seq.s32 s10, $0x1;
	s10 =	sld [smem:$0x3FB5];
	_ =	sdelay $0x3  }
0x37: {  	[smem:$0x3FB5] =	sst s10  }
0x38: {  	s10 =	sld [smem:$0x3FB6]  }
0x39: {  	_ = 	snop;
	(pc) =	sbr.ind lr, $3  }
0x3a: {  	_ = 	snop  }
0x3b: {  	_ = 	snop  }
0x3c: {  	p2 =	seq.s32 s10, $0x1;
	s10 =	sld [smem:$0x3FB5]  }
0x3d: {  	_ =	shalt  }
0x3e: {  	_ =	shalt  }
0x3f: {  	_ =	shalt  }
0x40: {  	_ =	shalt  }
0x41: {  	_ =	shalt  }
0x42: {  	_ =	shalt  }
0x43: {  	_ =	shalt  }
0x44: {  	_ =	shalt  }
0x45: {  	_ =	shalt  }
0x46: {  	_ =	shalt  }
0x47: {  	_ =	shalt  }
0x48: {  	_ =	shalt  }
0x49: {  	_ =	shalt  }
0x4a: {  	_ =	shalt  }
0x4b: {  	_ =	shalt  }
0x4c: {  	_ =	shalt  }
0x4d: {  	_ =	shalt  }
0x4e: {  	_ =	shalt  }
0x4f: {  	_ =	shalt  }
0x50: {  	_ =	shalt  }
0x51: {  	_ =	shalt  }
0x52: {  	_ =	shalt  }
0x53: {  	_ =	shalt  }
0x54: {  	_ =	shalt  }
0x55: {  	_ =	shalt  }
0x56: {  	_ =	shalt  }
0x57: {  	_ =	shalt  }
0x58: {  	_ =	shalt  }
0x59: {  	_ =	shalt  }
0x5a: {  	_ =	shalt  }
0x5b: {  	_ =	shalt  }
0x5c: {  	_ =	shalt  }
0x5d: {  	_ =	shalt  }
0x5e: {  	_ =	shalt  }
0x5f: {  	_ =	shalt  }
0x60: {  	_ =	shalt  }
0x61: {  	_ =	shalt  }
0x62: {  	_ =	shalt  }
0x63: {  	_ =	shalt  }
0x64: {  	_ =	shalt  }
0x65: {  	_ =	shalt  }
0x66: {  	_ =	shalt  }
0x67: {  	_ =	shalt  }
0x68: {  	_ =	shalt  }
0x69: {  	_ =	shalt  }
0x6a: {  	_ =	shalt  }
0x6b: {  	_ =	shalt  }
0x6c: {  	_ =	shalt  }
0x6d: {  	_ =	shalt  }
0x6e: {  	_ =	shalt  }
0x6f: {  	_ =	shalt  }
0x70: {  	_ =	shalt  }
0x71: {  	_ =	shalt  }
0x72: {  	_ =	shalt  }
0x73: {  	_ =	shalt  }
0x74: {  	_ =	shalt  }
0x75: {  	_ =	shalt  }
0x76: {  	_ =	shalt  }
0x77: {  	_ =	shalt  }
0x78: {  	_ =	shalt  }
0x79: {  	_ =	shalt  }
0x7a: {  	_ =	shalt  }
0x7b: {  	_ =	shalt  }
0x7c: {  	_ =	shalt  }
0x7d: {  	_ =	shalt  }
0x7e: {  	_ =	shalt  }
0x7f: {  	_ =	shalt  }
0x80: {  	_ =	shalt  }
0x81: {  	_ =	shalt  }
0x82: {  	_ =	shalt  }
0x83: {  	_ =	shalt  }
0x84: {  	_ =	shalt  }
0x85: {  	_ =	shalt  }
0x86: {  	_ =	shalt  }
0x87: {  	_ =	shalt  }
.Lfunc_end0:
.L_simem_size_0:
called_computation_lowered:
.L_overlay_start_0:
0x88: {  	s2 =	sld [smem:$0x3FD9]  }
0x89: {  	s3 =	sld [smem:$0x3FFE];
	_ =	sdelay $0x1  }
0x8a: {  	s1 =	srdreg.scid  }
0x8b: {  	s0 =	sand.u32 $0x1, s1  }
0x8c: {  	s17 =	sshll.u32 s0, $0xA;
	s2 =	sadd.s32 s3, s2  }
0x8d: {  	s2 =	sadd.s32 s2, s17  }
0x8e: {  	[smem:$0x3FC1] =	sst s2  }
0x8f: {  	_ = 	snop  }
0x90: {  	s2 =	sld [smem:$0x3FC9]  }
0x91: {  	s18 =	sld [smem:$0x3FD0];
	(tm) =	ssettm $0x1  }
0x92: {  	s4 =	sld [smem:$0x3FFB];
	_ =	sdelay $0x3  }
0x93: {  	_ =	strace s4  }
0x94: {  	s4 =	sld [smem:$0x3FFC];
	_ =	sdelay $0x3  }
0x95: {  	_ =	strace s4  }
0x96: {  	s4 =	sld [smem:$0x3FFD];
	_ =	sdelay $0x3  }
0x97: {  	_ =	strace s4  }
0x98: {  	_ =	strace $0x8FFFFFFF  }
0x99: {  	s19 =	sld [smem:$0x3FDB];
	_ =	sdelay $0x1  }
0x9a: {  	s5 =	simm.s32 $_scs_section_size  }
0x9b: {  	s6 =	simm.s32 $_size__tile_overlayer_lowered;
	s7 =	simm.s32 $_tile_overlayer_lowered  }
0x9c: {  	s22 =	simm.s32 $0x1BFF;
	s21 =	sshll.u32 s7, $0x1;
	s4 =	sadd.s32 s5, s19  }
0x9d: {  	s8 =	simm.s32 $0x0;
	s20 =	sshll.u32 s6, $0x1;
	s6 =	sadd.s32 s21, s4  }
0x9e: {  	[timem:s8], [sflag:s22] =	dma.local [hbm:s6], s20  }
0x9f: {  	_ =	swait.ge [sflag:s22], s20  }
0xa0: {  	s5 =	ssub.s32 $0x0, s20;
	[sflag:s22] =	ssyncset.done $0x0  }
0xa1: {  	[sflag:s22] =	ssyncadd.s32 s5;
	_ =	sdelay $0x1  }
0xa2: {  	s23 =	simm.s32 $0x1B8B  }
0xa3: {  	_ =	swait.ge [sflag:s23], $0x1  }
0xa4: {  	[sflag:s23] =	ssyncset.done $0x0  }
0xa5: {  	s25 =	simm.s32 $0x1B8E;
	s24 =	sld [smem:$0x3FFE];
	[sflag:s23] =	ssyncadd.s32 $0xFFFFFFFF  }
0xa6: {  	s26 =	simm.s32 $execute0_lowered;
	[smem:$0x3FD2] =	sst s25  }
0xa7: {  	s6 =	sshll.u32 s26, $0x1;
	_ =	strace $0x80000046;
	[dreg:$0x1] =	wrdreg $0xFFFFFFFF  }
0xa8: {  	s28 =	simm.s32 $_size_execute0_lowered;
	s4 =	sadd.s32 s4, s6;
	[dreg:$0x0] =	wrdreg $0x0  }
0xa9: {  	s6 =	sshll.u32 s28, $0x1;
	[dreg:$0x2] =	wrdreg s4  }
0xaa: {  	[dreg:$0x3] =	wrdreg s6  }
0xab: {  	[dreg:$0x4] =	wrdreg $0xC0  }
0xac: {  	_ =	task [dreg:s8], $0x5FFFF  }
0xad: {  	[dreg:$0x1] =	wrdreg $0xFFFFFFFF  }
0xae: {  	[dreg:$0x0] =	wrdreg $0x60  }
0xaf: {  	[dreg:$0x2] =	wrdreg s24  }
0xb0: {  	[dreg:$0x3] =	wrdreg s2  }
0xb1: {  	[dreg:$0x4] =	wrdreg s18  }
0xb2: {  	[dreg:$0x5] =	wrdreg $0x34000  }
0xb3: {  	[dreg:$0x6] =	wrdreg $0x174000  }
0xb4: {  	[dreg:$0x7] =	wrdreg $0x9  }
0xb5: {  	_ =	task.clear_ibuf [dreg:s8], $0x8FFFF;
	_ =	strace $0x90000046  }
0xb6: {  	s29 =	simm.s32 $0x9;
	_ =	strace $0x80000048  }
0xb7: {  	_ =	swait.ge [sflag:s29], $0x1  }
0xb8: {  	[sflag:s29] =	ssyncadd.s32 $0xFFFFFFFF  }
0xb9: {  	_ =	strace $0x90000048  }
0xba: {  	_ =	sfence  }
0xbb: {  	s30 =	sld [smem:$0x0];
	_ =	sdelay $0x2  }
0xbc: {  	s31 =	sshll.u32 s1, $0xD;
	s1 =	sshrl.u32 s1, $0x2  }
0xbd: {  	s3 =	sand.u32 $0x4000, s31;
	s1 =	sadd.s32 s1, s30  }
0xbe: {  	s0 =	sor.u32 s3, s0;
	s1 =	sshll.u32 s1, $0x11  }
0xbf: {  	s0 =	sor.u32 s1, s0  }
0xc0: {  	s0 =	sadd.s32 $0x8F2B, s0  }
0xc1: {  	[sflag:s0] =	ssyncadd.remote.s32 $0x1  }
0xc2: {  	_ =	sfence.sel $0xFFFF  }
0xc3: {  	[dreg:$0x0] =	wrdreg $0xFFFFFFFF;
	(pc) =	sbr.abs _section_cstart, $3  }
0xc4: {  	[dreg:$0x1] =	wrdreg $0xFFFFFFFF  }
0xc5: {  	_ =	task.clear_ibuf [dreg:s8], $0x2FFFF;
	_ =	strace $0x9FFFFFFF  }
0xc6: {  	(tm) =	ssettm $0x7FFFFFFF  }
0xc7: {  	_ =	shalt  }
tec
execute0_lowered:
.L_overlay_start_1:
0x0: {  	(tag) =	ssettag $0x1  }
0x1: {  	s6 =	rddreg [dreg:$0x0]  }
0x2: {  	s0 =	srdreg.scid;
	s23 =	stileid.u32  }
0x3: {  	s30 =	rddreg [dreg:$0x1];
	s31 =	simm.s32 $0x3000;
	s2 =	sand.u32 $0x1, s0  }
0x4: {  	s1 =	sadd.s32 $0xC00, s6;
	s9 =	smul.u32 $0x280, s23;
	s4 =	sshll.u32 s2, $0x4  }
0x5: {  	s0 =	ssub.s32 $0x2, s2;
	s2 =	smul.u32 $0x2800, s2;
	s17 =	sor.u32 s23, s4  }
0x6: {  	s7 =	sadd.s32 $0xAC00, s6;
	s10 =	sadd.s32 $0x1F200, s6;
	s12 =	smul.u32 $0x2800, s17  }
0x7: {  	s3 =	sshrl.u32 s0, $0x1;
	s8 =	sor.u32 $0x40, s9;
	s15 =	smul.u32 $0x500, s17  }
0x8: {  	s11 =	sadd.s32 $0x80, s9;
	s13 =	sadd.s32 $0xC0, s9;
	s25 =	sadd.s32 $0x100, s9  }
0x9: {  	s5 =	sadd.s32 $0x140, s9;
	s12 =	sshrl.u32 s12, $0x3;
	s16 =	sadd.s32 s1, s15  }
0xa: {  	s15 =	sadd.s32 s7, s15;
	[dreg:$0x6] =	wrdreg s16;
	s18 =	sadd.s32 $0x100, s12  }
0xb: {  	s4 =	sadd.s32 $0x180, s9;
	[dreg:$0x7] =	wrdreg s15;
	s19 =	sadd.s32 s1, s18  }
0xc: {  	s21 =	sadd.s32 $0x200, s12;
	s20 =	sadd.s32 s7, s18;
	[dreg:$0x8] =	wrdreg s19  }
0xd: {  	s29 =	sadd.s32 $0x240, s9;
	s17 =	sadd.s32 s1, s21;
	[dreg:$0x9] =	wrdreg s20  }
0xe: {  	s22 =	sadd.s32 $0x300, s12;
	s15 =	sadd.s32 s7, s21;
	[dreg:$0xa] =	wrdreg s17  }
0xf: {  	s0 =	ssub.s32 s0, s3;
	s24 =	sadd.s32 s1, s22;
	[dreg:$0xb] =	wrdreg s15  }
0x10: {  	s12 =	sadd.s32 $0x400, s12;
	s26 =	sadd.s32 s7, s22;
	[dreg:$0xc] =	wrdreg s24  }
0x11: {  	s3 =	sadd.s32 $0x1C0, s9;
	s1 =	sadd.s32 s1, s12;
	[dreg:$0xd] =	wrdreg s26  }
0x12: {  	s0 =	smax.u32 s0, $0x1;
	s14 =	sadd.s32 s7, s12;
	[dreg:$0xe] =	wrdreg s1  }
0x13: {  	s7 =	sadd.s32 s2, s11;
	s15 =	sadd.s32 s9, s2;
	[dreg:$0xf] =	wrdreg s14  }
0x14: {  	s24 =	sadd.s32 $0x200, s9;
	s9 =	sadd.s32 s2, s13;
	s18 =	sshll.u32 s7, $0x4  }
0x15: {  	s14 =	sadd.s32 s2, s25;
	s16 =	sshll.u32 s15, $0x4;
	s20 =	sadd.s32 s10, s18  }
0x16: {  	s19 =	sshll.u32 s9, $0x4;
	s1 =	sadd.s32 s10, s16;
	[dreg:$0x12] =	wrdreg s20  }
0x17: {  	s18 =	sshll.u32 s14, $0x4;
	s21 =	sadd.s32 s10, s19;
	[dreg:$0x10] =	wrdreg s1  }
0x18: {  	s16 =	sadd.s32 s2, s5;
	s18 =	sadd.s32 s10, s18;
	[dreg:$0x13] =	wrdreg s21  }
0x19: {  	s1 =	sadd.s32 s2, s8;
	s19 =	sshll.u32 s16, $0x4;
	[dreg:$0x14] =	wrdreg s18  }
0x1a: {  	s18 =	sadd.s32 s2, s3;
	s17 =	sshll.u32 s1, $0x4;
	s22 =	sadd.s32 s10, s19  }
0x1b: {  	s19 =	sadd.s32 s2, s24;
	s12 =	sadd.s32 s10, s17;
	s17 =	sadd.s32 s2, s4  }
0x1c: {  	[dreg:$0x15] =	wrdreg s22;
	s2 =	sadd.s32 s2, s29;
	s21 =	sshll.u32 s19, $0x4  }
0x1d: {  	[dreg:$0x11] =	wrdreg s12;
	s20 =	sshll.u32 s17, $0x4;
	s12 =	sshll.u32 s18, $0x4  }
0x1e: {  	s22 =	sshll.u32 s2, $0x4;
	s21 =	sadd.s32 s10, s21;
	s26 =	sadd.s32 s10, s20  }
0x1f: {  	s20 =	sadd.s32 s10, s12;
	[dreg:$0x18] =	wrdreg s21;
	s10 =	sadd.s32 s10, s22  }
0x20: {  	s22 =	sshll.u32 s16, $0x1;
	s16 =	sshll.u32 s2, $0x1;
	s2 =	rddreg [dreg:$0x4]  }
0x21: {  	s7 =	sshll.u32 s7, $0x1;
	s1 =	sshll.u32 s1, $0x1;
	[dreg:$0x16] =	wrdreg s26  }
0x22: {  	s12 =	simm.s32 $0x0;
	s21 =	sshll.u32 s14, $0x1;
	[dreg:$0x17] =	wrdreg s20  }
0x23: {  	[dreg:$0x19] =	wrdreg s10;
	s26 =	sshll.u32 s15, $0x1;
	s15 =	sadd.s32 $0x15200, s6  }
0x24: {  	[smem:$0x7FF] =	sst s12;
	s10 =	sadd.s32 s15, s26;
	s1 =	sadd.s32 s15, s1  }
0x25: {  	s26 =	sshll.u32 s17, $0x1;
	s17 =	smul.u32 $0x50000, s23;
	[dreg:$0x1a] =	wrdreg s10  }
0x26: {  	[dreg:$0x1b] =	wrdreg s1;
	s10 =	sshll.u32 s9, $0x1;
	s1 =	sadd.s32 s15, s7  }
0x27: {  	s7 =	sadd.s32 s15, s26;
	s9 =	sshll.u32 s18, $0x1;
	s18 =	smul.u32 $0xA000, s23  }
0x28: {  	s26 =	sshll.u32 s11, $0x7;
	[dreg:$0x1c] =	wrdreg s1;
	s20 =	sadd.s32 s15, s10  }
0x29: {  	s1 =	sadd.s32 s15, s21;
	[smem:$0x7ED] =	sst s7;
	s10 =	sshll.u32 s19, $0x1  }
0x2a: {  	s7 =	sadd.s32 s15, s16;
	s19 =	sadd.s32 $0x14C00, s6;
	[dreg:$0x1d] =	wrdreg s20  }
0x2b: {  	s6 =	sadd.s32 $0x15000, s6;
	s21 =	sshll.u32 s8, $0x7;
	[dreg:$0x1e] =	wrdreg s1  }
0x2c: {  	s1 =	sadd.s32 s15, s22;
	s14 =	sadd.s32 s15, s10;
	[smem:$0x7F0] =	sst s7  }
0x2d: {  	s20 =	sshrl.u32 s18, $0x2;
	s22 =	sshll.u32 s8, $0x4;
	s7 =	sshll.u32 s11, $0x4  }
0x2e: {  	s11 =	sshll.u32 s13, $0x7;
	s18 =	sshll.u32 s25, $0x7;
	[dreg:$0x1f] =	wrdreg s1  }
0x2f: {  	s1 =	sadd.s32 s15, s9;
	[smem:$0x7EF] =	sst s14;
	s9 =	sshrl.u32 s17, $0x2  }
0x30: {  	s10 =	sadd.s32 s20, s2;
	s23 =	sadd.s32 s22, s2;
	s16 =	sadd.s32 s7, s2  }
0x31: {  	s15 =	sshll.u32 s13, $0x4;
	s20 =	sshll.u32 s25, $0x4;
	[smem:$0x7EE] =	sst s1  }
0x32: {  	s25 =	sshll.u32 s3, $0x7;
	s3 =	sshll.u32 s3, $0x4;
	s1 =	rddreg [dreg:$0x3]  }
0x33: {  	s7 =	smov.u32 s10;
	_ =	strace $0x80000047;
	[smem:$0x7F1] =	sst s19  }
0x34: {  	[smem:$0x7F2] =	sst s6;
	s9 =	sadd.s32 s9, s1;
	s8 =	sadd.s32 s21, s1  }
0x35: {  	[smem:$0x7F3] =	sst s23;
	s14 =	sadd.s32 s26, s1;
	s17 =	sadd.s32 s11, s1  }
0x36: {  	s19 =	sadd.s32 s15, s2;
	s22 =	sadd.s32 s18, s1;
	s11 =	sadd.s32 s20, s2  }
0x37: {  	s21 =	sshll.u32 s5, $0x7;
	s5 =	sshll.u32 s5, $0x4;
	s23 =	sshll.u32 s4, $0x7  }
0x38: {  	s4 =	sshll.u32 s4, $0x4;
	s15 =	sadd.s32 s25, s1;
	[smem:$0x7F4] =	sst s0  }
0x39: {  	s18 =	sadd.s32 s3, s2;
	s26 =	sshll.u32 s24, $0x7;
	[smem:$0x7FD] =	sst s16  }
0x3a: {  	s6 =	sshll.u32 s29, $0x4;
	s0 =	simm.s32 $0x2;
	[smem:$0x7F7] =	sst s11  }
0x3b: {  	s21 =	sadd.s32 s21, s1;
	s13 =	sadd.s32 s4, s2;
	[smem:$0x7F9] =	sst s15  }
0x3c: {  	s4 =	sshll.u32 s24, $0x4;
	s24 =	simm.s32 $0x0;
	[smem:$0x7FA] =	sst s18  }
0x3d: {  	s10 =	sadd.s32 s5, s2;
	s28 =	sadd.s32 s23, s1;
	[smem:$0x7F5] =	sst s24  }
0x3e: {  	s20 =	sadd.s32 s26, s1;
	s5 =	sshll.u32 s29, $0x7;
	[smem:$0x7F6] =	sst s10  }
0x3f: {  	s26 =	sadd.s32 s6, s2;
	s29 =	simm.s32 $0x1000;
	[smem:$0x7F8] =	sst s13  }
0x40: {  	s23 =	sadd.s32 s4, s2;
	s25 =	sadd.s32 s5, s1;
	[smem:$0x7FB] =	sst s20  }
0x41: {  	s4 =	simm.s32 $0x40;
	s5 =	simm.s32 $0x1;
	[smem:$0x7FC] =	sst s23  }
.LBB2_1:
0x42: {  	s6 =	sld [smem:$0x7F1];
	_ =	sdelay $0x2  }
0x43: {  	[tilespmem:s29], [sflag:$0x2] =	stream.linear.gather [hbm4b:s6+s12], $0x2000, $0x38;
	[tilespmem:$0x19C00] =	vst v63  }
0x44: {  	_ =	swait.ge [sflag:s0], $0x2000  }
0x45: {  	s3 =	sld [smem:$0x7F2]  }
0x46: {  	[sflag:s0] =	ssyncset.done $0x0  }
0x47: {  	[sflag:s0] =	ssyncadd.s32 $0xFFFFE000  }
0x48: {  	[tilespmem:s31], [sflag:$0x2] =	stream.linear.gather [hbm4b:s3+s12], $0x400, $0x38;
	[tilespmem:$0x19C00] =	vst v63  }
0x49: {  	_ =	swait.ge [sflag:s0], $0x400  }
0x4a: {  	[sflag:s0] =	ssyncset.done $0x0  }
0x4b: {  	[sflag:s0] =	ssyncadd.s32 $0xFFFFFC00  }
0x4c: {  	[spmem:s9] =	stream.linear.scatter [tilespmem:s29], [sflag:$0x2], $0x2000, $0x38;
	[tilespmem:$0x19C00] =	vst v63  }
0x4d: {  	_ =	swait.ge [sflag:s0], $0x2000  }
0x4e: {  	[sflag:s0] =	ssyncset.done $0x0  }
0x4f: {  	[sflag:s0] =	ssyncadd.s32 $0xFFFFE000  }
0x50: {  	[spmem:s7] =	stream.linear.scatter [tilespmem:s31], [sflag:$0x2], $0x400, $0x38;
	[tilespmem:$0x19C00] =	vst v63  }
0x51: {  	_ =	swait.ge [sflag:s0], $0x400  }
0x52: {  	[sflag:s0] =	ssyncset.done $0x0  }
0x53: {  	[sflag:s0] =	ssyncadd.s32 $0xFFFFFC00  }
0x54: {  	[spmem:s8] =	stream.linear.scatter [tilespmem:s29], [sflag:$0x2], $0x2000, $0x38;
	[tilespmem:$0x19C00] =	vst v63  }
0x55: {  	s6 =	sld [smem:$0x7F3];
	_ =	swait.ge [sflag:s0], $0x2000  }
0x56: {  	[sflag:s0] =	ssyncset.done $0x0  }
0x57: {  	[sflag:s0] =	ssyncadd.s32 $0xFFFFE000  }
0x58: {  	[spmem:s6] =	stream.linear.scatter [tilespmem:s31], [sflag:$0x2], $0x400, $0x38;
	[tilespmem:$0x19C00] =	vst v63  }
0x59: {  	_ =	swait.ge [sflag:s0], $0x400  }
0x5a: {  	[sflag:s0] =	ssyncset.done $0x0  }
0x5b: {  	[sflag:s0] =	ssyncadd.s32 $0xFFFFFC00  }
0x5c: {  	[spmem:s14] =	stream.linear.scatter [tilespmem:s29], [sflag:$0x2], $0x2000, $0x38;
	[tilespmem:$0x19C00] =	vst v63  }
0x5d: {  	_ =	swait.ge [sflag:s0], $0x2000  }
0x5e: {  	s3 =	smov.u32 s10;
	[sflag:s0] =	ssyncset.done $0x0  }
0x5f: {  	s10 =	smov.u32 s9;
	s9 =	smov.u32 s16;
	[sflag:s0] =	ssyncadd.s32 $0xFFFFE000  }
0x60: {  	[spmem:s9] =	stream.linear.scatter [tilespmem:s31], [sflag:$0x2], $0x400, $0x38;
	[tilespmem:$0x19C00] =	vst v63  }
0x61: {  	_ =	swait.ge [sflag:s0], $0x400  }
0x62: {  	[sflag:s0] =	ssyncset.done $0x0  }
0x63: {  	[sflag:s0] =	ssyncadd.s32 $0xFFFFFC00  }
0x64: {  	[spmem:s17] =	stream.linear.scatter [tilespmem:s29], [sflag:$0x2], $0x2000, $0x38;
	[tilespmem:$0x19C00] =	vst v63  }
0x65: {  	_ =	swait.ge [sflag:s0], $0x2000  }
0x66: {  	[sflag:s0] =	ssyncset.done $0x0  }
0x67: {  	[sflag:s0] =	ssyncadd.s32 $0xFFFFE000  }
0x68: {  	[spmem:s19] =	stream.linear.scatter [tilespmem:s31], [sflag:$0x2], $0x400, $0x38;
	[tilespmem:$0x19C00] =	vst v63  }
0x69: {  	_ =	swait.ge [sflag:s0], $0x400  }
0x6a: {  	[sflag:s0] =	ssyncset.done $0x0  }
0x6b: {  	[sflag:s0] =	ssyncadd.s32 $0xFFFFFC00  }
0x6c: {  	[spmem:s22] =	stream.linear.scatter [tilespmem:s29], [sflag:$0x2], $0x2000, $0x38;
	[tilespmem:$0x19C00] =	vst v63  }
0x6d: {  	_ =	swait.ge [sflag:s0], $0x2000  }
0x6e: {  	[sflag:s0] =	ssyncset.done $0x0  }
0x6f: {  	s24 =	smov.u32 s11;
	[sflag:s0] =	ssyncadd.s32 $0xFFFFE000  }
0x70: {  	[spmem:s24] =	stream.linear.scatter [tilespmem:s31], [sflag:$0x2], $0x400, $0x38;
	[tilespmem:$0x19C00] =	vst v63  }
0x71: {  	_ =	swait.ge [sflag:s0], $0x400  }
0x72: {  	[sflag:s0] =	ssyncset.done $0x0  }
0x73: {  	[sflag:s0] =	ssyncadd.s32 $0xFFFFFC00  }
0x74: {  	[spmem:s21] =	stream.linear.scatter [tilespmem:s29], [sflag:$0x2], $0x2000, $0x38;
	[tilespmem:$0x19C00] =	vst v63  }
0x75: {  	_ =	swait.ge [sflag:s0], $0x2000  }
0x76: {  	[sflag:s0] =	ssyncset.done $0x0  }
0x77: {  	[sflag:s0] =	ssyncadd.s32 $0xFFFFE000  }
0x78: {  	[spmem:s3] =	stream.linear.scatter [tilespmem:s31], [sflag:$0x2], $0x400, $0x38;
	[tilespmem:$0x19C00] =	vst v63  }
0x79: {  	_ =	swait.ge [sflag:s0], $0x400  }
0x7a: {  	[sflag:s0] =	ssyncset.done $0x0  }
0x7b: {  	[sflag:s0] =	ssyncadd.s32 $0xFFFFFC00  }
0x7c: {  	[spmem:s28] =	stream.linear.scatter [tilespmem:s29], [sflag:$0x2], $0x2000, $0x38;
	[tilespmem:$0x19C00] =	vst v63  }
0x7d: {  	_ =	swait.ge [sflag:s0], $0x2000  }
0x7e: {  	[sflag:s0] =	ssyncset.done $0x0  }
0x7f: {  	s11 =	smov.u32 s7;
	s7 =	smov.u32 s13;
	[sflag:s0] =	ssyncadd.s32 $0xFFFFE000  }
0x80: {  	[spmem:s7] =	stream.linear.scatter [tilespmem:s31], [sflag:$0x2], $0x400, $0x38;
	[tilespmem:$0x19C00] =	vst v63  }
0x81: {  	_ =	swait.ge [sflag:s0], $0x400  }
0x82: {  	[sflag:s0] =	ssyncset.done $0x0  }
0x83: {  	s16 =	smov.u32 s8;
	s8 =	smov.u32 s15;
	[sflag:s0] =	ssyncadd.s32 $0xFFFFFC00  }
0x84: {  	[spmem:s8] =	stream.linear.scatter [tilespmem:s29], [sflag:$0x2], $0x2000, $0x38;
	[tilespmem:$0x19C00] =	vst v63  }
0x85: {  	_ =	swait.ge [sflag:s0], $0x2000  }
0x86: {  	[sflag:s0] =	ssyncset.done $0x0  }
0x87: {  	s15 =	smov.u32 s14;
	s14 =	smov.u32 s18;
	[sflag:s0] =	ssyncadd.s32 $0xFFFFE000  }
0x88: {  	[spmem:s14] =	stream.linear.scatter [tilespmem:s31], [sflag:$0x2], $0x400, $0x38;
	[tilespmem:$0x19C00] =	vst v63  }
0x89: {  	_ =	swait.ge [sflag:s0], $0x400  }
0x8a: {  	[sflag:s0] =	ssyncset.done $0x0  }
0x8b: {  	s18 =	smov.u32 s17;
	s17 =	smov.u32 s20;
	[sflag:s0] =	ssyncadd.s32 $0xFFFFFC00  }
0x8c: {  	[spmem:s17] =	stream.linear.scatter [tilespmem:s29], [sflag:$0x2], $0x2000, $0x38;
	[tilespmem:$0x19C00] =	vst v63  }
0x8d: {  	_ =	swait.ge [sflag:s0], $0x2000  }
0x8e: {  	[sflag:s0] =	ssyncset.done $0x0  }
0x8f: {  	s20 =	smov.u32 s19;
	s19 =	smov.u32 s23;
	[sflag:s0] =	ssyncadd.s32 $0xFFFFE000  }
0x90: {  	[spmem:s19] =	stream.linear.scatter [tilespmem:s31], [sflag:$0x2], $0x400, $0x38;
	[tilespmem:$0x19C00] =	vst v63  }
0x91: {  	_ =	swait.ge [sflag:s0], $0x400  }
0x92: {  	[sflag:s0] =	ssyncset.done $0x0  }
0x93: {  	[sflag:s0] =	ssyncadd.s32 $0xFFFFFC00  }
0x94: {  	[spmem:s25] =	stream.linear.scatter [tilespmem:s29], [sflag:$0x2], $0x2000, $0x38;
	[tilespmem:$0x19C00] =	vst v63  }
0x95: {  	_ =	swait.ge [sflag:s0], $0x2000  }
0x96: {  	[sflag:s0] =	ssyncset.done $0x0  }
0x97: {  	[sflag:s0] =	ssyncadd.s32 $0xFFFFE000  }
0x98: {  	[spmem:s26] =	stream.linear.scatter [tilespmem:s31], [sflag:$0x2], $0x400, $0x38;
	[tilespmem:$0x19C00] =	vst v63  }
0x99: {  	_ =	swait.ge [sflag:s0], $0x400  }
0x9a: {  	[sflag:s0] =	ssyncset.done $0x0  }
0x9b: {  	[sflag:s0] =	ssyncadd.s32 $0xFFFFFC00  }
0x9c: {  	s9 =	rddreg [dreg:$0x2]  }
0x9d: {  	[tilespmem:s31], [sflag:$0x2] =	stream.linear.gather [hbm4b:s9+s12], $0x400, $0x38;
	[tilespmem:$0x19C00] =	vst v63  }
0x9e: {  	_ =	swait.ge [sflag:s0], $0x400  }
0x9f: {  	[sflag:s0] =	ssyncset.done $0x0  }
0xa0: {  	[sflag:s0] =	ssyncadd.s32 $0xFFFFFC00  }
0xa1: {  	[bflag:$0x0] =	sbarrier.arrive $0xFFFF  }
0xa2: {  	s14 =	rddreg [dreg:$0x6]  }
0xa3: {  	[tilespmem:s12], [sflag:$0x2] =	stream.linear.gather [hbm4b:s14+s12], $0x800, $0x38;
	[tilespmem:$0x19C00] =	vst v63  }
0xa4: {  	_ =	swait.ge [sflag:s0], $0x800  }
0xa5: {  	[sflag:s0] =	ssyncset.done $0x0  }
0xa6: {  	s19 =	simm.s32 $0x800;
	s17 =	rddreg [dreg:$0x7];
	[sflag:s0] =	ssyncadd.s32 $0xFFFFF800  }
0xa7: {  	[tilespmem:s19], [sflag:$0x2] =	stream.linear.gather [hbm4b:s17+s12], $0x800, $0x38;
	[tilespmem:$0x19C00] =	vst v63  }
0xa8: {  	_ =	swait.ge [sflag:s0], $0x800  }
0xa9: {  	[sflag:s0] =	ssyncset.done $0x0  }
0xaa: {  	s23 =	smov.u32 s22;
	s22 =	simm.s32 $0x0;
	[sflag:s0] =	ssyncadd.s32 $0xFFFFF800  }
0xab: {  	[tilespmem:s29], [sflag:$0x1] =	stream.indirect.gather [hbm4b:s30+s4], $0x80, s22, s4, $0xb8;
	[tilespmem:$0x19C00] =	vst v63  }
0xac: {  	_ =	swait.ge [sflag:s5], $0x2000  }
0xad: {  	[sflag:s5] =	ssyncset.done $0x0  }
0xae: {  	s24 =	simm.s32 $0x800;
	[sflag:s5] =	ssyncadd.s32 $0xFFFFE000  }
0xaf: {  	[spmem:s1] =	stream.indirect.scatter.add.f32 [tilespmem:s29], [sflag:$0x2], $0x80, s24, s4, $0xb8;
	[tilespmem:$0x19C00] =	vst v63  }
0xb0: {  	_ =	swait.ge [sflag:s0], $0x2000  }
0xb1: {  	[sflag:s0] =	ssyncset.done $0x0  }
0xb2: {  	s13 =	smov.u32 s6;
	s6 =	simm.s32 $0x100;
	[sflag:s0] =	ssyncadd.s32 $0xFFFFE000  }
0xb3: {  	[spmem:s2] =	stream.indirect.scatter.add.f32 [tilespmem:s31], [sflag:$0x2], $0x10, s24, s4, $0xb8;
	[tilespmem:$0x19C00] =	vst v63  }
0xb4: {  	s7 =	simm.s32 $0x200;
	s12 =	simm.s32 $0x800;
	_ =	swait.ge [sflag:s0], $0x400  }
0xb5: {  	s19 =	simm.s32 $0x0;
	s24 =	smov.u32 s21;
	[sflag:s0] =	ssyncset.done $0x0  }
.LBB2_2:
0xb6: {  	s8 =	sshra.s32 s6, $0x2  }
0xb7: {  	[sflag:s0] =	ssyncadd.s32 $0xFFFFFC00;
	s6 =	smov.u32 s7;
	s9 =	sadd.s32 $0x100, s7  }
0xb8: {  	[tilespmem:s29], [sflag:$0x1] =	stream.indirect.gather [hbm4b:s30+s4], $0x80, s8, s4, $0xb8;
	[tilespmem:$0x19C00] =	vst v63  }
0xb9: {  	p0 =	sne.s32 s7, $0x1F00;
	_ =	swait.ge [sflag:s5], $0x2000  }
0xba: {  	[sflag:s5] =	ssyncset.done $0x0  }
0xbb: {  	s7 =	sadd.s32 $0x800, s8;
	[sflag:s5] =	ssyncadd.s32 $0xFFFFE000  }
0xbc: {  	[spmem:s1] =	stream.indirect.scatter.add.f32 [tilespmem:s29], [sflag:$0x2], $0x80, s7, s4, $0xb8;
	[tilespmem:$0x19C00] =	vst v63  }
0xbd: {  	_ =	swait.ge [sflag:s0], $0x2000  }
.Ltmp0:
0xbe: {  	[sflag:s0] =	ssyncset.done $0x0;
	(pc) =	sbr.rel @p0 .LBB2_2-.Ltmp0, $4  }
0xbf: {  	[sflag:s0] =	ssyncadd.s32 $0xFFFFE000  }
0xc0: {  	[spmem:s2] =	stream.indirect.scatter.add.f32 [tilespmem:s31], [sflag:$0x2], $0x10, s7, s4, $0xb8;
	[tilespmem:$0x19C00] =	vst v63  }
0xc1: {  	_ =	swait.ge [sflag:s0], $0x400  }
0xc2: {  	s7 =	smov.u32 s9;
	[sflag:s0] =	ssyncset.done $0x0  }
0xc3: {  	s6 =	sshra.s32 s6, $0x2;
	[sflag:s0] =	ssyncadd.s32 $0xFFFFFC00  }
0xc4: {  	[tilespmem:s29], [sflag:$0x1] =	stream.indirect.gather [hbm4b:s30+s4], $0x80, s6, s4, $0xb8;
	[tilespmem:$0x19C00] =	vst v63  }
0xc5: {  	_ =	swait.ge [sflag:s5], $0x2000  }
0xc6: {  	[sflag:s5] =	ssyncset.done $0x0  }
0xc7: {  	s6 =	sadd.s32 $0x800, s6;
	[sflag:s5] =	ssyncadd.s32 $0xFFFFE000  }
0xc8: {  	[spmem:s1] =	stream.indirect.scatter.add.f32 [tilespmem:s29], [sflag:$0x2], $0x80, s6, s4, $0xb8;
	[tilespmem:$0x19C00] =	vst v63  }
0xc9: {  	_ =	swait.ge [sflag:s0], $0x2000  }
0xca: {  	[sflag:s0] =	ssyncset.done $0x0  }
0xcb: {  	[sflag:s0] =	ssyncadd.s32 $0xFFFFE000  }
0xcc: {  	[spmem:s2] =	stream.indirect.scatter.add.f32 [tilespmem:s31], [sflag:$0x2], $0x10, s6, s4, $0xb8;
	[tilespmem:$0x19C00] =	vst v63  }
0xcd: {  	_ =	swait.ge [sflag:s0], $0x400  }
0xce: {  	[sflag:s0] =	ssyncset.done $0x0  }
0xcf: {  	s14 =	simm.s32 $0x0;
	s7 =	rddreg [dreg:$0x8];
	[sflag:s0] =	ssyncadd.s32 $0xFFFFFC00  }
0xd0: {  	[tilespmem:s14], [sflag:$0x2] =	stream.linear.gather [hbm4b:s7+s14], $0x800, $0x38;
	[tilespmem:$0x19C00] =	vst v63  }
0xd1: {  	_ =	swait.ge [sflag:s0], $0x800  }
0xd2: {  	[sflag:s0] =	ssyncset.done $0x0  }
0xd3: {  	s17 =	rddreg [dreg:$0x9];
	[sflag:s0] =	ssyncadd.s32 $0xFFFFF800  }
0xd4: {  	[tilespmem:s12], [sflag:$0x2] =	stream.linear.gather [hbm4b:s17+s14], $0x800, $0x38;
	[tilespmem:$0x19C00] =	vst v63  }
0xd5: {  	_ =	swait.ge [sflag:s0], $0x800  }
0xd6: {  	[sflag:s0] =	ssyncset.done $0x0  }
0xd7: {  	s21 =	simm.s32 $0x0;
	[sflag:s0] =	ssyncadd.s32 $0xFFFFF800  }
0xd8: {  	[tilespmem:s29], [sflag:$0x1] =	stream.indirect.gather [hbm4b:s30+s4], $0x80, s21, s4, $0xb8;
	[tilespmem:$0x19C00] =	vst v63  }
0xd9: {  	_ =	swait.ge [sflag:s5], $0x2000  }
0xda: {  	[sflag:s5] =	ssyncset.done $0x0  }
0xdb: {  	s22 =	simm.s32 $0x800;
	[sflag:s5] =	ssyncadd.s32 $0xFFFFE000  }
0xdc: {  	[spmem:s1] =	stream.indirect.scatter.add.f32 [tilespmem:s29], [sflag:$0x2], $0x80, s22, s4, $0xb8;
	[tilespmem:$0x19C00] =	vst v63  }
0xdd: {  	_ =	swait.ge [sflag:s0], $0x2000  }
0xde: {  	[sflag:s0] =	ssyncset.done $0x0  }
0xdf: {  	[sflag:s0] =	ssyncadd.s32 $0xFFFFE000  }
0xe0: {  	[spmem:s2] =	stream.indirect.scatter.add.f32 [tilespmem:s31], [sflag:$0x2], $0x10, s22, s4, $0xb8;
	[tilespmem:$0x19C00] =	vst v63  }
0xe1: {  	_ =	swait.ge [sflag:s0], $0x400  }
0xe2: {  	s6 =	simm.s32 $0x100;
	s7 =	simm.s32 $0x200;
	[sflag:s0] =	ssyncset.done $0x0  }
.LBB2_4:
0xe3: {  	s8 =	sshra.s32 s6, $0x2  }
0xe4: {  	[sflag:s0] =	ssyncadd.s32 $0xFFFFFC00;
	s6 =	smov.u32 s7;
	s9 =	sadd.s32 $0x100, s7  }
0xe5: {  	[tilespmem:s29], [sflag:$0x1] =	stream.indirect.gather [hbm4b:s30+s4], $0x80, s8, s4, $0xb8;
	[tilespmem:$0x19C00] =	vst v63  }
0xe6: {  	p0 =	sne.s32 s7, $0x1F00;
	_ =	swait.ge [sflag:s5], $0x2000  }
0xe7: {  	[sflag:s5] =	ssyncset.done $0x0  }
0xe8: {  	s7 =	sadd.s32 $0x800, s8;
	[sflag:s5] =	ssyncadd.s32 $0xFFFFE000  }
0xe9: {  	[spmem:s1] =	stream.indirect.scatter.add.f32 [tilespmem:s29], [sflag:$0x2], $0x80, s7, s4, $0xb8;
	[tilespmem:$0x19C00] =	vst v63  }
0xea: {  	_ =	swait.ge [sflag:s0], $0x2000  }
.Ltmp1:
0xeb: {  	[sflag:s0] =	ssyncset.done $0x0;
	(pc) =	sbr.rel @p0 .LBB2_4-.Ltmp1, $4  }
0xec: {  	[sflag:s0] =	ssyncadd.s32 $0xFFFFE000  }
0xed: {  	[spmem:s2] =	stream.indirect.scatter.add.f32 [tilespmem:s31], [sflag:$0x2], $0x10, s7, s4, $0xb8;
	[tilespmem:$0x19C00] =	vst v63  }
0xee: {  	_ =	swait.ge [sflag:s0], $0x400  }
0xef: {  	s7 =	smov.u32 s9;
	[sflag:s0] =	ssyncset.done $0x0  }
0xf0: {  	s6 =	sshra.s32 s6, $0x2;
	[sflag:s0] =	ssyncadd.s32 $0xFFFFFC00  }
0xf1: {  	[tilespmem:s29], [sflag:$0x1] =	stream.indirect.gather [hbm4b:s30+s4], $0x80, s6, s4, $0xb8;
	[tilespmem:$0x19C00] =	vst v63  }
0xf2: {  	_ =	swait.ge [sflag:s5], $0x2000  }
0xf3: {  	[sflag:s5] =	ssyncset.done $0x0  }
0xf4: {  	s6 =	sadd.s32 $0x800, s6;
	[sflag:s5] =	ssyncadd.s32 $0xFFFFE000  }
0xf5: {  	[spmem:s1] =	stream.indirect.scatter.add.f32 [tilespmem:s29], [sflag:$0x2], $0x80, s6, s4, $0xb8;
	[tilespmem:$0x19C00] =	vst v63  }
0xf6: {  	_ =	swait.ge [sflag:s0], $0x2000  }
0xf7: {  	[sflag:s0] =	ssyncset.done $0x0  }
0xf8: {  	[sflag:s0] =	ssyncadd.s32 $0xFFFFE000  }
0xf9: {  	[spmem:s2] =	stream.indirect.scatter.add.f32 [tilespmem:s31], [sflag:$0x2], $0x10, s6, s4, $0xb8;
	[tilespmem:$0x19C00] =	vst v63  }
0xfa: {  	_ =	swait.ge [sflag:s0], $0x400  }
0xfb: {  	[sflag:s0] =	ssyncset.done $0x0  }
0xfc: {  	s14 =	simm.s32 $0x0;
	s7 =	rddreg [dreg:$0xa];
	[sflag:s0] =	ssyncadd.s32 $0xFFFFFC00  }
0xfd: {  	[tilespmem:s14], [sflag:$0x2] =	stream.linear.gather [hbm4b:s7+s14], $0x800, $0x38;
	[tilespmem:$0x19C00] =	vst v63  }
0xfe: {  	_ =	swait.ge [sflag:s0], $0x800  }
0xff: {  	[sflag:s0] =	ssyncset.done $0x0  }
0x100: {  	s17 =	rddreg [dreg:$0xb];
	[sflag:s0] =	ssyncadd.s32 $0xFFFFF800  }
0x101: {  	[tilespmem:s12], [sflag:$0x2] =	stream.linear.gather [hbm4b:s17+s14], $0x800, $0x38;
	[tilespmem:$0x19C00] =	vst v63  }
0x102: {  	_ =	swait.ge [sflag:s0], $0x800  }
0x103: {  	[sflag:s0] =	ssyncset.done $0x0  }
0x104: {  	s21 =	simm.s32 $0x0;
	[sflag:s0] =	ssyncadd.s32 $0xFFFFF800  }
0x105: {  	[tilespmem:s29], [sflag:$0x1] =	stream.indirect.gather [hbm4b:s30+s4], $0x80, s21, s4, $0xb8;
	[tilespmem:$0x19C00] =	vst v63  }
0x106: {  	_ =	swait.ge [sflag:s5], $0x2000  }
0x107: {  	[sflag:s5] =	ssyncset.done $0x0  }
0x108: {  	s22 =	simm.s32 $0x800;
	[sflag:s5] =	ssyncadd.s32 $0xFFFFE000  }
0x109: {  	[spmem:s1] =	stream.indirect.scatter.add.f32 [tilespmem:s29], [sflag:$0x2], $0x80, s22, s4, $0xb8;
	[tilespmem:$0x19C00] =	vst v63  }
0x10a: {  	_ =	swait.ge [sflag:s0], $0x2000  }
0x10b: {  	[sflag:s0] =	ssyncset.done $0x0  }
0x10c: {  	[sflag:s0] =	ssyncadd.s32 $0xFFFFE000  }
0x10d: {  	[spmem:s2] =	stream.indirect.scatter.add.f32 [tilespmem:s31], [sflag:$0x2], $0x10, s22, s4, $0xb8;
	[tilespmem:$0x19C00] =	vst v63  }
0x10e: {  	_ =	swait.ge [sflag:s0], $0x400  }
0x10f: {  	s6 =	simm.s32 $0x100;
	s7 =	simm.s32 $0x200;
	[sflag:s0] =	ssyncset.done $0x0  }
.LBB2_6:
0x110: {  	s8 =	sshra.s32 s6, $0x2  }
0x111: {  	[sflag:s0] =	ssyncadd.s32 $0xFFFFFC00;
	s6 =	smov.u32 s7;
	s9 =	sadd.s32 $0x100, s7  }
0x112: {  	[tilespmem:s29], [sflag:$0x1] =	stream.indirect.gather [hbm4b:s30+s4], $0x80, s8, s4, $0xb8;
	[tilespmem:$0x19C00] =	vst v63  }
0x113: {  	p0 =	sne.s32 s7, $0x1F00;
	_ =	swait.ge [sflag:s5], $0x2000  }
0x114: {  	[sflag:s5] =	ssyncset.done $0x0  }
0x115: {  	s7 =	sadd.s32 $0x800, s8;
	[sflag:s5] =	ssyncadd.s32 $0xFFFFE000  }
0x116: {  	[spmem:s1] =	stream.indirect.scatter.add.f32 [tilespmem:s29], [sflag:$0x2], $0x80, s7, s4, $0xb8;
	[tilespmem:$0x19C00] =	vst v63  }
0x117: {  	_ =	swait.ge [sflag:s0], $0x2000  }
.Ltmp2:
0x118: {  	[sflag:s0] =	ssyncset.done $0x0;
	(pc) =	sbr.rel @p0 .LBB2_6-.Ltmp2, $4  }
0x119: {  	[sflag:s0] =	ssyncadd.s32 $0xFFFFE000  }
0x11a: {  	[spmem:s2] =	stream.indirect.scatter.add.f32 [tilespmem:s31], [sflag:$0x2], $0x10, s7, s4, $0xb8;
	[tilespmem:$0x19C00] =	vst v63  }
0x11b: {  	_ =	swait.ge [sflag:s0], $0x400  }
0x11c: {  	s7 =	smov.u32 s9;
	[sflag:s0] =	ssyncset.done $0x0  }
0x11d: {  	s6 =	sshra.s32 s6, $0x2;
	[sflag:s0] =	ssyncadd.s32 $0xFFFFFC00  }
0x11e: {  	[tilespmem:s29], [sflag:$0x1] =	stream.indirect.gather [hbm4b:s30+s4], $0x80, s6, s4, $0xb8;
	[tilespmem:$0x19C00] =	vst v63  }
0x11f: {  	_ =	swait.ge [sflag:s5], $0x2000  }
0x120: {  	[sflag:s5] =	ssyncset.done $0x0  }
0x121: {  	s6 =	sadd.s32 $0x800, s6;
	[sflag:s5] =	ssyncadd.s32 $0xFFFFE000  }
0x122: {  	[spmem:s1] =	stream.indirect.scatter.add.f32 [tilespmem:s29], [sflag:$0x2], $0x80, s6, s4, $0xb8;
	[tilespmem:$0x19C00] =	vst v63  }
0x123: {  	_ =	swait.ge [sflag:s0], $0x2000  }
0x124: {  	[sflag:s0] =	ssyncset.done $0x0  }
0x125: {  	[sflag:s0] =	ssyncadd.s32 $0xFFFFE000  }
0x126: {  	[spmem:s2] =	stream.indirect.scatter.add.f32 [tilespmem:s31], [sflag:$0x2], $0x10, s6, s4, $0xb8;
	[tilespmem:$0x19C00] =	vst v63  }
0x127: {  	_ =	swait.ge [sflag:s0], $0x400  }
0x128: {  	[sflag:s0] =	ssyncset.done $0x0  }
0x129: {  	s14 =	simm.s32 $0x0;
	s7 =	rddreg [dreg:$0xc];
	[sflag:s0] =	ssyncadd.s32 $0xFFFFFC00  }
0x12a: {  	[tilespmem:s14], [sflag:$0x2] =	stream.linear.gather [hbm4b:s7+s14], $0x800, $0x38;
	[tilespmem:$0x19C00] =	vst v63  }
0x12b: {  	_ =	swait.ge [sflag:s0], $0x800  }
0x12c: {  	[sflag:s0] =	ssyncset.done $0x0  }
0x12d: {  	s17 =	rddreg [dreg:$0xd];
	[sflag:s0] =	ssyncadd.s32 $0xFFFFF800  }
0x12e: {  	[tilespmem:s12], [sflag:$0x2] =	stream.linear.gather [hbm4b:s17+s14], $0x800, $0x38;
	[tilespmem:$0x19C00] =	vst v63  }
0x12f: {  	_ =	swait.ge [sflag:s0], $0x800  }
0x130: {  	[sflag:s0] =	ssyncset.done $0x0  }
0x131: {  	s21 =	simm.s32 $0x0;
	[sflag:s0] =	ssyncadd.s32 $0xFFFFF800  }
0x132: {  	[tilespmem:s29], [sflag:$0x1] =	stream.indirect.gather [hbm4b:s30+s4], $0x80, s21, s4, $0xb8;
	[tilespmem:$0x19C00] =	vst v63  }
0x133: {  	_ =	swait.ge [sflag:s5], $0x2000  }
0x134: {  	[sflag:s5] =	ssyncset.done $0x0  }
0x135: {  	s22 =	simm.s32 $0x800;
	[sflag:s5] =	ssyncadd.s32 $0xFFFFE000  }
0x136: {  	[spmem:s1] =	stream.indirect.scatter.add.f32 [tilespmem:s29], [sflag:$0x2], $0x80, s22, s4, $0xb8;
	[tilespmem:$0x19C00] =	vst v63  }
0x137: {  	_ =	swait.ge [sflag:s0], $0x2000  }
0x138: {  	[sflag:s0] =	ssyncset.done $0x0  }
0x139: {  	[sflag:s0] =	ssyncadd.s32 $0xFFFFE000  }
0x13a: {  	[spmem:s2] =	stream.indirect.scatter.add.f32 [tilespmem:s31], [sflag:$0x2], $0x10, s22, s4, $0xb8;
	[tilespmem:$0x19C00] =	vst v63  }
0x13b: {  	_ =	swait.ge [sflag:s0], $0x400  }
0x13c: {  	s6 =	simm.s32 $0x100;
	s7 =	simm.s32 $0x200;
	[sflag:s0] =	ssyncset.done $0x0  }
.LBB2_8:
0x13d: {  	s8 =	sshra.s32 s6, $0x2  }
0x13e: {  	[sflag:s0] =	ssyncadd.s32 $0xFFFFFC00;
	s6 =	smov.u32 s7;
	s9 =	sadd.s32 $0x100, s7  }
0x13f: {  	[tilespmem:s29], [sflag:$0x1] =	stream.indirect.gather [hbm4b:s30+s4], $0x80, s8, s4, $0xb8;
	[tilespmem:$0x19C00] =	vst v63  }
0x140: {  	p0 =	sne.s32 s7, $0x1F00;
	_ =	swait.ge [sflag:s5], $0x2000  }
0x141: {  	[sflag:s5] =	ssyncset.done $0x0  }
0x142: {  	s7 =	sadd.s32 $0x800, s8;
	[sflag:s5] =	ssyncadd.s32 $0xFFFFE000  }
0x143: {  	[spmem:s1] =	stream.indirect.scatter.add.f32 [tilespmem:s29], [sflag:$0x2], $0x80, s7, s4, $0xb8;
	[tilespmem:$0x19C00] =	vst v63  }
0x144: {  	_ =	swait.ge [sflag:s0], $0x2000  }
.Ltmp3:
0x145: {  	[sflag:s0] =	ssyncset.done $0x0;
	(pc) =	sbr.rel @p0 .LBB2_8-.Ltmp3, $4  }
0x146: {  	[sflag:s0] =	ssyncadd.s32 $0xFFFFE000  }
0x147: {  	[spmem:s2] =	stream.indirect.scatter.add.f32 [tilespmem:s31], [sflag:$0x2], $0x10, s7, s4, $0xb8;
	[tilespmem:$0x19C00] =	vst v63  }
0x148: {  	_ =	swait.ge [sflag:s0], $0x400  }
0x149: {  	s7 =	smov.u32 s9;
	[sflag:s0] =	ssyncset.done $0x0  }
0x14a: {  	s6 =	sshra.s32 s6, $0x2;
	[sflag:s0] =	ssyncadd.s32 $0xFFFFFC00  }
0x14b: {  	[tilespmem:s29], [sflag:$0x1] =	stream.indirect.gather [hbm4b:s30+s4], $0x80, s6, s4, $0xb8;
	[tilespmem:$0x19C00] =	vst v63  }
0x14c: {  	_ =	swait.ge [sflag:s5], $0x2000  }
0x14d: {  	[sflag:s5] =	ssyncset.done $0x0  }
0x14e: {  	s6 =	sadd.s32 $0x800, s6;
	[sflag:s5] =	ssyncadd.s32 $0xFFFFE000  }
0x14f: {  	[spmem:s1] =	stream.indirect.scatter.add.f32 [tilespmem:s29], [sflag:$0x2], $0x80, s6, s4, $0xb8;
	[tilespmem:$0x19C00] =	vst v63  }
0x150: {  	_ =	swait.ge [sflag:s0], $0x2000  }
0x151: {  	[sflag:s0] =	ssyncset.done $0x0  }
0x152: {  	[sflag:s0] =	ssyncadd.s32 $0xFFFFE000  }
0x153: {  	[spmem:s2] =	stream.indirect.scatter.add.f32 [tilespmem:s31], [sflag:$0x2], $0x10, s6, s4, $0xb8;
	[tilespmem:$0x19C00] =	vst v63  }
0x154: {  	_ =	swait.ge [sflag:s0], $0x400  }
0x155: {  	[sflag:s0] =	ssyncset.done $0x0  }
0x156: {  	s14 =	simm.s32 $0x0;
	s7 =	rddreg [dreg:$0xe];
	[sflag:s0] =	ssyncadd.s32 $0xFFFFFC00  }
0x157: {  	[tilespmem:s14], [sflag:$0x2] =	stream.linear.gather [hbm4b:s7+s14], $0x800, $0x38;
	[tilespmem:$0x19C00] =	vst v63  }
0x158: {  	_ =	swait.ge [sflag:s0], $0x800  }
0x159: {  	[sflag:s0] =	ssyncset.done $0x0  }
0x15a: {  	s17 =	rddreg [dreg:$0xf];
	[sflag:s0] =	ssyncadd.s32 $0xFFFFF800  }
0x15b: {  	[tilespmem:s12], [sflag:$0x2] =	stream.linear.gather [hbm4b:s17+s14], $0x800, $0x38;
	[tilespmem:$0x19C00] =	vst v63  }
0x15c: {  	_ =	swait.ge [sflag:s0], $0x800  }
0x15d: {  	[sflag:s0] =	ssyncset.done $0x0  }
0x15e: {  	s21 =	simm.s32 $0x0;
	[sflag:s0] =	ssyncadd.s32 $0xFFFFF800  }
0x15f: {  	[tilespmem:s29], [sflag:$0x1] =	stream.indirect.gather [hbm4b:s30+s4], $0x80, s21, s4, $0xb8;
	[tilespmem:$0x19C00] =	vst v63  }
0x160: {  	_ =	swait.ge [sflag:s5], $0x2000  }
0x161: {  	[sflag:s5] =	ssyncset.done $0x0  }
0x162: {  	s22 =	simm.s32 $0x800;
	[sflag:s5] =	ssyncadd.s32 $0xFFFFE000  }
0x163: {  	[spmem:s1] =	stream.indirect.scatter.add.f32 [tilespmem:s29], [sflag:$0x2], $0x80, s22, s4, $0xb8;
	[tilespmem:$0x19C00] =	vst v63  }
0x164: {  	_ =	swait.ge [sflag:s0], $0x2000  }
0x165: {  	[sflag:s0] =	ssyncset.done $0x0  }
0x166: {  	[sflag:s0] =	ssyncadd.s32 $0xFFFFE000  }
0x167: {  	[spmem:s2] =	stream.indirect.scatter.add.f32 [tilespmem:s31], [sflag:$0x2], $0x10, s22, s4, $0xb8;
	[tilespmem:$0x19C00] =	vst v63  }
0x168: {  	_ =	swait.ge [sflag:s0], $0x400  }
0x169: {  	s6 =	simm.s32 $0x100;
	s7 =	simm.s32 $0x200;
	[sflag:s0] =	ssyncset.done $0x0  }
.LBB2_10:
0x16a: {  	s8 =	sshra.s32 s6, $0x2  }
0x16b: {  	[sflag:s0] =	ssyncadd.s32 $0xFFFFFC00;
	s6 =	smov.u32 s7;
	s9 =	sadd.s32 $0x100, s7  }
0x16c: {  	[tilespmem:s29], [sflag:$0x1] =	stream.indirect.gather [hbm4b:s30+s4], $0x80, s8, s4, $0xb8;
	[tilespmem:$0x19C00] =	vst v63  }
0x16d: {  	p0 =	sne.s32 s7, $0x1F00;
	_ =	swait.ge [sflag:s5], $0x2000  }
0x16e: {  	[sflag:s5] =	ssyncset.done $0x0  }
0x16f: {  	s7 =	sadd.s32 $0x800, s8;
	[sflag:s5] =	ssyncadd.s32 $0xFFFFE000  }
0x170: {  	[spmem:s1] =	stream.indirect.scatter.add.f32 [tilespmem:s29], [sflag:$0x2], $0x80, s7, s4, $0xb8;
	[tilespmem:$0x19C00] =	vst v63  }
0x171: {  	_ =	swait.ge [sflag:s0], $0x2000  }
.Ltmp4:
0x172: {  	[sflag:s0] =	ssyncset.done $0x0;
	(pc) =	sbr.rel @p0 .LBB2_10-.Ltmp4, $4  }
0x173: {  	[sflag:s0] =	ssyncadd.s32 $0xFFFFE000  }
0x174: {  	[spmem:s2] =	stream.indirect.scatter.add.f32 [tilespmem:s31], [sflag:$0x2], $0x10, s7, s4, $0xb8;
	[tilespmem:$0x19C00] =	vst v63  }
0x175: {  	_ =	swait.ge [sflag:s0], $0x400  }
0x176: {  	s7 =	smov.u32 s9;
	[sflag:s0] =	ssyncset.done $0x0  }
0x177: {  	s6 =	sshra.s32 s6, $0x2;
	[sflag:s0] =	ssyncadd.s32 $0xFFFFFC00  }
0x178: {  	[tilespmem:s29], [sflag:$0x1] =	stream.indirect.gather [hbm4b:s30+s4], $0x80, s6, s4, $0xb8;
	[tilespmem:$0x19C00] =	vst v63  }
0x179: {  	_ =	swait.ge [sflag:s5], $0x2000  }
0x17a: {  	[sflag:s5] =	ssyncset.done $0x0  }
0x17b: {  	s6 =	sadd.s32 $0x800, s6;
	[sflag:s5] =	ssyncadd.s32 $0xFFFFE000  }
0x17c: {  	[spmem:s1] =	stream.indirect.scatter.add.f32 [tilespmem:s29], [sflag:$0x2], $0x80, s6, s4, $0xb8;
	[tilespmem:$0x19C00] =	vst v63  }
0x17d: {  	_ =	swait.ge [sflag:s0], $0x2000  }
0x17e: {  	[sflag:s0] =	ssyncset.done $0x0  }
0x17f: {  	[sflag:s0] =	ssyncadd.s32 $0xFFFFE000  }
0x180: {  	[spmem:s2] =	stream.indirect.scatter.add.f32 [tilespmem:s31], [sflag:$0x2], $0x10, s6, s4, $0xb8;
	[tilespmem:$0x19C00] =	vst v63  }
0x181: {  	_ =	swait.ge [sflag:s0], $0x400  }
0x182: {  	[sflag:s0] =	ssyncset.done $0x0  }
0x183: {  	[sflag:s0] =	ssyncadd.s32 $0xFFFFFC00  }
0x184: {  	[bflag:$0x0] =	sbarrier.arrive $0xFFFF  }
0x185: {  	[tilespmem:s29], [sflag:$0x2] =	stream.linear.gather [spmem:s10], $0x2000, $0x38;
	[tilespmem:$0x19C00] =	vst v63  }
0x186: {  	_ =	swait.ge [sflag:s0], $0x2000  }
0x187: {  	[sflag:s0] =	ssyncset.done $0x0  }
0x188: {  	s9 =	smov.u32 s10;
	s10 =	rddreg [dreg:$0x10];
	[sflag:s0] =	ssyncadd.s32 $0xFFFFE000  }
0x189: {  	[hbm4b:s10+s19] =	stream.linear.scatter [tilespmem:s29], [sflag:$0x2], $0x2000, $0x38;
	[tilespmem:$0x19C00] =	vst v63  }
0x18a: {  	_ =	swait.ge [sflag:s0], $0x2000  }
0x18b: {  	[sflag:s0] =	ssyncset.done $0x0  }
0x18c: {  	[sflag:s0] =	ssyncadd.s32 $0xFFFFE000  }
0x18d: {  	[tilespmem:s31], [sflag:$0x2] =	stream.linear.gather [spmem:s11], $0x400, $0x38;
	[tilespmem:$0x19C00] =	vst v63  }
0x18e: {  	_ =	swait.ge [sflag:s0], $0x400  }
0x18f: {  	[sflag:s0] =	ssyncset.done $0x0  }
0x190: {  	s7 =	smov.u32 s11;
	s11 =	rddreg [dreg:$0x1a];
	[sflag:s0] =	ssyncadd.s32 $0xFFFFFC00  }
0x191: {  	[hbm4b:s11+s19] =	stream.linear.scatter [tilespmem:s31], [sflag:$0x2], $0x400, $0x38;
	[tilespmem:$0x19C00] =	vst v63  }
0x192: {  	_ =	swait.ge [sflag:s0], $0x400  }
0x193: {  	[sflag:s0] =	ssyncset.done $0x0  }
0x194: {  	[sflag:s0] =	ssyncadd.s32 $0xFFFFFC00  }
0x195: {  	[tilespmem:s29], [sflag:$0x2] =	stream.linear.gather [spmem:s16], $0x2000, $0x38;
	[tilespmem:$0x19C00] =	vst v63  }
0x196: {  	_ =	swait.ge [sflag:s0], $0x2000  }
0x197: {  	[sflag:s0] =	ssyncset.done $0x0  }
0x198: {  	s12 =	rddreg [dreg:$0x11];
	[sflag:s0] =	ssyncadd.s32 $0xFFFFE000  }
0x199: {  	[hbm4b:s12+s19] =	stream.linear.scatter [tilespmem:s29], [sflag:$0x2], $0x2000, $0x38;
	[tilespmem:$0x19C00] =	vst v63  }
0x19a: {  	_ =	swait.ge [sflag:s0], $0x2000  }
0x19b: {  	[sflag:s0] =	ssyncset.done $0x0  }
0x19c: {  	[sflag:s0] =	ssyncadd.s32 $0xFFFFE000  }
0x19d: {  	[tilespmem:s31], [sflag:$0x2] =	stream.linear.gather [spmem:s13], $0x400, $0x38;
	[tilespmem:$0x19C00] =	vst v63  }
0x19e: {  	_ =	swait.ge [sflag:s0], $0x400  }
0x19f: {  	[sflag:s0] =	ssyncset.done $0x0  }
0x1a0: {  	s14 =	rddreg [dreg:$0x1b];
	[sflag:s0] =	ssyncadd.s32 $0xFFFFFC00  }
0x1a1: {  	[hbm4b:s14+s19] =	stream.linear.scatter [tilespmem:s31], [sflag:$0x2], $0x400, $0x38;
	[tilespmem:$0x19C00] =	vst v63  }
0x1a2: {  	_ =	swait.ge [sflag:s0], $0x400  }
0x1a3: {  	[sflag:s0] =	ssyncset.done $0x0  }
0x1a4: {  	[sflag:s0] =	ssyncadd.s32 $0xFFFFFC00  }
0x1a5: {  	[tilespmem:s29], [sflag:$0x2] =	stream.linear.gather [spmem:s15], $0x2000, $0x38;
	[tilespmem:$0x19C00] =	vst v63  }
0x1a6: {  	_ =	swait.ge [sflag:s0], $0x2000  }
0x1a7: {  	[sflag:s0] =	ssyncset.done $0x0  }
0x1a8: {  	s8 =	smov.u32 s16;
	s16 =	rddreg [dreg:$0x12];
	[sflag:s0] =	ssyncadd.s32 $0xFFFFE000  }
0x1a9: {  	[hbm4b:s16+s19] =	stream.linear.scatter [tilespmem:s29], [sflag:$0x2], $0x2000, $0x38;
	[tilespmem:$0x19C00] =	vst v63  }
0x1aa: {  	_ =	swait.ge [sflag:s0], $0x2000  }
0x1ab: {  	s16 =	sld [smem:$0x7FD]  }
0x1ac: {  	[sflag:s0] =	ssyncset.done $0x0  }
0x1ad: {  	[sflag:s0] =	ssyncadd.s32 $0xFFFFE000  }
0x1ae: {  	[tilespmem:s31], [sflag:$0x2] =	stream.linear.gather [spmem:s16], $0x400, $0x38;
	[tilespmem:$0x19C00] =	vst v63  }
0x1af: {  	_ =	swait.ge [sflag:s0], $0x400  }
0x1b0: {  	[sflag:s0] =	ssyncset.done $0x0  }
0x1b1: {  	s17 =	rddreg [dreg:$0x1c];
	[sflag:s0] =	ssyncadd.s32 $0xFFFFFC00  }
0x1b2: {  	[hbm4b:s17+s19] =	stream.linear.scatter [tilespmem:s31], [sflag:$0x2], $0x400, $0x38;
	[tilespmem:$0x19C00] =	vst v63  }
0x1b3: {  	_ =	swait.ge [sflag:s0], $0x400  }
0x1b4: {  	[sflag:s0] =	ssyncset.done $0x0  }
0x1b5: {  	[sflag:s0] =	ssyncadd.s32 $0xFFFFFC00  }
0x1b6: {  	[tilespmem:s29], [sflag:$0x2] =	stream.linear.gather [spmem:s18], $0x2000, $0x38;
	[tilespmem:$0x19C00] =	vst v63  }
0x1b7: {  	_ =	swait.ge [sflag:s0], $0x2000  }
0x1b8: {  	[sflag:s0] =	ssyncset.done $0x0  }
0x1b9: {  	s21 =	rddreg [dreg:$0x13];
	[sflag:s0] =	ssyncadd.s32 $0xFFFFE000  }
0x1ba: {  	[hbm4b:s21+s19] =	stream.linear.scatter [tilespmem:s29], [sflag:$0x2], $0x2000, $0x38;
	[tilespmem:$0x19C00] =	vst v63  }
0x1bb: {  	_ =	swait.ge [sflag:s0], $0x2000  }
0x1bc: {  	[sflag:s0] =	ssyncset.done $0x0  }
0x1bd: {  	[sflag:s0] =	ssyncadd.s32 $0xFFFFE000  }
0x1be: {  	[tilespmem:s31], [sflag:$0x2] =	stream.linear.gather [spmem:s20], $0x400, $0x38;
	[tilespmem:$0x19C00] =	vst v63  }
0x1bf: {  	_ =	swait.ge [sflag:s0], $0x400  }
0x1c0: {  	[sflag:s0] =	ssyncset.done $0x0  }
0x1c1: {  	s12 =	simm.s32 $0x0;
	s22 =	rddreg [dreg:$0x1d];
	[sflag:s0] =	ssyncadd.s32 $0xFFFFFC00  }
0x1c2: {  	[hbm4b:s22+s12] =	stream.linear.scatter [tilespmem:s31], [sflag:$0x2], $0x400, $0x38;
	[tilespmem:$0x19C00] =	vst v63  }
0x1c3: {  	_ =	swait.ge [sflag:s0], $0x400  }
0x1c4: {  	[sflag:s0] =	ssyncset.done $0x0  }
0x1c5: {  	[sflag:s0] =	ssyncadd.s32 $0xFFFFFC00  }
0x1c6: {  	[tilespmem:s29], [sflag:$0x2] =	stream.linear.gather [spmem:s23], $0x2000, $0x38;
	[tilespmem:$0x19C00] =	vst v63  }
0x1c7: {  	_ =	swait.ge [sflag:s0], $0x2000  }
0x1c8: {  	[sflag:s0] =	ssyncset.done $0x0  }
0x1c9: {  	s3 =	rddreg [dreg:$0x14];
	[sflag:s0] =	ssyncadd.s32 $0xFFFFE000  }
0x1ca: {  	[hbm4b:s3+s12] =	stream.linear.scatter [tilespmem:s29], [sflag:$0x2], $0x2000, $0x38;
	[tilespmem:$0x19C00] =	vst v63  }
0x1cb: {  	_ =	swait.ge [sflag:s0], $0x2000  }
0x1cc: {  	s11 =	sld [smem:$0x7F7]  }
0x1cd: {  	[sflag:s0] =	ssyncset.done $0x0  }
0x1ce: {  	[sflag:s0] =	ssyncadd.s32 $0xFFFFE000  }
0x1cf: {  	[tilespmem:s31], [sflag:$0x2] =	stream.linear.gather [spmem:s11], $0x400, $0x38;
	[tilespmem:$0x19C00] =	vst v63  }
0x1d0: {  	_ =	swait.ge [sflag:s0], $0x400  }
0x1d1: {  	[sflag:s0] =	ssyncset.done $0x0  }
0x1d2: {  	s10 =	rddreg [dreg:$0x1e];
	[sflag:s0] =	ssyncadd.s32 $0xFFFFFC00  }
0x1d3: {  	[hbm4b:s10+s12] =	stream.linear.scatter [tilespmem:s31], [sflag:$0x2], $0x400, $0x38;
	[tilespmem:$0x19C00] =	vst v63  }
0x1d4: {  	_ =	swait.ge [sflag:s0], $0x400  }
0x1d5: {  	[sflag:s0] =	ssyncset.done $0x0  }
0x1d6: {  	[sflag:s0] =	ssyncadd.s32 $0xFFFFFC00  }
0x1d7: {  	[tilespmem:s29], [sflag:$0x2] =	stream.linear.gather [spmem:s24], $0x2000, $0x38;
	[tilespmem:$0x19C00] =	vst v63  }
0x1d8: {  	_ =	swait.ge [sflag:s0], $0x2000  }
0x1d9: {  	[sflag:s0] =	ssyncset.done $0x0  }
0x1da: {  	s13 =	rddreg [dreg:$0x15];
	[sflag:s0] =	ssyncadd.s32 $0xFFFFE000  }
0x1db: {  	[hbm4b:s13+s12] =	stream.linear.scatter [tilespmem:s29], [sflag:$0x2], $0x2000, $0x38;
	[tilespmem:$0x19C00] =	vst v63  }
0x1dc: {  	_ =	swait.ge [sflag:s0], $0x2000  }
0x1dd: {  	s10 =	sld [smem:$0x7F6]  }
0x1de: {  	[sflag:s0] =	ssyncset.done $0x0  }
0x1df: {  	[sflag:s0] =	ssyncadd.s32 $0xFFFFE000  }
0x1e0: {  	[tilespmem:s31], [sflag:$0x2] =	stream.linear.gather [spmem:s10], $0x400, $0x38;
	[tilespmem:$0x19C00] =	vst v63  }
0x1e1: {  	_ =	swait.ge [sflag:s0], $0x400  }
0x1e2: {  	[sflag:s0] =	ssyncset.done $0x0  }
0x1e3: {  	s14 =	smov.u32 s15;
	s15 =	rddreg [dreg:$0x1f];
	[sflag:s0] =	ssyncadd.s32 $0xFFFFFC00  }
0x1e4: {  	[hbm4b:s15+s12] =	stream.linear.scatter [tilespmem:s31], [sflag:$0x2], $0x400, $0x38;
	[tilespmem:$0x19C00] =	vst v63  }
0x1e5: {  	_ =	swait.ge [sflag:s0], $0x400  }
0x1e6: {  	[sflag:s0] =	ssyncset.done $0x0  }
0x1e7: {  	[sflag:s0] =	ssyncadd.s32 $0xFFFFFC00  }
0x1e8: {  	[tilespmem:s29], [sflag:$0x2] =	stream.linear.gather [spmem:s28], $0x2000, $0x38;
	[tilespmem:$0x19C00] =	vst v63  }
0x1e9: {  	_ =	swait.ge [sflag:s0], $0x2000  }
0x1ea: {  	[sflag:s0] =	ssyncset.done $0x0  }
0x1eb: {  	s17 =	smov.u32 s18;
	s18 =	rddreg [dreg:$0x16];
	[sflag:s0] =	ssyncadd.s32 $0xFFFFE000  }
0x1ec: {  	[hbm4b:s18+s12] =	stream.linear.scatter [tilespmem:s29], [sflag:$0x2], $0x2000, $0x38;
	[tilespmem:$0x19C00] =	vst v63  }
0x1ed: {  	_ =	swait.ge [sflag:s0], $0x2000  }
0x1ee: {  	s13 =	sld [smem:$0x7F8]  }
0x1ef: {  	[sflag:s0] =	ssyncset.done $0x0  }
0x1f0: {  	[sflag:s0] =	ssyncadd.s32 $0xFFFFE000  }
0x1f1: {  	[tilespmem:s31], [sflag:$0x2] =	stream.linear.gather [spmem:s13], $0x400, $0x38;
	[tilespmem:$0x19C00] =	vst v63  }
0x1f2: {  	_ =	swait.ge [sflag:s0], $0x400  }
0x1f3: {  	s19 =	smov.u32 s20;
	s20 =	sld [smem:$0x7ED]  }
0x1f4: {  	[sflag:s0] =	ssyncset.done $0x0  }
0x1f5: {  	[sflag:s0] =	ssyncadd.s32 $0xFFFFFC00  }
0x1f6: {  	[hbm4b:s20+s12] =	stream.linear.scatter [tilespmem:s31], [sflag:$0x2], $0x400, $0x38;
	[tilespmem:$0x19C00] =	vst v63  }
0x1f7: {  	_ =	swait.ge [sflag:s0], $0x400  }
0x1f8: {  	s15 =	sld [smem:$0x7F9]  }
0x1f9: {  	[sflag:s0] =	ssyncset.done $0x0  }
0x1fa: {  	[sflag:s0] =	ssyncadd.s32 $0xFFFFFC00  }
0x1fb: {  	[tilespmem:s29], [sflag:$0x2] =	stream.linear.gather [spmem:s15], $0x2000, $0x38;
	[tilespmem:$0x19C00] =	vst v63  }
0x1fc: {  	_ =	swait.ge [sflag:s0], $0x2000  }
0x1fd: {  	[sflag:s0] =	ssyncset.done $0x0  }
0x1fe: {  	s21 =	rddreg [dreg:$0x17];
	[sflag:s0] =	ssyncadd.s32 $0xFFFFE000  }
0x1ff: {  	[hbm4b:s21+s12] =	stream.linear.scatter [tilespmem:s29], [sflag:$0x2], $0x2000, $0x38;
	[tilespmem:$0x19C00] =	vst v63  }
0x200: {  	_ =	swait.ge [sflag:s0], $0x2000  }
0x201: {  	s18 =	sld [smem:$0x7FA]  }
0x202: {  	[sflag:s0] =	ssyncset.done $0x0  }
0x203: {  	[sflag:s0] =	ssyncadd.s32 $0xFFFFE000  }
0x204: {  	[tilespmem:s31], [sflag:$0x2] =	stream.linear.gather [spmem:s18], $0x400, $0x38;
	[tilespmem:$0x19C00] =	vst v63  }
0x205: {  	_ =	swait.ge [sflag:s0], $0x400  }
0x206: {  	s22 =	smov.u32 s23;
	s23 =	sld [smem:$0x7EE]  }
0x207: {  	[sflag:s0] =	ssyncset.done $0x0  }
0x208: {  	[sflag:s0] =	ssyncadd.s32 $0xFFFFFC00  }
0x209: {  	[hbm4b:s23+s12] =	stream.linear.scatter [tilespmem:s31], [sflag:$0x2], $0x400, $0x38;
	[tilespmem:$0x19C00] =	vst v63  }
0x20a: {  	_ =	swait.ge [sflag:s0], $0x400  }
0x20b: {  	s20 =	sld [smem:$0x7FB]  }
0x20c: {  	[sflag:s0] =	ssyncset.done $0x0  }
0x20d: {  	[sflag:s0] =	ssyncadd.s32 $0xFFFFFC00  }
0x20e: {  	[tilespmem:s29], [sflag:$0x2] =	stream.linear.gather [spmem:s20], $0x2000, $0x38;
	[tilespmem:$0x19C00] =	vst v63  }
0x20f: {  	_ =	swait.ge [sflag:s0], $0x2000  }
0x210: {  	[sflag:s0] =	ssyncset.done $0x0  }
0x211: {  	s3 =	rddreg [dreg:$0x18];
	[sflag:s0] =	ssyncadd.s32 $0xFFFFE000  }
0x212: {  	[hbm4b:s3+s12] =	stream.linear.scatter [tilespmem:s29], [sflag:$0x2], $0x2000, $0x38;
	[tilespmem:$0x19C00] =	vst v63  }
0x213: {  	_ =	swait.ge [sflag:s0], $0x2000  }
0x214: {  	s23 =	sld [smem:$0x7FC]  }
0x215: {  	[sflag:s0] =	ssyncset.done $0x0  }
0x216: {  	[sflag:s0] =	ssyncadd.s32 $0xFFFFE000  }
0x217: {  	[tilespmem:s31], [sflag:$0x2] =	stream.linear.gather [spmem:s23], $0x400, $0x38;
	[tilespmem:$0x19C00] =	vst v63  }
0x218: {  	_ =	swait.ge [sflag:s0], $0x400  }
0x219: {  	s21 =	sld [smem:$0x7EF]  }
0x21a: {  	[sflag:s0] =	ssyncset.done $0x0  }
0x21b: {  	[sflag:s0] =	ssyncadd.s32 $0xFFFFFC00  }
0x21c: {  	[hbm4b:s21+s12] =	stream.linear.scatter [tilespmem:s31], [sflag:$0x2], $0x400, $0x38;
	[tilespmem:$0x19C00] =	vst v63  }
0x21d: {  	_ =	swait.ge [sflag:s0], $0x400  }
0x21e: {  	[sflag:s0] =	ssyncset.done $0x0  }
0x21f: {  	[sflag:s0] =	ssyncadd.s32 $0xFFFFFC00  }
0x220: {  	[tilespmem:s29], [sflag:$0x2] =	stream.linear.gather [spmem:s25], $0x2000, $0x38;
	[tilespmem:$0x19C00] =	vst v63  }
0x221: {  	_ =	swait.ge [sflag:s0], $0x2000  }
0x222: {  	[sflag:s0] =	ssyncset.done $0x0  }
0x223: {  	s3 =	rddreg [dreg:$0x19];
	[sflag:s0] =	ssyncadd.s32 $0xFFFFE000  }
0x224: {  	[hbm4b:s3+s12] =	stream.linear.scatter [tilespmem:s29], [sflag:$0x2], $0x2000, $0x38;
	[tilespmem:$0x19C00] =	vst v63  }
0x225: {  	_ =	swait.ge [sflag:s0], $0x2000  }
0x226: {  	[sflag:s0] =	ssyncset.done $0x0  }
0x227: {  	[sflag:s0] =	ssyncadd.s32 $0xFFFFE000  }
0x228: {  	[tilespmem:s31], [sflag:$0x2] =	stream.linear.gather [spmem:s26], $0x400, $0x38;
	[tilespmem:$0x19C00] =	vst v63  }
0x229: {  	_ =	swait.ge [sflag:s0], $0x400  }
0x22a: {  	s21 =	sld [smem:$0x7F0]  }
0x22b: {  	[sflag:s0] =	ssyncset.done $0x0  }
0x22c: {  	[sflag:s0] =	ssyncadd.s32 $0xFFFFFC00  }
0x22d: {  	[hbm4b:s21+s12] =	stream.linear.scatter [tilespmem:s31], [sflag:$0x2], $0x400, $0x38;
	[tilespmem:$0x19C00] =	vst v63  }
0x22e: {  	_ =	swait.ge [sflag:s0], $0x400  }
0x22f: {  	s21 =	sld [smem:$0x7F5]  }
0x230: {  	s3 =	sld [smem:$0x7F4];
	_ =	sdelay $0x1  }
0x231: {  	s21 =	sadd.s32 $0x1, s21  }
0x232: {  	p0 =	sne.s32 s21, s3  }
.Ltmp5:
0x233: {  	_ = 	snop;
	(pc) =	sbr.rel @p0 .LBB2_1-.Ltmp5, $3  }
0x234: {  	_ =	sdelay $0x1  }
0x235: {  	[sflag:s0] =	ssyncset.done $0x0  }
0x236: {  	[sflag:s0] =	ssyncadd.s32 $0xFFFFFC00;
	[smem:$0x7F5] =	sst s21;
	s21 =	smov.u32 s24  }
0x237: {  	_ =	sfence.sel $0x180000  }
0x238: {  	[bflag:$0x0] =	sbarrier.arrive $0xFFFF  }
0x239: {  	_ =	strace $0x90000047  }
0x23a: {  	s0 =	stileid.u32;
	[bflag:$0x2] =	sbarrier.arrive $0xFFFF  }
0x23b: {  	p0 =	sne.s32 s0, $0x0;
	s0 =	rddreg [dreg:$0x5]  }
0x23c: {  	s0 =	sadd.s32 @!p0 $0x100000, s0  }
0x23d: {  	[sflag:s0] =	ssyncadd.tile.s32 @!p0 $0x1;
	_ =	shalt  }
.Lfunc_end2:
_tile_overlayer_lowered:
.L_overlay_start_2:
0x23e: {  	(tag) =	ssettag $0x2  }
0x23f: {  	s0 =	rddreg [dreg:$0x0];
	s2 =	stileid.u32  }
0x240: {  	s1 =	rddreg [dreg:$0x1];
	p0 =	sne.s32 s2, $0x0  }
0x241: {  	s3 =	rddreg [dreg:$0x2];
	[bflag:$0x3] =	sbarrier.arrive $0xFFFF;
	s2 =	simm.s32 @!p0 $0x1C02  }
0x242: {  	[timem:s3], [sflag:s2] =	dma.local @!p0 [hbm:s0], s1  }
0x243: {  	s0 =	simm.s32 @!p0 $0x2  }
0x244: {  	_ =	swait.ge @!p0 [sflag:s0], s1  }
0x245: {  	s1 =	ssub.s32 @!p0 $0x0, s1;
	[sflag:s0] =	ssyncset.done @!p0 $0x0  }
0x246: {  	[sflag:s0] =	ssyncadd.s32 @!p0 s1  }
0x247: {  	[bflag:$0x3] =	sbarrier.arrive $0xFFFF  }
0x248: {  	_ =	shalt  }

</sc_bundles>
